<compile_context>
chip_gen: v7x
topology: tpu7x:2x2x1
jax: 0.10.2.dev20260603
libtpu: 0.0.44.dev20260713+nightly
codegen_flags: <defaults>
</compile_context>

<pallas_src>
import functools

import jax
import jax.numpy as jnp
from jax import lax
from jax.experimental import pallas as pl
from jax.experimental.pallas import tpu as pltpu
from jax.experimental.pallas import tpu_sc as plsc

N = 10000
E = 320000
D = 128
H0 = 64
H1 = 32
C = 47

NC = 2
NS = 16
NW = NC * NS
EPT = E // NW
CH = 80
NCHUNK = EPT // CH
NPAD = 10240
RPT = NPAD // NS
ZR = 80

NB = 5
BN = N // NB


def _scatter_body(with_deg, h, K, dt, NBANK, p_hbm, edge_hbm, *refs):
    NGROUP = NCHUNK // K
    if with_deg:
        (out_hbm, deg_hbm, src_v, dst_v, rows, zbuf, acc, gsem, ssem,
         ones_v, zbufd, dacc, dsem) = refs
    else:
        out_hbm, src_v, dst_v, rows, zbuf, acc, gsem, ssem = refs
    cid = lax.axis_index("c")
    sid = lax.axis_index("s")
    wid = sid * NC + cid
    lanes = 16 if dt == jnp.float32 else 32

    def _zero_row(r, _):
        for cb in range(h // lanes):
            zbuf[r, pl.ds(cb * lanes, lanes)] = jnp.zeros((lanes,), dt)
        if with_deg:
            zbufd[r, pl.ds(0, 16)] = jnp.zeros((16,), jnp.float32)
            ones_v[r, pl.ds(0, 16)] = jnp.ones((16,), jnp.float32)
        return 0

    lax.fori_loop(0, ZR, _zero_row, 0)
    for i in range(RPT // ZR):
        pltpu.sync_copy(zbuf, acc.at[pl.ds(sid * RPT + i * ZR, ZR)])
        if with_deg:
            pltpu.sync_copy(zbufd, dacc.at[pl.ds(sid * RPT + i * ZR, ZR)])
    plsc.subcore_barrier()

    pltpu.sync_copy(edge_hbm.at[0, wid], src_v)
    pltpu.sync_copy(edge_hbm.at[1, wid], dst_v)

    def _fire_gathers(g, bank):
        for b in range(K):
            pltpu.async_copy(p_hbm.at[src_v.at[g * K + b]],
                             rows.at[bank * K + b], gsem)

    def _drain_gathers(g, bank):
        for b in range(K):
            pltpu.make_async_copy(p_hbm.at[src_v.at[g * K + b]],
                                  rows.at[bank * K + b], gsem).wait()

    def _fire_scatters(g, bank):
        for b in range(K):
            pltpu.async_copy(rows.at[bank * K + b],
                             acc.at[dst_v.at[g * K + b]], ssem, add=True)
            if with_deg:
                pltpu.async_copy(ones_v, dacc.at[dst_v.at[g * K + b]],
                                 dsem, add=True)

    def _drain_scatters(g, bank):
        for b in range(K):
            pltpu.make_async_copy(rows.at[bank * K + b],
                                  acc.at[dst_v.at[g * K + b]], ssem).wait()

    for i in range(NBANK - 1):
        _fire_gathers(i, i)

    def _group(g, _):
        bank = lax.rem(g, NBANK)
        _drain_gathers(g, bank)

        @pl.when(g > 0)
        def _():
            _drain_scatters(g - 1, lax.rem(g - 1, NBANK))

        @pl.when(g + NBANK - 1 < NGROUP)
        def _():
            gn = g + NBANK - 1
            _fire_gathers(gn, lax.rem(gn, NBANK))

        _fire_scatters(g, bank)
        return 0

    lax.fori_loop(0, NGROUP, _group, 0)
    _drain_scatters(NGROUP - 1, (NGROUP - 1) % NBANK)
    if with_deg:
        def _drain_deg(j, _):
            pltpu.make_async_copy(ones_v, dacc.at[dst_v.at[j]], dsem).wait()
            return 0
        lax.fori_loop(0, NCHUNK, _drain_deg, 0)
    plsc.subcore_barrier()

    rsl = pl.ds(sid * RPT, RPT)
    pltpu.sync_copy(acc.at[rsl], out_hbm.at[rsl, pl.ds(cid * h, h)])
    if with_deg:
        pltpu.sync_copy(dacc.at[rsl], deg_hbm.at[rsl, pl.ds(cid * 64, 16)])


def _make_scatter(h, with_deg, K, dt=jnp.float32, NBANK=2):
    mesh = plsc.VectorSubcoreMesh(
        core_axis_name="c", subcore_axis_name="s", num_cores=NC, num_subcores=NS)
    out_type = [jax.ShapeDtypeStruct((NPAD, 128), dt)]
    scratch = [
        pltpu.VMEM((NCHUNK, CH), jnp.int32),
        pltpu.VMEM((NCHUNK, CH), jnp.int32),
        pltpu.VMEM((NBANK * K, CH, h), dt),
        pltpu.VMEM((ZR, h), dt),
        pltpu.VMEM_SHARED((NPAD, h), dt),
        pltpu.SemaphoreType.DMA,
        pltpu.SemaphoreType.DMA,
    ]
    if with_deg:
        out_type.append(jax.ShapeDtypeStruct((NPAD, 128), jnp.float32))
        scratch += [
            pltpu.VMEM((CH, 16), jnp.float32),
            pltpu.VMEM((ZR, 16), jnp.float32),
            pltpu.VMEM_SHARED((NPAD, 16), jnp.float32),
            pltpu.SemaphoreType.DMA,
        ]
    return pl.kernel(
        functools.partial(_scatter_body, with_deg, h, K, dt, NBANK),
        out_type=out_type, mesh=mesh, scratch_types=scratch,
        compiler_params=pltpu.CompilerParams(use_tc_tiling_on_sc=False))


def _proj_body(x_ref, w_ref, o_ref):
    o_ref[...] = jnp.dot(x_ref[...], w_ref[...], preferred_element_type=jnp.float32)


def _inv_deg(degp_ref):
    deg = degp_ref[:, 0:1] + degp_ref[:, 64:65]
    return 1.0 / jnp.maximum(deg, 1.0)


def _layer0_body(feas_ref, part_ref, degp_ref, ws0_ref, wn1_ref,
                 b0_ref, h0_ref, p1_ref):
    inv = _inv_deg(degp_ref)
    agg = (part_ref[:, :H0] + part_ref[:, H0:]) * inv
    h0 = jnp.dot(feas_ref[...], ws0_ref[...], preferred_element_type=jnp.float32)
    h0 = jnp.maximum(h0 + agg + b0_ref[...], 0.0)
    h0_ref[...] = jnp.concatenate(
        [h0, inv, jnp.zeros((BN, 128 - H0 - 1), jnp.float32)], axis=1)
    p1_ref[...] = jnp.dot(h0, wn1_ref[...], preferred_element_type=jnp.float32)


def _layer1_body(h0_ref, part_ref, ws1_ref, wlin_ref,
                 b1_ref, blin_ref, out_ref, h1_ref):
    inv = h0_ref[:, H0:H0 + 1]
    agg = (part_ref[:, :H1] + part_ref[:, H1:2 * H1]) * inv
    h1 = jnp.dot(h0_ref[:, :H0], ws1_ref[...], preferred_element_type=jnp.float32)
    h1 = h1 + agg + b1_ref[...]
    h1_ref[...] = h1
    out_ref[...] = jnp.dot(h1, wlin_ref[...], preferred_element_type=jnp.float32) + blin_ref[...]


def _rows(w):
    return pl.BlockSpec((BN, w), lambda i: (i, 0))


def _whole(shape):
    return pl.BlockSpec(shape, lambda i: (0,) * len(shape))


def kernel(feas, edge_index, W_self0, W_neigh0, b0, W_self1, W_neigh1, b1,
           W_lin, b_lin):
    edge_r = edge_index.astype(jnp.int32).reshape(2, NW, NCHUNK, CH)

    p0 = pl.pallas_call(
        _proj_body,
        out_shape=jax.ShapeDtypeStruct((N, H0), jnp.float32),
    )(feas, W_neigh0)

    part0, degp = _make_scatter(H0, True, 5)(p0, edge_r)

    h0, p1 = pl.pallas_call(
        _layer0_body,
        grid=(NB,),
        in_specs=[_rows(D), _rows(NC * H0), _rows(128), _whole((D, H0)),
                  _whole((H0, H1)), _whole((1, H0))],
        out_specs=[_rows(128), _rows(H1)],
        out_shape=[jax.ShapeDtypeStruct((N, 128), jnp.float32),
                   jax.ShapeDtypeStruct((N, H1), jnp.float32)],
    )(feas, part0, degp, W_self0, W_neigh1, b0.reshape(1, H0))

    (part1,) = _make_scatter(H1, False, 5, NBANK=4)(p1, edge_r)

    out, h1 = pl.pallas_call(
        _layer1_body,
        grid=(NB,),
        in_specs=[_rows(128), _rows(128), _whole((H0, H1)),
                  _whole((H1, C)), _whole((1, H1)), _whole((1, C))],
        out_specs=[_rows(C), _rows(H1)],
        out_shape=[jax.ShapeDtypeStruct((N, C), jnp.float32),
                   jax.ShapeDtypeStruct((N, H1), jnp.float32)],
    )(h0, part1, W_self1, W_lin, b1.reshape(1, H1),
      b_lin.reshape(1, C))

    return (out, h1)

# --- scband reference (transcript-rebuilt; emitter-appended) ---
"""Pipeline reference for scband-graph-sage-10557029613576 (READ-ONLY COPY).

The authoritative reference and input builder live on the scoring server;
editing this copy changes nothing except your own understanding.
"""

import jax, jax.numpy as jnp
import numpy as np

N_NODES = 10000
N_EDGES = 320000
D_FEAT = 128
H0 = 64
H1 = 32
N_CLASSES = 47


def setup_inputs(seed: int = 0) -> dict:
    key = jax.random.key(seed)
    ks = jax.random.split(key, 12)
    feas = jax.random.normal(ks[0], (N_NODES, D_FEAT), dtype=jnp.float32)
    edge_index = jax.random.randint(ks[1], (2, N_EDGES), 0, N_NODES, dtype=jnp.int64)
    # SAGEConv layer 0: 128 -> 64 (mean aggregator: fc_self + fc_neigh + bias)
    W_self0 = jax.random.normal(ks[2], (D_FEAT, H0), dtype=jnp.float32) * (1.0 / np.sqrt(D_FEAT))
    W_neigh0 = jax.random.normal(ks[3], (D_FEAT, H0), dtype=jnp.float32) * (1.0 / np.sqrt(D_FEAT))
    b0 = jnp.zeros((H0,), dtype=jnp.float32)
    # SAGEConv layer 1: 64 -> 32
    W_self1 = jax.random.normal(ks[4], (H0, H1), dtype=jnp.float32) * (1.0 / np.sqrt(H0))
    W_neigh1 = jax.random.normal(ks[5], (H0, H1), dtype=jnp.float32) * (1.0 / np.sqrt(H0))
    b1 = jnp.zeros((H1,), dtype=jnp.float32)
    # final classifier: 32 -> 47
    W_lin = jax.random.normal(ks[6], (H1, N_CLASSES), dtype=jnp.float32) * (1.0 / np.sqrt(H1))
    b_lin = jnp.zeros((N_CLASSES,), dtype=jnp.float32)
    return {
        "feas": feas,
        "edge_index": edge_index,
        "W_self0": W_self0, "W_neigh0": W_neigh0, "b0": b0,
        "W_self1": W_self1, "W_neigh1": W_neigh1, "b1": b1,
        "W_lin": W_lin, "b_lin": b_lin,
    }


def _sage_conv(h, src, dst, n_nodes, W_self, W_neigh, b):
    # mean aggregation of source features onto destination nodes
    msgs = jnp.take(h, src, axis=0)
    agg = jax.ops.segment_sum(msgs, dst, num_segments=n_nodes)
    deg = jax.ops.segment_sum(jnp.ones((src.shape[0],), dtype=h.dtype), dst, num_segments=n_nodes)
    agg = agg / jnp.clip(deg, 1.0, None)[:, None]
    return h @ W_self + agg @ W_neigh + b


def reference(feas, edge_index, W_self0, W_neigh0, b0, W_self1, W_neigh1, b1, W_lin, b_lin):
    src = edge_index[0]
    dst = edge_index[1]
    n = feas.shape[0]
    h = _sage_conv(feas, src, dst, n, W_self0, W_neigh0, b0)
    h = jax.nn.relu(h)
    # dropout is identity in eval/reference mode
    h = _sage_conv(h, src, dst, n, W_self1, W_neigh1, b1)
    h_feature = h
    out = h @ W_lin + b_lin
    return (out, h_feature)

if __name__ == "__main__":
    import jax
    _d = setup_inputs()
    print(jax.jit(kernel)(*tuple(_d.values())))

</pallas_src>

<mosaic_0001>
#map = affine_map<(d0, d1) -> (0, 0)>
#map1 = affine_map<(d0, d1) -> (0, 0, 0, 0)>
module attributes {stable_mosaic.version = 14 : i64} {
  func.func @_scatter_body(%arg0: i32, %arg1: i32, %arg2: memref<10000x64xf32, #tpu.memory_space<hbm>>, %arg3: memref<2x32x125x80xi32, #tpu.memory_space<hbm>>, %arg4: memref<10240x128xf32, #tpu.memory_space<hbm>>, %arg5: memref<10240x128xf32, #tpu.memory_space<hbm>>, %arg6: memref<125x80xi32, #tpu.memory_space<vmem>>, %arg7: memref<125x80xi32, #tpu.memory_space<vmem>>, %arg8: memref<10x80x64xf32, #tpu.memory_space<vmem>>, %arg9: memref<80x64xf32, #tpu.memory_space<vmem>>, %arg10: memref<10240x64xf32, #tpu.memory_space<vmem_shared>>, %arg11: memref<!tpu.dma_semaphore, #tpu.memory_space<semaphore_mem>>, %arg12: memref<!tpu.dma_semaphore, #tpu.memory_space<semaphore_mem>>, %arg13: memref<80x16xf32, #tpu.memory_space<vmem>>, %arg14: memref<80x16xf32, #tpu.memory_space<vmem>>, %arg15: memref<10240x16xf32, #tpu.memory_space<vmem_shared>>, %arg16: memref<!tpu.dma_semaphore, #tpu.memory_space<semaphore_mem>>) attributes {dimension_semantics = [#tpu.dimension_semantics<core_parallel>, #tpu.dimension_semantics<subcore_parallel>], iteration_bounds = array<i64: 2, 16>, scalar_prefetch = 0 : i64, scratch_operands = 11 : i64, tpu.core_type = #tpu.core_type<sc_vector_subcore>, window_params = [{transform_indices = #map}, {transform_indices = #map1}, {transform_indices = #map}, {transform_indices = #map}]} {
    %mul3A = arith.constant 2 : i32
    %mul3A_0 = arith.muli %arg1, %mul3A : i32
    %add3A = arith.addi %mul3A_0, %arg0 : i32
    %scan3A = arith.constant 0 : i32
    %scan3A_1 = arith.constant 0 : i32
    %scan3A_2 = arith.constant 80 : i32
    %scan3A_3 = arith.addi %scan3A_1, %scan3A_2 : i32
    %scan3A_4 = arith.constant 1 : i32
    %scan3A_5 = scf.for %scan3A_211 = %scan3A_1 to %scan3A_3 step %scan3A_4 iter_args(%scan3A_212 = %scan3A) -> (i32)  : i32 {
      %broadcast_in_dim3A = arith.constant 0.000000e+00 : f32
      %broadcast_in_dim3A_213 = vector.broadcast %broadcast_in_dim3A : f32 to vector<16xf32>
      %swap3A = arith.index_cast %scan3A_211 : i32 to index
      %swap3A_214 = arith.constant 0 : index
      %swap3A_215 = tpu.vector_load %arg9[%swap3A, %swap3A_214] {strides = array<i32>} : memref<80x64xf32, #tpu.memory_space<vmem>>, vector<1x16xf32>,
      %swap3A_216 = vector.shape_cast %swap3A_215 : vector<1x16xf32> to vector<16xf32>
      %swap3A_217 = vector.shape_cast %broadcast_in_dim3A_213 : vector<16xf32> to vector<1x16xf32>
      tpu.vector_store %arg9[%swap3A, %swap3A_214], %swap3A_217 {strides = array<i32>} : memref<80x64xf32, #tpu.memory_space<vmem>>, vector<1x16xf32>,
      %broadcast_in_dim3A_218 = arith.constant 0.000000e+00 : f32
      %broadcast_in_dim3A_219 = vector.broadcast %broadcast_in_dim3A_218 : f32 to vector<16xf32>
      %swap3A_220 = arith.index_cast %scan3A_211 : i32 to index
      %swap3A_221 = arith.constant 16 : index
      %swap3A_222 = tpu.vector_load %arg9[%swap3A_220, %swap3A_221] {strides = array<i32>} : memref<80x64xf32, #tpu.memory_space<vmem>>, vector<1x16xf32>,
      %swap3A_223 = vector.shape_cast %swap3A_222 : vector<1x16xf32> to vector<16xf32>
      %swap3A_224 = vector.shape_cast %broadcast_in_dim3A_219 : vector<16xf32> to vector<1x16xf32>
      tpu.vector_store %arg9[%swap3A_220, %swap3A_221], %swap3A_224 {strides = array<i32>} : memref<80x64xf32, #tpu.memory_space<vmem>>, vector<1x16xf32>,
      %broadcast_in_dim3A_225 = arith.constant 0.000000e+00 : f32
      %broadcast_in_dim3A_226 = vector.broadcast %broadcast_in_dim3A_225 : f32 to vector<16xf32>
      %swap3A_227 = arith.index_cast %scan3A_211 : i32 to index
      %swap3A_228 = arith.constant 32 : index
      %swap3A_229 = tpu.vector_load %arg9[%swap3A_227, %swap3A_228] {strides = array<i32>} : memref<80x64xf32, #tpu.memory_space<vmem>>, vector<1x16xf32>,
      %swap3A_230 = vector.shape_cast %swap3A_229 : vector<1x16xf32> to vector<16xf32>
      %swap3A_231 = vector.shape_cast %broadcast_in_dim3A_226 : vector<16xf32> to vector<1x16xf32>
      tpu.vector_store %arg9[%swap3A_227, %swap3A_228], %swap3A_231 {strides = array<i32>} : memref<80x64xf32, #tpu.memory_space<vmem>>, vector<1x16xf32>,
      %broadcast_in_dim3A_232 = arith.constant 0.000000e+00 : f32
      %broadcast_in_dim3A_233 = vector.broadcast %broadcast_in_dim3A_232 : f32 to vector<16xf32>
      %swap3A_234 = arith.index_cast %scan3A_211 : i32 to index
      %swap3A_235 = arith.constant 48 : index
      %swap3A_236 = tpu.vector_load %arg9[%swap3A_234, %swap3A_235] {strides = array<i32>} : memref<80x64xf32, #tpu.memory_space<vmem>>, vector<1x16xf32>,
      %swap3A_237 = vector.shape_cast %swap3A_236 : vector<1x16xf32> to vector<16xf32>
      %swap3A_238 = vector.shape_cast %broadcast_in_dim3A_233 : vector<16xf32> to vector<1x16xf32>
      tpu.vector_store %arg9[%swap3A_234, %swap3A_235], %swap3A_238 {strides = array<i32>} : memref<80x64xf32, #tpu.memory_space<vmem>>, vector<1x16xf32>,
      %broadcast_in_dim3A_239 = arith.constant 0.000000e+00 : f32
      %broadcast_in_dim3A_240 = vector.broadcast %broadcast_in_dim3A_239 : f32 to vector<16xf32>
      %swap3A_241 = arith.index_cast %scan3A_211 : i32 to index
      %swap3A_242 = arith.constant 0 : index
      %swap3A_243 = tpu.vector_load %arg14[%swap3A_241, %swap3A_242] {strides = array<i32>} : memref<80x16xf32, #tpu.memory_space<vmem>>, vector<1x16xf32>,
      %swap3A_244 = vector.shape_cast %swap3A_243 : vector<1x16xf32> to vector<16xf32>
      %swap3A_245 = vector.shape_cast %broadcast_in_dim3A_240 : vector<16xf32> to vector<1x16xf32>
      tpu.vector_store %arg14[%swap3A_241, %swap3A_242], %swap3A_245 {strides = array<i32>} : memref<80x16xf32, #tpu.memory_space<vmem>>, vector<1x16xf32>,
      %broadcast_in_dim3A_246 = arith.constant 1.000000e+00 : f32
      %broadcast_in_dim3A_247 = vector.broadcast %broadcast_in_dim3A_246 : f32 to vector<16xf32>
      %swap3A_248 = arith.index_cast %scan3A_211 : i32 to index
      %swap3A_249 = arith.constant 0 : index
      %swap3A_250 = tpu.vector_load %arg13[%swap3A_248, %swap3A_249] {strides = array<i32>} : memref<80x16xf32, #tpu.memory_space<vmem>>, vector<1x16xf32>,
      %swap3A_251 = vector.shape_cast %swap3A_250 : vector<1x16xf32> to vector<16xf32>
      %swap3A_252 = vector.shape_cast %broadcast_in_dim3A_247 : vector<16xf32> to vector<1x16xf32>
      tpu.vector_store %arg13[%swap3A_248, %swap3A_249], %swap3A_252 {strides = array<i32>} : memref<80x16xf32, #tpu.memory_space<vmem>>, vector<1x16xf32>,
      %scan3A_253 = arith.constant 0 : i32
      scf.yield %scan3A_253 : i32
    }
    %scan3A_6 = arith.constant 80 : i32
    %mul3A_7 = arith.constant 640 : i32
    %mul3A_8 = arith.muli %arg1, %mul3A_7 : i32
    %add3A_9 = arith.constant 0 : i32
    %add3A_10 = arith.addi %mul3A_8, %add3A_9 : i32
    "tpu.region"() ({
      %run_scoped3A_211 = tpu.sem_alloc : memref<!tpu.dma_semaphore, #tpu.memory_space<semaphore_mem>>
      %dma_start3A_212 = arith.constant 0 : i32
      %dma_start3A_213 = tpu.memref_slice %arg10[%add3A_10, %dma_start3A_212] : memref<10240x64xf32, #tpu.memory_space<vmem_shared>> -> memref<80x64xf32, #tpu.memory_space<vmem_shared>>
      %dma_start3A_214 = arith.constant 0 : i32
      %dma_start3A_215 = tpu.memref_slice %arg10[%add3A_10, %dma_start3A_214] : memref<10240x64xf32, #tpu.memory_space<vmem_shared>> -> memref<80x64xf32, #tpu.memory_space<vmem_shared>>
      tpu.enqueue_dma source(%arg9 : memref<80x64xf32, #tpu.memory_space<vmem>>) target(%dma_start3A_215 : memref<80x64xf32, #tpu.memory_space<vmem_shared>>) target_semaphore(%run_scoped3A_211 : memref<!tpu.dma_semaphore, #tpu.memory_space<semaphore_mem>>)
      %dma_wait3A_216 = arith.constant 0 : i32
      %dma_wait3A_217 = tpu.memref_slice %arg10[%add3A_10, %dma_wait3A_216] : memref<10240x64xf32, #tpu.memory_space<vmem_shared>> -> memref<80x64xf32, #tpu.memory_space<vmem_shared>>
      %dma_wait3A_218 = arith.constant 0 : i32
      %dma_wait3A_219 = tpu.memref_slice %arg10[%add3A_10, %dma_wait3A_218] : memref<10240x64xf32, #tpu.memory_space<vmem_shared>> -> memref<80x64xf32, #tpu.memory_space<vmem_shared>>
      tpu.wait_dma2 semaphore(%run_scoped3A_211 : memref<!tpu.dma_semaphore, #tpu.memory_space<semaphore_mem>>) src(%arg9 : memref<80x64xf32, #tpu.memory_space<vmem>>) dst(%dma_wait3A_219 : memref<80x64xf32, #tpu.memory_space<vmem_shared>>)
      tpu.yield
    }) : () -> ()
    %mul3A_11 = arith.constant 640 : i32
    %mul3A_12 = arith.muli %arg1, %mul3A_11 : i32
    %add3A_13 = arith.constant 0 : i32
    %add3A_14 = arith.addi %mul3A_12, %add3A_13 : i32
    "tpu.region"() ({
      %run_scoped3A_211 = tpu.sem_alloc : memref<!tpu.dma_semaphore, #tpu.memory_space<semaphore_mem>>
      %dma_start3A_212 = arith.constant 0 : i32
      %dma_start3A_213 = tpu.memref_slice %arg15[%add3A_14, %dma_start3A_212] : memref<10240x16xf32, #tpu.memory_space<vmem_shared>> -> memref<80x16xf32, #tpu.memory_space<vmem_shared>>
      %dma_start3A_214 = arith.constant 0 : i32
      %dma_start3A_215 = tpu.memref_slice %arg15[%add3A_14, %dma_start3A_214] : memref<10240x16xf32, #tpu.memory_space<vmem_shared>> -> memref<80x16xf32, #tpu.memory_space<vmem_shared>>
      tpu.enqueue_dma source(%arg14 : memref<80x16xf32, #tpu.memory_space<vmem>>) target(%dma_start3A_215 : memref<80x16xf32, #tpu.memory_space<vmem_shared>>) target_semaphore(%run_scoped3A_211 : memref<!tpu.dma_semaphore, #tpu.memory_space<semaphore_mem>>)
      %dma_wait3A_216 = arith.constant 0 : i32
      %dma_wait3A_217 = tpu.memref_slice %arg15[%add3A_14, %dma_wait3A_216] : memref<10240x16xf32, #tpu.memory_space<vmem_shared>> -> memref<80x16xf32, #tpu.memory_space<vmem_shared>>
      %dma_wait3A_218 = arith.constant 0 : i32
      %dma_wait3A_219 = tpu.memref_slice %arg15[%add3A_14, %dma_wait3A_218] : memref<10240x16xf32, #tpu.memory_space<vmem_shared>> -> memref<80x16xf32, #tpu.memory_space<vmem_shared>>
      tpu.wait_dma2 semaphore(%run_scoped3A_211 : memref<!tpu.dma_semaphore, #tpu.memory_space<semaphore_mem>>) src(%arg14 : memref<80x16xf32, #tpu.memory_space<vmem>>) dst(%dma_wait3A_219 : memref<80x16xf32, #tpu.memory_space<vmem_shared>>)
      tpu.yield
    }) : () -> ()
    %mul3A_15 = arith.constant 640 : i32
    %mul3A_16 = arith.muli %arg1, %mul3A_15 : i32
    %add3A_17 = arith.constant 80 : i32
    %add3A_18 = arith.addi %mul3A_16, %add3A_17 : i32
    "tpu.region"() ({
      %run_scoped3A_211 = tpu.sem_alloc : memref<!tpu.dma_semaphore, #tpu.memory_space<semaphore_mem>>
      %dma_start3A_212 = arith.constant 0 : i32
      %dma_start3A_213 = tpu.memref_slice %arg10[%add3A_18, %dma_start3A_212] : memref<10240x64xf32, #tpu.memory_space<vmem_shared>> -> memref<80x64xf32, #tpu.memory_space<vmem_shared>>
      %dma_start3A_214 = arith.constant 0 : i32
      %dma_start3A_215 = tpu.memref_slice %arg10[%add3A_18, %dma_start3A_214] : memref<10240x64xf32, #tpu.memory_space<vmem_shared>> -> memref<80x64xf32, #tpu.memory_space<vmem_shared>>
      tpu.enqueue_dma source(%arg9 : memref<80x64xf32, #tpu.memory_space<vmem>>) target(%dma_start3A_215 : memref<80x64xf32, #tpu.memory_space<vmem_shared>>) target_semaphore(%run_scoped3A_211 : memref<!tpu.dma_semaphore, #tpu.memory_space<semaphore_mem>>)
      %dma_wait3A_216 = arith.constant 0 : i32
      %dma_wait3A_217 = tpu.memref_slice %arg10[%add3A_18, %dma_wait3A_216] : memref<10240x64xf32, #tpu.memory_space<vmem_shared>> -> memref<80x64xf32, #tpu.memory_space<vmem_shared>>
      %dma_wait3A_218 = arith.constant 0 : i32
      %dma_wait3A_219 = tpu.memref_slice %arg10[%add3A_18, %dma_wait3A_218] : memref<10240x64xf32, #tpu.memory_space<vmem_shared>> -> memref<80x64xf32, #tpu.memory_space<vmem_shared>>
      tpu.wait_dma2 semaphore(%run_scoped3A_211 : memref<!tpu.dma_semaphore, #tpu.memory_space<semaphore_mem>>) src(%arg9 : memref<80x64xf32, #tpu.memory_space<vmem>>) dst(%dma_wait3A_219 : memref<80x64xf32, #tpu.memory_space<vmem_shared>>)
      tpu.yield
    }) : () -> ()
    %mul3A_19 = arith.constant 640 : i32
    %mul3A_20 = arith.muli %arg1, %mul3A_19 : i32
    %add3A_21 = arith.constant 80 : i32
    %add3A_22 = arith.addi %mul3A_20, %add3A_21 : i32
    "tpu.region"() ({
      %run_scoped3A_211 = tpu.sem_alloc : memref<!tpu.dma_semaphore, #tpu.memory_space<semaphore_mem>>
      %dma_start3A_212 = arith.constant 0 : i32
      %dma_start3A_213 = tpu.memref_slice %arg15[%add3A_22, %dma_start3A_212] : memref<10240x16xf32, #tpu.memory_space<vmem_shared>> -> memref<80x16xf32, #tpu.memory_space<vmem_shared>>
      %dma_start3A_214 = arith.constant 0 : i32
      %dma_start3A_215 = tpu.memref_slice %arg15[%add3A_22, %dma_start3A_214] : memref<10240x16xf32, #tpu.memory_space<vmem_shared>> -> memref<80x16xf32, #tpu.memory_space<vmem_shared>>
      tpu.enqueue_dma source(%arg14 : memref<80x16xf32, #tpu.memory_space<vmem>>) target(%dma_start3A_215 : memref<80x16xf32, #tpu.memory_space<vmem_shared>>) target_semaphore(%run_scoped3A_211 : memref<!tpu.dma_semaphore, #tpu.memory_space<semaphore_mem>>)
      %dma_wait3A_216 = arith.constant 0 : i32
      %dma_wait3A_217 = tpu.memref_slice %arg15[%add3A_22, %dma_wait3A_216] : memref<10240x16xf32, #tpu.memory_space<vmem_shared>> -> memref<80x16xf32, #tpu.memory_space<vmem_shared>>
      %dma_wait3A_218 = arith.constant 0 : i32
      %dma_wait3A_219 = tpu.memref_slice %arg15[%add3A_22, %dma_wait3A_218] : memref<10240x16xf32, #tpu.memory_space<vmem_shared>> -> memref<80x16xf32, #tpu.memory_space<vmem_shared>>
      tpu.wait_dma2 semaphore(%run_scoped3A_211 : memref<!tpu.dma_semaphore, #tpu.memory_space<semaphore_mem>>) src(%arg14 : memref<80x16xf32, #tpu.memory_space<vmem>>) dst(%dma_wait3A_219 : memref<80x16xf32, #tpu.memory_space<vmem_shared>>)
      tpu.yield
    }) : () -> ()
    %mul3A_23 = arith.constant 640 : i32
    %mul3A_24 = arith.muli %arg1, %mul3A_23 : i32
    %add3A_25 = arith.constant 160 : i32
    %add3A_26 = arith.addi %mul3A_24, %add3A_25 : i32
    "tpu.region"() ({
      %run_scoped3A_211 = tpu.sem_alloc : memref<!tpu.dma_semaphore, #tpu.memory_space<semaphore_mem>>
      %dma_start3A_212 = arith.constant 0 : i32
      %dma_start3A_213 = tpu.memref_slice %arg10[%add3A_26, %dma_start3A_212] : memref<10240x64xf32, #tpu.memory_space<vmem_shared>> -> memref<80x64xf32, #tpu.memory_space<vmem_shared>>
      %dma_start3A_214 = arith.constant 0 : i32
      %dma_start3A_215 = tpu.memref_slice %arg10[%add3A_26, %dma_start3A_214] : memref<10240x64xf32, #tpu.memory_space<vmem_shared>> -> memref<80x64xf32, #tpu.memory_space<vmem_shared>>
      tpu.enqueue_dma source(%arg9 : memref<80x64xf32, #tpu.memory_space<vmem>>) target(%dma_start3A_215 : memref<80x64xf32, #tpu.memory_space<vmem_shared>>) target_semaphore(%run_scoped3A_211 : memref<!tpu.dma_semaphore, #tpu.memory_space<semaphore_mem>>)
      %dma_wait3A_216 = arith.constant 0 : i32
      %dma_wait3A_217 = tpu.memref_slice %arg10[%add3A_26, %dma_wait3A_216] : memref<10240x64xf32, #tpu.memory_space<vmem_shared>> -> memref<80x64xf32, #tpu.memory_space<vmem_shared>>
      %dma_wait3A_218 = arith.constant 0 : i32
      %dma_wait3A_219 = tpu.memref_slice %arg10[%add3A_26, %dma_wait3A_218] : memref<10240x64xf32, #tpu.memory_space<vmem_shared>> -> memref<80x64xf32, #tpu.memory_space<vmem_shared>>
      tpu.wait_dma2 semaphore(%run_scoped3A_211 : memref<!tpu.dma_semaphore, #tpu.memory_space<semaphore_mem>>) src(%arg9 : memref<80x64xf32, #tpu.memory_space<vmem>>) dst(%dma_wait3A_219 : memref<80x64xf32, #tpu.memory_space<vmem_shared>>)
      tpu.yield
    }) : () -> ()
    %mul3A_27 = arith.constant 640 : i32
    %mul3A_28 = arith.muli %arg1, %mul3A_27 : i32
    %add3A_29 = arith.constant 160 : i32
    %add3A_30 = arith.addi %mul3A_28, %add3A_29 : i32
    "tpu.region"() ({
      %run_scoped3A_211 = tpu.sem_alloc : memref<!tpu.dma_semaphore, #tpu.memory_space<semaphore_mem>>
      %dma_start3A_212 = arith.constant 0 : i32
      %dma_start3A_213 = tpu.memref_slice %arg15[%add3A_30, %dma_start3A_212] : memref<10240x16xf32, #tpu.memory_space<vmem_shared>> -> memref<80x16xf32, #tpu.memory_space<vmem_shared>>
      %dma_start3A_214 = arith.constant 0 : i32
      %dma_start3A_215 = tpu.memref_slice %arg15[%add3A_30, %dma_start3A_214] : memref<10240x16xf32, #tpu.memory_space<vmem_shared>> -> memref<80x16xf32, #tpu.memory_space<vmem_shared>>
      tpu.enqueue_dma source(%arg14 : memref<80x16xf32, #tpu.memory_space<vmem>>) target(%dma_start3A_215 : memref<80x16xf32, #tpu.memory_space<vmem_shared>>) target_semaphore(%run_scoped3A_211 : memref<!tpu.dma_semaphore, #tpu.memory_space<semaphore_mem>>)
      %dma_wait3A_216 = arith.constant 0 : i32
      %dma_wait3A_217 = tpu.memref_slice %arg15[%add3A_30, %dma_wait3A_216] : memref<10240x16xf32, #tpu.memory_space<vmem_shared>> -> memref<80x16xf32, #tpu.memory_space<vmem_shared>>
      %dma_wait3A_218 = arith.constant 0 : i32
      %dma_wait3A_219 = tpu.memref_slice %arg15[%add3A_30, %dma_wait3A_218] : memref<10240x16xf32, #tpu.memory_space<vmem_shared>> -> memref<80x16xf32, #tpu.memory_space<vmem_shared>>
      tpu.wait_dma2 semaphore(%run_scoped3A_211 : memref<!tpu.dma_semaphore, #tpu.memory_space<semaphore_mem>>) src(%arg14 : memref<80x16xf32, #tpu.memory_space<vmem>>) dst(%dma_wait3A_219 : memref<80x16xf32, #tpu.memory_space<vmem_shared>>)
      tpu.yield
    }) : () -> ()
    %mul3A_31 = arith.constant 640 : i32
    %mul3A_32 = arith.muli %arg1, %mul3A_31 : i32
    %add3A_33 = arith.constant 240 : i32
    %add3A_34 = arith.addi %mul3A_32, %add3A_33 : i32
    "tpu.region"() ({
      %run_scoped3A_211 = tpu.sem_alloc : memref<!tpu.dma_semaphore, #tpu.memory_space<semaphore_mem>>
      %dma_start3A_212 = arith.constant 0 : i32
      %dma_start3A_213 = tpu.memref_slice %arg10[%add3A_34, %dma_start3A_212] : memref<10240x64xf32, #tpu.memory_space<vmem_shared>> -> memref<80x64xf32, #tpu.memory_space<vmem_shared>>
      %dma_start3A_214 = arith.constant 0 : i32
      %dma_start3A_215 = tpu.memref_slice %arg10[%add3A_34, %dma_start3A_214] : memref<10240x64xf32, #tpu.memory_space<vmem_shared>> -> memref<80x64xf32, #tpu.memory_space<vmem_shared>>
      tpu.enqueue_dma source(%arg9 : memref<80x64xf32, #tpu.memory_space<vmem>>) target(%dma_start3A_215 : memref<80x64xf32, #tpu.memory_space<vmem_shared>>) target_semaphore(%run_scoped3A_211 : memref<!tpu.dma_semaphore, #tpu.memory_space<semaphore_mem>>)
      %dma_wait3A_216 = arith.constant 0 : i32
      %dma_wait3A_217 = tpu.memref_slice %arg10[%add3A_34, %dma_wait3A_216] : memref<10240x64xf32, #tpu.memory_space<vmem_shared>> -> memref<80x64xf32, #tpu.memory_space<vmem_shared>>
      %dma_wait3A_218 = arith.constant 0 : i32
      %dma_wait3A_219 = tpu.memref_slice %arg10[%add3A_34, %dma_wait3A_218] : memref<10240x64xf32, #tpu.memory_space<vmem_shared>> -> memref<80x64xf32, #tpu.memory_space<vmem_shared>>
      tpu.wait_dma2 semaphore(%run_scoped3A_211 : memref<!tpu.dma_semaphore, #tpu.memory_space<semaphore_mem>>) src(%arg9 : memref<80x64xf32, #tpu.memory_space<vmem>>) dst(%dma_wait3A_219 : memref<80x64xf32, #tpu.memory_space<vmem_shared>>)
      tpu.yield
    }) : () -> ()
    %mul3A_35 = arith.constant 640 : i32
    %mul3A_36 = arith.muli %arg1, %mul3A_35 : i32
    %add3A_37 = arith.constant 240 : i32
    %add3A_38 = arith.addi %mul3A_36, %add3A_37 : i32
    "tpu.region"() ({
      %run_scoped3A_211 = tpu.sem_alloc : memref<!tpu.dma_semaphore, #tpu.memory_space<semaphore_mem>>
      %dma_start3A_212 = arith.constant 0 : i32
      %dma_start3A_213 = tpu.memref_slice %arg15[%add3A_38, %dma_start3A_212] : memref<10240x16xf32, #tpu.memory_space<vmem_shared>> -> memref<80x16xf32, #tpu.memory_space<vmem_shared>>
      %dma_start3A_214 = arith.constant 0 : i32
      %dma_start3A_215 = tpu.memref_slice %arg15[%add3A_38, %dma_start3A_214] : memref<10240x16xf32, #tpu.memory_space<vmem_shared>> -> memref<80x16xf32, #tpu.memory_space<vmem_shared>>
      tpu.enqueue_dma source(%arg14 : memref<80x16xf32, #tpu.memory_space<vmem>>) target(%dma_start3A_215 : memref<80x16xf32, #tpu.memory_space<vmem_shared>>) target_semaphore(%run_scoped3A_211 : memref<!tpu.dma_semaphore, #tpu.memory_space<semaphore_mem>>)
      %dma_wait3A_216 = arith.constant 0 : i32
      %dma_wait3A_217 = tpu.memref_slice %arg15[%add3A_38, %dma_wait3A_216] : memref<10240x16xf32, #tpu.memory_space<vmem_shared>> -> memref<80x16xf32, #tpu.memory_space<vmem_shared>>
      %dma_wait3A_218 = arith.constant 0 : i32
      %dma_wait3A_219 = tpu.memref_slice %arg15[%add3A_38, %dma_wait3A_218] : memref<10240x16xf32, #tpu.memory_space<vmem_shared>> -> memref<80x16xf32, #tpu.memory_space<vmem_shared>>
      tpu.wait_dma2 semaphore(%run_scoped3A_211 : memref<!tpu.dma_semaphore, #tpu.memory_space<semaphore_mem>>) src(%arg14 : memref<80x16xf32, #tpu.memory_space<vmem>>) dst(%dma_wait3A_219 : memref<80x16xf32, #tpu.memory_space<vmem_shared>>)
      tpu.yield
    }) : () -> ()
    %mul3A_39 = arith.constant 640 : i32
    %mul3A_40 = arith.muli %arg1, %mul3A_39 : i32
    %add3A_41 = arith.constant 320 : i32
    %add3A_42 = arith.addi %mul3A_40, %add3A_41 : i32
    "tpu.region"() ({
      %run_scoped3A_211 = tpu.sem_alloc : memref<!tpu.dma_semaphore, #tpu.memory_space<semaphore_mem>>
      %dma_start3A_212 = arith.constant 0 : i32
      %dma_start3A_213 = tpu.memref_slice %arg10[%add3A_42, %dma_start3A_212] : memref<10240x64xf32, #tpu.memory_space<vmem_shared>> -> memref<80x64xf32, #tpu.memory_space<vmem_shared>>
      %dma_start3A_214 = arith.constant 0 : i32
      %dma_start3A_215 = tpu.memref_slice %arg10[%add3A_42, %dma_start3A_214] : memref<10240x64xf32, #tpu.memory_space<vmem_shared>> -> memref<80x64xf32, #tpu.memory_space<vmem_shared>>
      tpu.enqueue_dma source(%arg9 : memref<80x64xf32, #tpu.memory_space<vmem>>) target(%dma_start3A_215 : memref<80x64xf32, #tpu.memory_space<vmem_shared>>) target_semaphore(%run_scoped3A_211 : memref<!tpu.dma_semaphore, #tpu.memory_space<semaphore_mem>>)
      %dma_wait3A_216 = arith.constant 0 : i32
      %dma_wait3A_217 = tpu.memref_slice %arg10[%add3A_42, %dma_wait3A_216] : memref<10240x64xf32, #tpu.memory_space<vmem_shared>> -> memref<80x64xf32, #tpu.memory_space<vmem_shared>>
      %dma_wait3A_218 = arith.constant 0 : i32
      %dma_wait3A_219 = tpu.memref_slice %arg10[%add3A_42, %dma_wait3A_218] : memref<10240x64xf32, #tpu.memory_space<vmem_shared>> -> memref<80x64xf32, #tpu.memory_space<vmem_shared>>
      tpu.wait_dma2 semaphore(%run_scoped3A_211 : memref<!tpu.dma_semaphore, #tpu.memory_space<semaphore_mem>>) src(%arg9 : memref<80x64xf32, #tpu.memory_space<vmem>>) dst(%dma_wait3A_219 : memref<80x64xf32, #tpu.memory_space<vmem_shared>>)
      tpu.yield
    }) : () -> ()
    %mul3A_43 = arith.constant 640 : i32
    %mul3A_44 = arith.muli %arg1, %mul3A_43 : i32
    %add3A_45 = arith.constant 320 : i32
    %add3A_46 = arith.addi %mul3A_44, %add3A_45 : i32
    "tpu.region"() ({
      %run_scoped3A_211 = tpu.sem_alloc : memref<!tpu.dma_semaphore, #tpu.memory_space<semaphore_mem>>
      %dma_start3A_212 = arith.constant 0 : i32
      %dma_start3A_213 = tpu.memref_slice %arg15[%add3A_46, %dma_start3A_212] : memref<10240x16xf32, #tpu.memory_space<vmem_shared>> -> memref<80x16xf32, #tpu.memory_space<vmem_shared>>
      %dma_start3A_214 = arith.constant 0 : i32
      %dma_start3A_215 = tpu.memref_slice %arg15[%add3A_46, %dma_start3A_214] : memref<10240x16xf32, #tpu.memory_space<vmem_shared>> -> memref<80x16xf32, #tpu.memory_space<vmem_shared>>
      tpu.enqueue_dma source(%arg14 : memref<80x16xf32, #tpu.memory_space<vmem>>) target(%dma_start3A_215 : memref<80x16xf32, #tpu.memory_space<vmem_shared>>) target_semaphore(%run_scoped3A_211 : memref<!tpu.dma_semaphore, #tpu.memory_space<semaphore_mem>>)
      %dma_wait3A_216 = arith.constant 0 : i32
      %dma_wait3A_217 = tpu.memref_slice %arg15[%add3A_46, %dma_wait3A_216] : memref<10240x16xf32, #tpu.memory_space<vmem_shared>> -> memref<80x16xf32, #tpu.memory_space<vmem_shared>>
      %dma_wait3A_218 = arith.constant 0 : i32
      %dma_wait3A_219 = tpu.memref_slice %arg15[%add3A_46, %dma_wait3A_218] : memref<10240x16xf32, #tpu.memory_space<vmem_shared>> -> memref<80x16xf32, #tpu.memory_space<vmem_shared>>
      tpu.wait_dma2 semaphore(%run_scoped3A_211 : memref<!tpu.dma_semaphore, #tpu.memory_space<semaphore_mem>>) src(%arg14 : memref<80x16xf32, #tpu.memory_space<vmem>>) dst(%dma_wait3A_219 : memref<80x16xf32, #tpu.memory_space<vmem_shared>>)
      tpu.yield
    }) : () -> ()
    %mul3A_47 = arith.constant 640 : i32
    %mul3A_48 = arith.muli %arg1, %mul3A_47 : i32
    %add3A_49 = arith.constant 400 : i32
    %add3A_50 = arith.addi %mul3A_48, %add3A_49 : i32
    "tpu.region"() ({
      %run_scoped3A_211 = tpu.sem_alloc : memref<!tpu.dma_semaphore, #tpu.memory_space<semaphore_mem>>
      %dma_start3A_212 = arith.constant 0 : i32
      %dma_start3A_213 = tpu.memref_slice %arg10[%add3A_50, %dma_start3A_212] : memref<10240x64xf32, #tpu.memory_space<vmem_shared>> -> memref<80x64xf32, #tpu.memory_space<vmem_shared>>
      %dma_start3A_214 = arith.constant 0 : i32
      %dma_start3A_215 = tpu.memref_slice %arg10[%add3A_50, %dma_start3A_214] : memref<10240x64xf32, #tpu.memory_space<vmem_shared>> -> memref<80x64xf32, #tpu.memory_space<vmem_shared>>
      tpu.enqueue_dma source(%arg9 : memref<80x64xf32, #tpu.memory_space<vmem>>) target(%dma_start3A_215 : memref<80x64xf32, #tpu.memory_space<vmem_shared>>) target_semaphore(%run_scoped3A_211 : memref<!tpu.dma_semaphore, #tpu.memory_space<semaphore_mem>>)
      %dma_wait3A_216 = arith.constant 0 : i32
      %dma_wait3A_217 = tpu.memref_slice %arg10[%add3A_50, %dma_wait3A_216] : memref<10240x64xf32, #tpu.memory_space<vmem_shared>> -> memref<80x64xf32, #tpu.memory_space<vmem_shared>>
      %dma_wait3A_218 = arith.constant 0 : i32
      %dma_wait3A_219 = tpu.memref_slice %arg10[%add3A_50, %dma_wait3A_218] : memref<10240x64xf32, #tpu.memory_space<vmem_shared>> -> memref<80x64xf32, #tpu.memory_space<vmem_shared>>
      tpu.wait_dma2 semaphore(%run_scoped3A_211 : memref<!tpu.dma_semaphore, #tpu.memory_space<semaphore_mem>>) src(%arg9 : memref<80x64xf32, #tpu.memory_space<vmem>>) dst(%dma_wait3A_219 : memref<80x64xf32, #tpu.memory_space<vmem_shared>>)
      tpu.yield
    }) : () -> ()
    %mul3A_51 = arith.constant 640 : i32
    %mul3A_52 = arith.muli %arg1, %mul3A_51 : i32
    %add3A_53 = arith.constant 400 : i32
    %add3A_54 = arith.addi %mul3A_52, %add3A_53 : i32
    "tpu.region"() ({
      %run_scoped3A_211 = tpu.sem_alloc : memref<!tpu.dma_semaphore, #tpu.memory_space<semaphore_mem>>
      %dma_start3A_212 = arith.constant 0 : i32
      %dma_start3A_213 = tpu.memref_slice %arg15[%add3A_54, %dma_start3A_212] : memref<10240x16xf32, #tpu.memory_space<vmem_shared>> -> memref<80x16xf32, #tpu.memory_space<vmem_shared>>
      %dma_start3A_214 = arith.constant 0 : i32
      %dma_start3A_215 = tpu.memref_slice %arg15[%add3A_54, %dma_start3A_214] : memref<10240x16xf32, #tpu.memory_space<vmem_shared>> -> memref<80x16xf32, #tpu.memory_space<vmem_shared>>
      tpu.enqueue_dma source(%arg14 : memref<80x16xf32, #tpu.memory_space<vmem>>) target(%dma_start3A_215 : memref<80x16xf32, #tpu.memory_space<vmem_shared>>) target_semaphore(%run_scoped3A_211 : memref<!tpu.dma_semaphore, #tpu.memory_space<semaphore_mem>>)
      %dma_wait3A_216 = arith.constant 0 : i32
      %dma_wait3A_217 = tpu.memref_slice %arg15[%add3A_54, %dma_wait3A_216] : memref<10240x16xf32, #tpu.memory_space<vmem_shared>> -> memref<80x16xf32, #tpu.memory_space<vmem_shared>>
      %dma_wait3A_218 = arith.constant 0 : i32
      %dma_wait3A_219 = tpu.memref_slice %arg15[%add3A_54, %dma_wait3A_218] : memref<10240x16xf32, #tpu.memory_space<vmem_shared>> -> memref<80x16xf32, #tpu.memory_space<vmem_shared>>
      tpu.wait_dma2 semaphore(%run_scoped3A_211 : memref<!tpu.dma_semaphore, #tpu.memory_space<semaphore_mem>>) src(%arg14 : memref<80x16xf32, #tpu.memory_space<vmem>>) dst(%dma_wait3A_219 : memref<80x16xf32, #tpu.memory_space<vmem_shared>>)
      tpu.yield
    }) : () -> ()
    %mul3A_55 = arith.constant 640 : i32
    %mul3A_56 = arith.muli %arg1, %mul3A_55 : i32
    %add3A_57 = arith.constant 480 : i32
    %add3A_58 = arith.addi %mul3A_56, %add3A_57 : i32
    "tpu.region"() ({
      %run_scoped3A_211 = tpu.sem_alloc : memref<!tpu.dma_semaphore, #tpu.memory_space<semaphore_mem>>
      %dma_start3A_212 = arith.constant 0 : i32
      %dma_start3A_213 = tpu.memref_slice %arg10[%add3A_58, %dma_start3A_212] : memref<10240x64xf32, #tpu.memory_space<vmem_shared>> -> memref<80x64xf32, #tpu.memory_space<vmem_shared>>
      %dma_start3A_214 = arith.constant 0 : i32
      %dma_start3A_215 = tpu.memref_slice %arg10[%add3A_58, %dma_start3A_214] : memref<10240x64xf32, #tpu.memory_space<vmem_shared>> -> memref<80x64xf32, #tpu.memory_space<vmem_shared>>
      tpu.enqueue_dma source(%arg9 : memref<80x64xf32, #tpu.memory_space<vmem>>) target(%dma_start3A_215 : memref<80x64xf32, #tpu.memory_space<vmem_shared>>) target_semaphore(%run_scoped3A_211 : memref<!tpu.dma_semaphore, #tpu.memory_space<semaphore_mem>>)
      %dma_wait3A_216 = arith.constant 0 : i32
      %dma_wait3A_217 = tpu.memref_slice %arg10[%add3A_58, %dma_wait3A_216] : memref<10240x64xf32, #tpu.memory_space<vmem_shared>> -> memref<80x64xf32, #tpu.memory_space<vmem_shared>>
      %dma_wait3A_218 = arith.constant 0 : i32
      %dma_wait3A_219 = tpu.memref_slice %arg10[%add3A_58, %dma_wait3A_218] : memref<10240x64xf32, #tpu.memory_space<vmem_shared>> -> memref<80x64xf32, #tpu.memory_space<vmem_shared>>
      tpu.wait_dma2 semaphore(%run_scoped3A_211 : memref<!tpu.dma_semaphore, #tpu.memory_space<semaphore_mem>>) src(%arg9 : memref<80x64xf32, #tpu.memory_space<vmem>>) dst(%dma_wait3A_219 : memref<80x64xf32, #tpu.memory_space<vmem_shared>>)
      tpu.yield
    }) : () -> ()
    %mul3A_59 = arith.constant 640 : i32
    %mul3A_60 = arith.muli %arg1, %mul3A_59 : i32
    %add3A_61 = arith.constant 480 : i32
    %add3A_62 = arith.addi %mul3A_60, %add3A_61 : i32
    "tpu.region"() ({
      %run_scoped3A_211 = tpu.sem_alloc : memref<!tpu.dma_semaphore, #tpu.memory_space<semaphore_mem>>
      %dma_start3A_212 = arith.constant 0 : i32
      %dma_start3A_213 = tpu.memref_slice %arg15[%add3A_62, %dma_start3A_212] : memref<10240x16xf32, #tpu.memory_space<vmem_shared>> -> memref<80x16xf32, #tpu.memory_space<vmem_shared>>
      %dma_start3A_214 = arith.constant 0 : i32
      %dma_start3A_215 = tpu.memref_slice %arg15[%add3A_62, %dma_start3A_214] : memref<10240x16xf32, #tpu.memory_space<vmem_shared>> -> memref<80x16xf32, #tpu.memory_space<vmem_shared>>
      tpu.enqueue_dma source(%arg14 : memref<80x16xf32, #tpu.memory_space<vmem>>) target(%dma_start3A_215 : memref<80x16xf32, #tpu.memory_space<vmem_shared>>) target_semaphore(%run_scoped3A_211 : memref<!tpu.dma_semaphore, #tpu.memory_space<semaphore_mem>>)
      %dma_wait3A_216 = arith.constant 0 : i32
      %dma_wait3A_217 = tpu.memref_slice %arg15[%add3A_62, %dma_wait3A_216] : memref<10240x16xf32, #tpu.memory_space<vmem_shared>> -> memref<80x16xf32, #tpu.memory_space<vmem_shared>>
      %dma_wait3A_218 = arith.constant 0 : i32
      %dma_wait3A_219 = tpu.memref_slice %arg15[%add3A_62, %dma_wait3A_218] : memref<10240x16xf32, #tpu.memory_space<vmem_shared>> -> memref<80x16xf32, #tpu.memory_space<vmem_shared>>
      tpu.wait_dma2 semaphore(%run_scoped3A_211 : memref<!tpu.dma_semaphore, #tpu.memory_space<semaphore_mem>>) src(%arg14 : memref<80x16xf32, #tpu.memory_space<vmem>>) dst(%dma_wait3A_219 : memref<80x16xf32, #tpu.memory_space<vmem_shared>>)
      tpu.yield
    }) : () -> ()
    %mul3A_63 = arith.constant 640 : i32
    %mul3A_64 = arith.muli %arg1, %mul3A_63 : i32
    %add3A_65 = arith.constant 560 : i32
    %add3A_66 = arith.addi %mul3A_64, %add3A_65 : i32
    "tpu.region"() ({
      %run_scoped3A_211 = tpu.sem_alloc : memref<!tpu.dma_semaphore, #tpu.memory_space<semaphore_mem>>
      %dma_start3A_212 = arith.constant 0 : i32
      %dma_start3A_213 = tpu.memref_slice %arg10[%add3A_66, %dma_start3A_212] : memref<10240x64xf32, #tpu.memory_space<vmem_shared>> -> memref<80x64xf32, #tpu.memory_space<vmem_shared>>
      %dma_start3A_214 = arith.constant 0 : i32
      %dma_start3A_215 = tpu.memref_slice %arg10[%add3A_66, %dma_start3A_214] : memref<10240x64xf32, #tpu.memory_space<vmem_shared>> -> memref<80x64xf32, #tpu.memory_space<vmem_shared>>
      tpu.enqueue_dma source(%arg9 : memref<80x64xf32, #tpu.memory_space<vmem>>) target(%dma_start3A_215 : memref<80x64xf32, #tpu.memory_space<vmem_shared>>) target_semaphore(%run_scoped3A_211 : memref<!tpu.dma_semaphore, #tpu.memory_space<semaphore_mem>>)
      %dma_wait3A_216 = arith.constant 0 : i32
      %dma_wait3A_217 = tpu.memref_slice %arg10[%add3A_66, %dma_wait3A_216] : memref<10240x64xf32, #tpu.memory_space<vmem_shared>> -> memref<80x64xf32, #tpu.memory_space<vmem_shared>>
      %dma_wait3A_218 = arith.constant 0 : i32
      %dma_wait3A_219 = tpu.memref_slice %arg10[%add3A_66, %dma_wait3A_218] : memref<10240x64xf32, #tpu.memory_space<vmem_shared>> -> memref<80x64xf32, #tpu.memory_space<vmem_shared>>
      tpu.wait_dma2 semaphore(%run_scoped3A_211 : memref<!tpu.dma_semaphore, #tpu.memory_space<semaphore_mem>>) src(%arg9 : memref<80x64xf32, #tpu.memory_space<vmem>>) dst(%dma_wait3A_219 : memref<80x64xf32, #tpu.memory_space<vmem_shared>>)
      tpu.yield
    }) : () -> ()
    %mul3A_67 = arith.constant 640 : i32
    %mul3A_68 = arith.muli %arg1, %mul3A_67 : i32
    %add3A_69 = arith.constant 560 : i32
    %add3A_70 = arith.addi %mul3A_68, %add3A_69 : i32
    "tpu.region"() ({
      %run_scoped3A_211 = tpu.sem_alloc : memref<!tpu.dma_semaphore, #tpu.memory_space<semaphore_mem>>
      %dma_start3A_212 = arith.constant 0 : i32
      %dma_start3A_213 = tpu.memref_slice %arg15[%add3A_70, %dma_start3A_212] : memref<10240x16xf32, #tpu.memory_space<vmem_shared>> -> memref<80x16xf32, #tpu.memory_space<vmem_shared>>
      %dma_start3A_214 = arith.constant 0 : i32
      %dma_start3A_215 = tpu.memref_slice %arg15[%add3A_70, %dma_start3A_214] : memref<10240x16xf32, #tpu.memory_space<vmem_shared>> -> memref<80x16xf32, #tpu.memory_space<vmem_shared>>
      tpu.enqueue_dma source(%arg14 : memref<80x16xf32, #tpu.memory_space<vmem>>) target(%dma_start3A_215 : memref<80x16xf32, #tpu.memory_space<vmem_shared>>) target_semaphore(%run_scoped3A_211 : memref<!tpu.dma_semaphore, #tpu.memory_space<semaphore_mem>>)
      %dma_wait3A_216 = arith.constant 0 : i32
      %dma_wait3A_217 = tpu.memref_slice %arg15[%add3A_70, %dma_wait3A_216] : memref<10240x16xf32, #tpu.memory_space<vmem_shared>> -> memref<80x16xf32, #tpu.memory_space<vmem_shared>>
      %dma_wait3A_218 = arith.constant 0 : i32
      %dma_wait3A_219 = tpu.memref_slice %arg15[%add3A_70, %dma_wait3A_218] : memref<10240x16xf32, #tpu.memory_space<vmem_shared>> -> memref<80x16xf32, #tpu.memory_space<vmem_shared>>
      tpu.wait_dma2 semaphore(%run_scoped3A_211 : memref<!tpu.dma_semaphore, #tpu.memory_space<semaphore_mem>>) src(%arg14 : memref<80x16xf32, #tpu.memory_space<vmem>>) dst(%dma_wait3A_219 : memref<80x16xf32, #tpu.memory_space<vmem_shared>>)
      tpu.yield
    }) : () -> ()
    %barrier3A = arith.constant 0 : index
    tpu.barrier barrier_id(%barrier3A)
    %run_scoped3A = arith.constant 0 : i32
    "tpu.region"() ({
      %run_scoped3A_211 = tpu.sem_alloc : memref<!tpu.dma_semaphore, #tpu.memory_space<semaphore_mem>>
      %dma_start3A_212 = arith.constant 0 : i32
      %dma_start3A_213 = arith.constant 0 : i32
      %dma_start3A_214 = tpu.memref_slice %arg3[%run_scoped3A, %add3A, %dma_start3A_212, %dma_start3A_213] : memref<2x32x125x80xi32, #tpu.memory_space<hbm>> -> memref<1x1x125x80xi32, #tpu.memory_space<hbm>>
      %dma_start3A_215 = tpu.memref_squeeze %dma_start3A_214 : memref<1x1x125x80xi32, #tpu.memory_space<hbm>> -> memref<125x80xi32, #tpu.memory_space<hbm>>
      %dma_start3A_216 = arith.constant 0 : i32
      %dma_start3A_217 = arith.constant 0 : i32
      %dma_start3A_218 = tpu.memref_slice %arg3[%run_scoped3A, %add3A, %dma_start3A_216, %dma_start3A_217] : memref<2x32x125x80xi32, #tpu.memory_space<hbm>> -> memref<1x1x125x80xi32, #tpu.memory_space<hbm>>
      %dma_start3A_219 = tpu.memref_squeeze %dma_start3A_218 : memref<1x1x125x80xi32, #tpu.memory_space<hbm>> -> memref<125x80xi32, #tpu.memory_space<hbm>>
      tpu.enqueue_dma source(%dma_start3A_219 : memref<125x80xi32, #tpu.memory_space<hbm>>) target(%arg6 : memref<125x80xi32, #tpu.memory_space<vmem>>) target_semaphore(%run_scoped3A_211 : memref<!tpu.dma_semaphore, #tpu.memory_space<semaphore_mem>>)
      %dma_wait3A_220 = arith.constant 0 : i32
      %dma_wait3A_221 = arith.constant 0 : i32
      %dma_wait3A_222 = tpu.memref_slice %arg3[%run_scoped3A, %add3A, %dma_wait3A_220, %dma_wait3A_221] : memref<2x32x125x80xi32, #tpu.memory_space<hbm>> -> memref<1x1x125x80xi32, #tpu.memory_space<hbm>>
      %dma_wait3A_223 = tpu.memref_squeeze %dma_wait3A_222 : memref<1x1x125x80xi32, #tpu.memory_space<hbm>> -> memref<125x80xi32, #tpu.memory_space<hbm>>
      %dma_wait3A_224 = arith.constant 0 : i32
      %dma_wait3A_225 = arith.constant 0 : i32
      %dma_wait3A_226 = tpu.memref_slice %arg3[%run_scoped3A, %add3A, %dma_wait3A_224, %dma_wait3A_225] : memref<2x32x125x80xi32, #tpu.memory_space<hbm>> -> memref<1x1x125x80xi32, #tpu.memory_space<hbm>>
      %dma_wait3A_227 = tpu.memref_squeeze %dma_wait3A_226 : memref<1x1x125x80xi32, #tpu.memory_space<hbm>> -> memref<125x80xi32, #tpu.memory_space<hbm>>
      tpu.wait_dma2 semaphore(%run_scoped3A_211 : memref<!tpu.dma_semaphore, #tpu.memory_space<semaphore_mem>>) src(%dma_wait3A_227 : memref<125x80xi32, #tpu.memory_space<hbm>>) dst(%arg6 : memref<125x80xi32, #tpu.memory_space<vmem>>)
      tpu.yield
    }) : () -> ()
    %run_scoped3A_71 = arith.constant 1 : i32
    "tpu.region"() ({
      %run_scoped3A_211 = tpu.sem_alloc : memref<!tpu.dma_semaphore, #tpu.memory_space<semaphore_mem>>
      %dma_start3A_212 = arith.constant 0 : i32
      %dma_start3A_213 = arith.constant 0 : i32
      %dma_start3A_214 = tpu.memref_slice %arg3[%run_scoped3A_71, %add3A, %dma_start3A_212, %dma_start3A_213] : memref<2x32x125x80xi32, #tpu.memory_space<hbm>> -> memref<1x1x125x80xi32, #tpu.memory_space<hbm>>
      %dma_start3A_215 = tpu.memref_squeeze %dma_start3A_214 : memref<1x1x125x80xi32, #tpu.memory_space<hbm>> -> memref<125x80xi32, #tpu.memory_space<hbm>>
      %dma_start3A_216 = arith.constant 0 : i32
      %dma_start3A_217 = arith.constant 0 : i32
      %dma_start3A_218 = tpu.memref_slice %arg3[%run_scoped3A_71, %add3A, %dma_start3A_216, %dma_start3A_217] : memref<2x32x125x80xi32, #tpu.memory_space<hbm>> -> memref<1x1x125x80xi32, #tpu.memory_space<hbm>>
      %dma_start3A_219 = tpu.memref_squeeze %dma_start3A_218 : memref<1x1x125x80xi32, #tpu.memory_space<hbm>> -> memref<125x80xi32, #tpu.memory_space<hbm>>
      tpu.enqueue_dma source(%dma_start3A_219 : memref<125x80xi32, #tpu.memory_space<hbm>>) target(%arg7 : memref<125x80xi32, #tpu.memory_space<vmem>>) target_semaphore(%run_scoped3A_211 : memref<!tpu.dma_semaphore, #tpu.memory_space<semaphore_mem>>)
      %dma_wait3A_220 = arith.constant 0 : i32
      %dma_wait3A_221 = arith.constant 0 : i32
      %dma_wait3A_222 = tpu.memref_slice %arg3[%run_scoped3A_71, %add3A, %dma_wait3A_220, %dma_wait3A_221] : memref<2x32x125x80xi32, #tpu.memory_space<hbm>> -> memref<1x1x125x80xi32, #tpu.memory_space<hbm>>
      %dma_wait3A_223 = tpu.memref_squeeze %dma_wait3A_222 : memref<1x1x125x80xi32, #tpu.memory_space<hbm>> -> memref<125x80xi32, #tpu.memory_space<hbm>>
      %dma_wait3A_224 = arith.constant 0 : i32
      %dma_wait3A_225 = arith.constant 0 : i32
      %dma_wait3A_226 = tpu.memref_slice %arg3[%run_scoped3A_71, %add3A, %dma_wait3A_224, %dma_wait3A_225] : memref<2x32x125x80xi32, #tpu.memory_space<hbm>> -> memref<1x1x125x80xi32, #tpu.memory_space<hbm>>
      %dma_wait3A_227 = tpu.memref_squeeze %dma_wait3A_226 : memref<1x1x125x80xi32, #tpu.memory_space<hbm>> -> memref<125x80xi32, #tpu.memory_space<hbm>>
      tpu.wait_dma2 semaphore(%run_scoped3A_211 : memref<!tpu.dma_semaphore, #tpu.memory_space<semaphore_mem>>) src(%dma_wait3A_227 : memref<125x80xi32, #tpu.memory_space<hbm>>) dst(%arg7 : memref<125x80xi32, #tpu.memory_space<vmem>>)
      tpu.yield
    }) : () -> ()
    %dma_start3A = arith.constant 0 : i32
    %dma_start3A_72 = arith.constant 0 : i32
    %dma_start3A_73 = arith.constant 0 : i32
    %dma_start3A_74 = arith.constant 0 : i32
    %dma_start3A_75 = tpu.memref_slice %arg8[%dma_start3A_72, %dma_start3A_73, %dma_start3A_74] : memref<10x80x64xf32, #tpu.memory_space<vmem>> -> memref<1x80x64xf32, #tpu.memory_space<vmem>>
    %dma_start3A_76 = tpu.memref_squeeze %dma_start3A_75 : memref<1x80x64xf32, #tpu.memory_space<vmem>> -> memref<80x64xf32, #tpu.memory_space<vmem>>
    %dma_start3A_77 = arith.constant 0 : i32
    %dma_start3A_78 = tpu.memref_slice %arg6[%dma_start3A, %dma_start3A_77] : memref<125x80xi32, #tpu.memory_space<vmem>> -> memref<1x80xi32, #tpu.memory_space<vmem>>
    %dma_start3A_79 = tpu.memref_squeeze %dma_start3A_78 : memref<1x80xi32, #tpu.memory_space<vmem>> -> memref<80xi32, #tpu.memory_space<vmem>>
    %dma_start3A_80 = arith.constant 0 : i32
    %dma_start3A_81 = arith.constant 0 : i32
    %dma_start3A_82 = tpu.memref_slice %arg2[%dma_start3A_80, %dma_start3A_81] : memref<10000x64xf32, #tpu.memory_space<hbm>> -> memref<10000x64xf32, #tpu.memory_space<hbm>>
    tpu.enqueue_indirect_dma source(%dma_start3A_82 : memref<10000x64xf32, #tpu.memory_space<hbm>>) target(%dma_start3A_76 : memref<80x64xf32, #tpu.memory_space<vmem>>) offsets(%dma_start3A_79 : memref<80xi32, #tpu.memory_space<vmem>>) semaphore(%arg11 : memref<!tpu.dma_semaphore, #tpu.memory_space<semaphore_mem>>)
    %dma_start3A_83 = arith.constant 1 : i32
    %dma_start3A_84 = arith.constant 1 : i32
    %dma_start3A_85 = arith.constant 0 : i32
    %dma_start3A_86 = arith.constant 0 : i32
    %dma_start3A_87 = tpu.memref_slice %arg8[%dma_start3A_84, %dma_start3A_85, %dma_start3A_86] : memref<10x80x64xf32, #tpu.memory_space<vmem>> -> memref<1x80x64xf32, #tpu.memory_space<vmem>>
    %dma_start3A_88 = tpu.memref_squeeze %dma_start3A_87 : memref<1x80x64xf32, #tpu.memory_space<vmem>> -> memref<80x64xf32, #tpu.memory_space<vmem>>
    %dma_start3A_89 = arith.constant 0 : i32
    %dma_start3A_90 = tpu.memref_slice %arg6[%dma_start3A_83, %dma_start3A_89] : memref<125x80xi32, #tpu.memory_space<vmem>> -> memref<1x80xi32, #tpu.memory_space<vmem>>
    %dma_start3A_91 = tpu.memref_squeeze %dma_start3A_90 : memref<1x80xi32, #tpu.memory_space<vmem>> -> memref<80xi32, #tpu.memory_space<vmem>>
    %dma_start3A_92 = arith.constant 0 : i32
    %dma_start3A_93 = arith.constant 0 : i32
    %dma_start3A_94 = tpu.memref_slice %arg2[%dma_start3A_92, %dma_start3A_93] : memref<10000x64xf32, #tpu.memory_space<hbm>> -> memref<10000x64xf32, #tpu.memory_space<hbm>>
    tpu.enqueue_indirect_dma source(%dma_start3A_94 : memref<10000x64xf32, #tpu.memory_space<hbm>>) target(%dma_start3A_88 : memref<80x64xf32, #tpu.memory_space<vmem>>) offsets(%dma_start3A_91 : memref<80xi32, #tpu.memory_space<vmem>>) semaphore(%arg11 : memref<!tpu.dma_semaphore, #tpu.memory_space<semaphore_mem>>)
    %dma_start3A_95 = arith.constant 2 : i32
    %dma_start3A_96 = arith.constant 2 : i32
    %dma_start3A_97 = arith.constant 0 : i32
    %dma_start3A_98 = arith.constant 0 : i32
    %dma_start3A_99 = tpu.memref_slice %arg8[%dma_start3A_96, %dma_start3A_97, %dma_start3A_98] : memref<10x80x64xf32, #tpu.memory_space<vmem>> -> memref<1x80x64xf32, #tpu.memory_space<vmem>>
    %dma_start3A_100 = tpu.memref_squeeze %dma_start3A_99 : memref<1x80x64xf32, #tpu.memory_space<vmem>> -> memref<80x64xf32, #tpu.memory_space<vmem>>
    %dma_start3A_101 = arith.constant 0 : i32
    %dma_start3A_102 = tpu.memref_slice %arg6[%dma_start3A_95, %dma_start3A_101] : memref<125x80xi32, #tpu.memory_space<vmem>> -> memref<1x80xi32, #tpu.memory_space<vmem>>
    %dma_start3A_103 = tpu.memref_squeeze %dma_start3A_102 : memref<1x80xi32, #tpu.memory_space<vmem>> -> memref<80xi32, #tpu.memory_space<vmem>>
    %dma_start3A_104 = arith.constant 0 : i32
    %dma_start3A_105 = arith.constant 0 : i32
    %dma_start3A_106 = tpu.memref_slice %arg2[%dma_start3A_104, %dma_start3A_105] : memref<10000x64xf32, #tpu.memory_space<hbm>> -> memref<10000x64xf32, #tpu.memory_space<hbm>>
    tpu.enqueue_indirect_dma source(%dma_start3A_106 : memref<10000x64xf32, #tpu.memory_space<hbm>>) target(%dma_start3A_100 : memref<80x64xf32, #tpu.memory_space<vmem>>) offsets(%dma_start3A_103 : memref<80xi32, #tpu.memory_space<vmem>>) semaphore(%arg11 : memref<!tpu.dma_semaphore, #tpu.memory_space<semaphore_mem>>)
    %dma_start3A_107 = arith.constant 3 : i32
    %dma_start3A_108 = arith.constant 3 : i32
    %dma_start3A_109 = arith.constant 0 : i32
    %dma_start3A_110 = arith.constant 0 : i32
    %dma_start3A_111 = tpu.memref_slice %arg8[%dma_start3A_108, %dma_start3A_109, %dma_start3A_110] : memref<10x80x64xf32, #tpu.memory_space<vmem>> -> memref<1x80x64xf32, #tpu.memory_space<vmem>>
    %dma_start3A_112 = tpu.memref_squeeze %dma_start3A_111 : memref<1x80x64xf32, #tpu.memory_space<vmem>> -> memref<80x64xf32, #tpu.memory_space<vmem>>
    %dma_start3A_113 = arith.constant 0 : i32
    %dma_start3A_114 = tpu.memref_slice %arg6[%dma_start3A_107, %dma_start3A_113] : memref<125x80xi32, #tpu.memory_space<vmem>> -> memref<1x80xi32, #tpu.memory_space<vmem>>
    %dma_start3A_115 = tpu.memref_squeeze %dma_start3A_114 : memref<1x80xi32, #tpu.memory_space<vmem>> -> memref<80xi32, #tpu.memory_space<vmem>>
    %dma_start3A_116 = arith.constant 0 : i32
    %dma_start3A_117 = arith.constant 0 : i32
    %dma_start3A_118 = tpu.memref_slice %arg2[%dma_start3A_116, %dma_start3A_117] : memref<10000x64xf32, #tpu.memory_space<hbm>> -> memref<10000x64xf32, #tpu.memory_space<hbm>>
    tpu.enqueue_indirect_dma source(%dma_start3A_118 : memref<10000x64xf32, #tpu.memory_space<hbm>>) target(%dma_start3A_112 : memref<80x64xf32, #tpu.memory_space<vmem>>) offsets(%dma_start3A_115 : memref<80xi32, #tpu.memory_space<vmem>>) semaphore(%arg11 : memref<!tpu.dma_semaphore, #tpu.memory_space<semaphore_mem>>)
    %dma_start3A_119 = arith.constant 4 : i32
    %dma_start3A_120 = arith.constant 4 : i32
    %dma_start3A_121 = arith.constant 0 : i32
    %dma_start3A_122 = arith.constant 0 : i32
    %dma_start3A_123 = tpu.memref_slice %arg8[%dma_start3A_120, %dma_start3A_121, %dma_start3A_122] : memref<10x80x64xf32, #tpu.memory_space<vmem>> -> memref<1x80x64xf32, #tpu.memory_space<vmem>>
    %dma_start3A_124 = tpu.memref_squeeze %dma_start3A_123 : memref<1x80x64xf32, #tpu.memory_space<vmem>> -> memref<80x64xf32, #tpu.memory_space<vmem>>
    %dma_start3A_125 = arith.constant 0 : i32
    %dma_start3A_126 = tpu.memref_slice %arg6[%dma_start3A_119, %dma_start3A_125] : memref<125x80xi32, #tpu.memory_space<vmem>> -> memref<1x80xi32, #tpu.memory_space<vmem>>
    %dma_start3A_127 = tpu.memref_squeeze %dma_start3A_126 : memref<1x80xi32, #tpu.memory_space<vmem>> -> memref<80xi32, #tpu.memory_space<vmem>>
    %dma_start3A_128 = arith.constant 0 : i32
    %dma_start3A_129 = arith.constant 0 : i32
    %dma_start3A_130 = tpu.memref_slice %arg2[%dma_start3A_128, %dma_start3A_129] : memref<10000x64xf32, #tpu.memory_space<hbm>> -> memref<10000x64xf32, #tpu.memory_space<hbm>>
    tpu.enqueue_indirect_dma source(%dma_start3A_130 : memref<10000x64xf32, #tpu.memory_space<hbm>>) target(%dma_start3A_124 : memref<80x64xf32, #tpu.memory_space<vmem>>) offsets(%dma_start3A_127 : memref<80xi32, #tpu.memory_space<vmem>>) semaphore(%arg11 : memref<!tpu.dma_semaphore, #tpu.memory_space<semaphore_mem>>)
    %scan3A_131 = arith.constant 0 : i32
    %scan3A_132 = arith.constant 0 : i32
    %scan3A_133 = arith.constant 25 : i32
    %scan3A_134 = arith.addi %scan3A_132, %scan3A_133 : i32
    %scan3A_135 = arith.constant 1 : i32
    %scan3A_136 = scf.for %scan3A_211 = %scan3A_132 to %scan3A_134 step %scan3A_135 iter_args(%scan3A_212 = %scan3A_131) -> (i32)  : i32 {
      %rem3A = arith.constant 2 : i32
      %rem3A_213 = arith.remsi %scan3A_211, %rem3A : i32
      %mul3A_214 = arith.constant 5 : i32
      %mul3A_215 = arith.muli %scan3A_211, %mul3A_214 : i32
      %add3A_216 = arith.constant 0 : i32
      %add3A_217 = arith.addi %mul3A_215, %add3A_216 : i32
      %mul3A_218 = arith.constant 5 : i32
      %mul3A_219 = arith.muli %rem3A_213, %mul3A_218 : i32
      %add3A_220 = arith.constant 0 : i32
      %add3A_221 = arith.addi %mul3A_219, %add3A_220 : i32
      %dma_wait3A_222 = arith.constant 0 : i32
      %dma_wait3A_223 = arith.constant 0 : i32
      %dma_wait3A_224 = tpu.memref_slice %arg8[%add3A_221, %dma_wait3A_222, %dma_wait3A_223] : memref<10x80x64xf32, #tpu.memory_space<vmem>> -> memref<1x80x64xf32, #tpu.memory_space<vmem>>
      %dma_wait3A_225 = tpu.memref_squeeze %dma_wait3A_224 : memref<1x80x64xf32, #tpu.memory_space<vmem>> -> memref<80x64xf32, #tpu.memory_space<vmem>>
      %dma_wait3A_226 = arith.constant 0 : i32
      %dma_wait3A_227 = tpu.memref_slice %arg6[%add3A_217, %dma_wait3A_226] : memref<125x80xi32, #tpu.memory_space<vmem>> -> memref<1x80xi32, #tpu.memory_space<vmem>>
      %dma_wait3A_228 = tpu.memref_squeeze %dma_wait3A_227 : memref<1x80xi32, #tpu.memory_space<vmem>> -> memref<80xi32, #tpu.memory_space<vmem>>
      %dma_wait3A_229 = arith.constant 0 : i32
      %dma_wait3A_230 = arith.constant 0 : i32
      %dma_wait3A_231 = tpu.memref_slice %arg2[%dma_wait3A_229, %dma_wait3A_230] : memref<10000x64xf32, #tpu.memory_space<hbm>> -> memref<10000x64xf32, #tpu.memory_space<hbm>>
      tpu.wait_indirect_dma semaphore(%arg11 : memref<!tpu.dma_semaphore, #tpu.memory_space<semaphore_mem>>) src(%dma_wait3A_231 : memref<10000x64xf32, #tpu.memory_space<hbm>>) dst(%dma_wait3A_225 : memref<80x64xf32, #tpu.memory_space<vmem>>)
      %mul3A_232 = arith.constant 5 : i32
      %mul3A_233 = arith.muli %scan3A_211, %mul3A_232 : i32
      %add3A_234 = arith.constant 1 : i32
      %add3A_235 = arith.addi %mul3A_233, %add3A_234 : i32
      %mul3A_236 = arith.constant 5 : i32
      %mul3A_237 = arith.muli %rem3A_213, %mul3A_236 : i32
      %add3A_238 = arith.constant 1 : i32
      %add3A_239 = arith.addi %mul3A_237, %add3A_238 : i32
      %dma_wait3A_240 = arith.constant 0 : i32
      %dma_wait3A_241 = arith.constant 0 : i32
      %dma_wait3A_242 = tpu.memref_slice %arg8[%add3A_239, %dma_wait3A_240, %dma_wait3A_241] : memref<10x80x64xf32, #tpu.memory_space<vmem>> -> memref<1x80x64xf32, #tpu.memory_space<vmem>>
      %dma_wait3A_243 = tpu.memref_squeeze %dma_wait3A_242 : memref<1x80x64xf32, #tpu.memory_space<vmem>> -> memref<80x64xf32, #tpu.memory_space<vmem>>
      %dma_wait3A_244 = arith.constant 0 : i32
      %dma_wait3A_245 = tpu.memref_slice %arg6[%add3A_235, %dma_wait3A_244] : memref<125x80xi32, #tpu.memory_space<vmem>> -> memref<1x80xi32, #tpu.memory_space<vmem>>
      %dma_wait3A_246 = tpu.memref_squeeze %dma_wait3A_245 : memref<1x80xi32, #tpu.memory_space<vmem>> -> memref<80xi32, #tpu.memory_space<vmem>>
      %dma_wait3A_247 = arith.constant 0 : i32
      %dma_wait3A_248 = arith.constant 0 : i32
      %dma_wait3A_249 = tpu.memref_slice %arg2[%dma_wait3A_247, %dma_wait3A_248] : memref<10000x64xf32, #tpu.memory_space<hbm>> -> memref<10000x64xf32, #tpu.memory_space<hbm>>
      tpu.wait_indirect_dma semaphore(%arg11 : memref<!tpu.dma_semaphore, #tpu.memory_space<semaphore_mem>>) src(%dma_wait3A_249 : memref<10000x64xf32, #tpu.memory_space<hbm>>) dst(%dma_wait3A_243 : memref<80x64xf32, #tpu.memory_space<vmem>>)
      %mul3A_250 = arith.constant 5 : i32
      %mul3A_251 = arith.muli %scan3A_211, %mul3A_250 : i32
      %add3A_252 = arith.constant 2 : i32
      %add3A_253 = arith.addi %mul3A_251, %add3A_252 : i32
      %mul3A_254 = arith.constant 5 : i32
      %mul3A_255 = arith.muli %rem3A_213, %mul3A_254 : i32
      %add3A_256 = arith.constant 2 : i32
      %add3A_257 = arith.addi %mul3A_255, %add3A_256 : i32
      %dma_wait3A_258 = arith.constant 0 : i32
      %dma_wait3A_259 = arith.constant 0 : i32
      %dma_wait3A_260 = tpu.memref_slice %arg8[%add3A_257, %dma_wait3A_258, %dma_wait3A_259] : memref<10x80x64xf32, #tpu.memory_space<vmem>> -> memref<1x80x64xf32, #tpu.memory_space<vmem>>
      %dma_wait3A_261 = tpu.memref_squeeze %dma_wait3A_260 : memref<1x80x64xf32, #tpu.memory_space<vmem>> -> memref<80x64xf32, #tpu.memory_space<vmem>>
      %dma_wait3A_262 = arith.constant 0 : i32
      %dma_wait3A_263 = tpu.memref_slice %arg6[%add3A_253, %dma_wait3A_262] : memref<125x80xi32, #tpu.memory_space<vmem>> -> memref<1x80xi32, #tpu.memory_space<vmem>>
      %dma_wait3A_264 = tpu.memref_squeeze %dma_wait3A_263 : memref<1x80xi32, #tpu.memory_space<vmem>> -> memref<80xi32, #tpu.memory_space<vmem>>
      %dma_wait3A_265 = arith.constant 0 : i32
      %dma_wait3A_266 = arith.constant 0 : i32
      %dma_wait3A_267 = tpu.memref_slice %arg2[%dma_wait3A_265, %dma_wait3A_266] : memref<10000x64xf32, #tpu.memory_space<hbm>> -> memref<10000x64xf32, #tpu.memory_space<hbm>>
      tpu.wait_indirect_dma semaphore(%arg11 : memref<!tpu.dma_semaphore, #tpu.memory_space<semaphore_mem>>) src(%dma_wait3A_267 : memref<10000x64xf32, #tpu.memory_space<hbm>>) dst(%dma_wait3A_261 : memref<80x64xf32, #tpu.memory_space<vmem>>)
      %mul3A_268 = arith.constant 5 : i32
      %mul3A_269 = arith.muli %scan3A_211, %mul3A_268 : i32
      %add3A_270 = arith.constant 3 : i32
      %add3A_271 = arith.addi %mul3A_269, %add3A_270 : i32
      %mul3A_272 = arith.constant 5 : i32
      %mul3A_273 = arith.muli %rem3A_213, %mul3A_272 : i32
      %add3A_274 = arith.constant 3 : i32
      %add3A_275 = arith.addi %mul3A_273, %add3A_274 : i32
      %dma_wait3A_276 = arith.constant 0 : i32
      %dma_wait3A_277 = arith.constant 0 : i32
      %dma_wait3A_278 = tpu.memref_slice %arg8[%add3A_275, %dma_wait3A_276, %dma_wait3A_277] : memref<10x80x64xf32, #tpu.memory_space<vmem>> -> memref<1x80x64xf32, #tpu.memory_space<vmem>>
      %dma_wait3A_279 = tpu.memref_squeeze %dma_wait3A_278 : memref<1x80x64xf32, #tpu.memory_space<vmem>> -> memref<80x64xf32, #tpu.memory_space<vmem>>
      %dma_wait3A_280 = arith.constant 0 : i32
      %dma_wait3A_281 = tpu.memref_slice %arg6[%add3A_271, %dma_wait3A_280] : memref<125x80xi32, #tpu.memory_space<vmem>> -> memref<1x80xi32, #tpu.memory_space<vmem>>
      %dma_wait3A_282 = tpu.memref_squeeze %dma_wait3A_281 : memref<1x80xi32, #tpu.memory_space<vmem>> -> memref<80xi32, #tpu.memory_space<vmem>>
      %dma_wait3A_283 = arith.constant 0 : i32
      %dma_wait3A_284 = arith.constant 0 : i32
      %dma_wait3A_285 = tpu.memref_slice %arg2[%dma_wait3A_283, %dma_wait3A_284] : memref<10000x64xf32, #tpu.memory_space<hbm>> -> memref<10000x64xf32, #tpu.memory_space<hbm>>
      tpu.wait_indirect_dma semaphore(%arg11 : memref<!tpu.dma_semaphore, #tpu.memory_space<semaphore_mem>>) src(%dma_wait3A_285 : memref<10000x64xf32, #tpu.memory_space<hbm>>) dst(%dma_wait3A_279 : memref<80x64xf32, #tpu.memory_space<vmem>>)
      %mul3A_286 = arith.constant 5 : i32
      %mul3A_287 = arith.muli %scan3A_211, %mul3A_286 : i32
      %add3A_288 = arith.constant 4 : i32
      %add3A_289 = arith.addi %mul3A_287, %add3A_288 : i32
      %mul3A_290 = arith.constant 5 : i32
      %mul3A_291 = arith.muli %rem3A_213, %mul3A_290 : i32
      %add3A_292 = arith.constant 4 : i32
      %add3A_293 = arith.addi %mul3A_291, %add3A_292 : i32
      %dma_wait3A_294 = arith.constant 0 : i32
      %dma_wait3A_295 = arith.constant 0 : i32
      %dma_wait3A_296 = tpu.memref_slice %arg8[%add3A_293, %dma_wait3A_294, %dma_wait3A_295] : memref<10x80x64xf32, #tpu.memory_space<vmem>> -> memref<1x80x64xf32, #tpu.memory_space<vmem>>
      %dma_wait3A_297 = tpu.memref_squeeze %dma_wait3A_296 : memref<1x80x64xf32, #tpu.memory_space<vmem>> -> memref<80x64xf32, #tpu.memory_space<vmem>>
      %dma_wait3A_298 = arith.constant 0 : i32
      %dma_wait3A_299 = tpu.memref_slice %arg6[%add3A_289, %dma_wait3A_298] : memref<125x80xi32, #tpu.memory_space<vmem>> -> memref<1x80xi32, #tpu.memory_space<vmem>>
      %dma_wait3A_300 = tpu.memref_squeeze %dma_wait3A_299 : memref<1x80xi32, #tpu.memory_space<vmem>> -> memref<80xi32, #tpu.memory_space<vmem>>
      %dma_wait3A_301 = arith.constant 0 : i32
      %dma_wait3A_302 = arith.constant 0 : i32
      %dma_wait3A_303 = tpu.memref_slice %arg2[%dma_wait3A_301, %dma_wait3A_302] : memref<10000x64xf32, #tpu.memory_space<hbm>> -> memref<10000x64xf32, #tpu.memory_space<hbm>>
      tpu.wait_indirect_dma semaphore(%arg11 : memref<!tpu.dma_semaphore, #tpu.memory_space<semaphore_mem>>) src(%dma_wait3A_303 : memref<10000x64xf32, #tpu.memory_space<hbm>>) dst(%dma_wait3A_297 : memref<80x64xf32, #tpu.memory_space<vmem>>)
      %gt3A = arith.constant 0 : i32
      %gt3A_304 = arith.cmpi sgt, %scan3A_211, %gt3A : i32
      %convert_element_type3A = arith.extui %gt3A_304 : i1 to i32
      %cond3A = arith.constant 0 : i32
      %cond3A_305 = arith.cmpi ne, %convert_element_type3A, %cond3A : i32
      scf.if %cond3A_305 {
        %sub3A_454 = arith.constant 1 : i32
        %sub3A_455 = arith.subi %scan3A_211, %sub3A_454 : i32
        %sub3A_456 = arith.constant 1 : i32
        %sub3A_457 = arith.subi %scan3A_211, %sub3A_456 : i32
        %rem3A_458 = arith.constant 2 : i32
        %rem3A_459 = arith.remsi %sub3A_457, %rem3A_458 : i32
        %mul3A_460 = arith.constant 5 : i32
        %mul3A_461 = arith.muli %rem3A_459, %mul3A_460 : i32
        %add3A_462 = arith.constant 0 : i32
        %add3A_463 = arith.addi %mul3A_461, %add3A_462 : i32
        %mul3A_464 = arith.constant 5 : i32
        %mul3A_465 = arith.muli %sub3A_455, %mul3A_464 : i32
        %add3A_466 = arith.constant 0 : i32
        %add3A_467 = arith.addi %mul3A_465, %add3A_466 : i32
        %dma_wait3A_468 = arith.constant 0 : i32
        %dma_wait3A_469 = arith.constant 0 : i32
        %dma_wait3A_470 = tpu.memref_slice %arg8[%add3A_463, %dma_wait3A_468, %dma_wait3A_469] : memref<10x80x64xf32, #tpu.memory_space<vmem>> -> memref<1x80x64xf32, #tpu.memory_space<vmem>>
        %dma_wait3A_471 = tpu.memref_squeeze %dma_wait3A_470 : memref<1x80x64xf32, #tpu.memory_space<vmem>> -> memref<80x64xf32, #tpu.memory_space<vmem>>
        %dma_wait3A_472 = arith.constant 0 : i32
        %dma_wait3A_473 = tpu.memref_slice %arg7[%add3A_467, %dma_wait3A_472] : memref<125x80xi32, #tpu.memory_space<vmem>> -> memref<1x80xi32, #tpu.memory_space<vmem>>
        %dma_wait3A_474 = tpu.memref_squeeze %dma_wait3A_473 : memref<1x80xi32, #tpu.memory_space<vmem>> -> memref<80xi32, #tpu.memory_space<vmem>>
        %dma_wait3A_475 = arith.constant 0 : i32
        %dma_wait3A_476 = arith.constant 0 : i32
        %dma_wait3A_477 = tpu.memref_slice %arg10[%dma_wait3A_475, %dma_wait3A_476] : memref<10240x64xf32, #tpu.memory_space<vmem_shared>> -> memref<10240x64xf32, #tpu.memory_space<vmem_shared>>
        tpu.wait_indirect_dma semaphore(%arg12 : memref<!tpu.dma_semaphore, #tpu.memory_space<semaphore_mem>>) src(%dma_wait3A_471 : memref<80x64xf32, #tpu.memory_space<vmem>>) dst(%dma_wait3A_477 : memref<10240x64xf32, #tpu.memory_space<vmem_shared>>)
        %mul3A_478 = arith.constant 5 : i32
        %mul3A_479 = arith.muli %rem3A_459, %mul3A_478 : i32
        %add3A_480 = arith.constant 1 : i32
        %add3A_481 = arith.addi %mul3A_479, %add3A_480 : i32
        %mul3A_482 = arith.constant 5 : i32
        %mul3A_483 = arith.muli %sub3A_455, %mul3A_482 : i32
        %add3A_484 = arith.constant 1 : i32
        %add3A_485 = arith.addi %mul3A_483, %add3A_484 : i32
        %dma_wait3A_486 = arith.constant 0 : i32
        %dma_wait3A_487 = arith.constant 0 : i32
        %dma_wait3A_488 = tpu.memref_slice %arg8[%add3A_481, %dma_wait3A_486, %dma_wait3A_487] : memref<10x80x64xf32, #tpu.memory_space<vmem>> -> memref<1x80x64xf32, #tpu.memory_space<vmem>>
        %dma_wait3A_489 = tpu.memref_squeeze %dma_wait3A_488 : memref<1x80x64xf32, #tpu.memory_space<vmem>> -> memref<80x64xf32, #tpu.memory_space<vmem>>
        %dma_wait3A_490 = arith.constant 0 : i32
        %dma_wait3A_491 = tpu.memref_slice %arg7[%add3A_485, %dma_wait3A_490] : memref<125x80xi32, #tpu.memory_space<vmem>> -> memref<1x80xi32, #tpu.memory_space<vmem>>
        %dma_wait3A_492 = tpu.memref_squeeze %dma_wait3A_491 : memref<1x80xi32, #tpu.memory_space<vmem>> -> memref<80xi32, #tpu.memory_space<vmem>>
        %dma_wait3A_493 = arith.constant 0 : i32
        %dma_wait3A_494 = arith.constant 0 : i32
        %dma_wait3A_495 = tpu.memref_slice %arg10[%dma_wait3A_493, %dma_wait3A_494] : memref<10240x64xf32, #tpu.memory_space<vmem_shared>> -> memref<10240x64xf32, #tpu.memory_space<vmem_shared>>
        tpu.wait_indirect_dma semaphore(%arg12 : memref<!tpu.dma_semaphore, #tpu.memory_space<semaphore_mem>>) src(%dma_wait3A_489 : memref<80x64xf32, #tpu.memory_space<vmem>>) dst(%dma_wait3A_495 : memref<10240x64xf32, #tpu.memory_space<vmem_shared>>)
        %mul3A_496 = arith.constant 5 : i32
        %mul3A_497 = arith.muli %rem3A_459, %mul3A_496 : i32
        %add3A_498 = arith.constant 2 : i32
        %add3A_499 = arith.addi %mul3A_497, %add3A_498 : i32
        %mul3A_500 = arith.constant 5 : i32
        %mul3A_501 = arith.muli %sub3A_455, %mul3A_500 : i32
        %add3A_502 = arith.constant 2 : i32
        %add3A_503 = arith.addi %mul3A_501, %add3A_502 : i32
        %dma_wait3A_504 = arith.constant 0 : i32
        %dma_wait3A_505 = arith.constant 0 : i32
        %dma_wait3A_506 = tpu.memref_slice %arg8[%add3A_499, %dma_wait3A_504, %dma_wait3A_505] : memref<10x80x64xf32, #tpu.memory_space<vmem>> -> memref<1x80x64xf32, #tpu.memory_space<vmem>>
        %dma_wait3A_507 = tpu.memref_squeeze %dma_wait3A_506 : memref<1x80x64xf32, #tpu.memory_space<vmem>> -> memref<80x64xf32, #tpu.memory_space<vmem>>
        %dma_wait3A_508 = arith.constant 0 : i32
        %dma_wait3A_509 = tpu.memref_slice %arg7[%add3A_503, %dma_wait3A_508] : memref<125x80xi32, #tpu.memory_space<vmem>> -> memref<1x80xi32, #tpu.memory_space<vmem>>
        %dma_wait3A_510 = tpu.memref_squeeze %dma_wait3A_509 : memref<1x80xi32, #tpu.memory_space<vmem>> -> memref<80xi32, #tpu.memory_space<vmem>>
        %dma_wait3A_511 = arith.constant 0 : i32
        %dma_wait3A_512 = arith.constant 0 : i32
        %dma_wait3A_513 = tpu.memref_slice %arg10[%dma_wait3A_511, %dma_wait3A_512] : memref<10240x64xf32, #tpu.memory_space<vmem_shared>> -> memref<10240x64xf32, #tpu.memory_space<vmem_shared>>
        tpu.wait_indirect_dma semaphore(%arg12 : memref<!tpu.dma_semaphore, #tpu.memory_space<semaphore_mem>>) src(%dma_wait3A_507 : memref<80x64xf32, #tpu.memory_space<vmem>>) dst(%dma_wait3A_513 : memref<10240x64xf32, #tpu.memory_space<vmem_shared>>)
        %mul3A_514 = arith.constant 5 : i32
        %mul3A_515 = arith.muli %rem3A_459, %mul3A_514 : i32
        %add3A_516 = arith.constant 3 : i32
        %add3A_517 = arith.addi %mul3A_515, %add3A_516 : i32
        %mul3A_518 = arith.constant 5 : i32
        %mul3A_519 = arith.muli %sub3A_455, %mul3A_518 : i32
        %add3A_520 = arith.constant 3 : i32
        %add3A_521 = arith.addi %mul3A_519, %add3A_520 : i32
        %dma_wait3A_522 = arith.constant 0 : i32
        %dma_wait3A_523 = arith.constant 0 : i32
        %dma_wait3A_524 = tpu.memref_slice %arg8[%add3A_517, %dma_wait3A_522, %dma_wait3A_523] : memref<10x80x64xf32, #tpu.memory_space<vmem>> -> memref<1x80x64xf32, #tpu.memory_space<vmem>>
        %dma_wait3A_525 = tpu.memref_squeeze %dma_wait3A_524 : memref<1x80x64xf32, #tpu.memory_space<vmem>> -> memref<80x64xf32, #tpu.memory_space<vmem>>
        %dma_wait3A_526 = arith.constant 0 : i32
        %dma_wait3A_527 = tpu.memref_slice %arg7[%add3A_521, %dma_wait3A_526] : memref<125x80xi32, #tpu.memory_space<vmem>> -> memref<1x80xi32, #tpu.memory_space<vmem>>
        %dma_wait3A_528 = tpu.memref_squeeze %dma_wait3A_527 : memref<1x80xi32, #tpu.memory_space<vmem>> -> memref<80xi32, #tpu.memory_space<vmem>>
        %dma_wait3A_529 = arith.constant 0 : i32
        %dma_wait3A_530 = arith.constant 0 : i32
        %dma_wait3A_531 = tpu.memref_slice %arg10[%dma_wait3A_529, %dma_wait3A_530] : memref<10240x64xf32, #tpu.memory_space<vmem_shared>> -> memref<10240x64xf32, #tpu.memory_space<vmem_shared>>
        tpu.wait_indirect_dma semaphore(%arg12 : memref<!tpu.dma_semaphore, #tpu.memory_space<semaphore_mem>>) src(%dma_wait3A_525 : memref<80x64xf32, #tpu.memory_space<vmem>>) dst(%dma_wait3A_531 : memref<10240x64xf32, #tpu.memory_space<vmem_shared>>)
        %mul3A_532 = arith.constant 5 : i32
        %mul3A_533 = arith.muli %rem3A_459, %mul3A_532 : i32
        %add3A_534 = arith.constant 4 : i32
        %add3A_535 = arith.addi %mul3A_533, %add3A_534 : i32
        %mul3A_536 = arith.constant 5 : i32
        %mul3A_537 = arith.muli %sub3A_455, %mul3A_536 : i32
        %add3A_538 = arith.constant 4 : i32
        %add3A_539 = arith.addi %mul3A_537, %add3A_538 : i32
        %dma_wait3A_540 = arith.constant 0 : i32
        %dma_wait3A_541 = arith.constant 0 : i32
        %dma_wait3A_542 = tpu.memref_slice %arg8[%add3A_535, %dma_wait3A_540, %dma_wait3A_541] : memref<10x80x64xf32, #tpu.memory_space<vmem>> -> memref<1x80x64xf32, #tpu.memory_space<vmem>>
        %dma_wait3A_543 = tpu.memref_squeeze %dma_wait3A_542 : memref<1x80x64xf32, #tpu.memory_space<vmem>> -> memref<80x64xf32, #tpu.memory_space<vmem>>
        %dma_wait3A_544 = arith.constant 0 : i32
        %dma_wait3A_545 = tpu.memref_slice %arg7[%add3A_539, %dma_wait3A_544] : memref<125x80xi32, #tpu.memory_space<vmem>> -> memref<1x80xi32, #tpu.memory_space<vmem>>
        %dma_wait3A_546 = tpu.memref_squeeze %dma_wait3A_545 : memref<1x80xi32, #tpu.memory_space<vmem>> -> memref<80xi32, #tpu.memory_space<vmem>>
        %dma_wait3A_547 = arith.constant 0 : i32
        %dma_wait3A_548 = arith.constant 0 : i32
        %dma_wait3A_549 = tpu.memref_slice %arg10[%dma_wait3A_547, %dma_wait3A_548] : memref<10240x64xf32, #tpu.memory_space<vmem_shared>> -> memref<10240x64xf32, #tpu.memory_space<vmem_shared>>
        tpu.wait_indirect_dma semaphore(%arg12 : memref<!tpu.dma_semaphore, #tpu.memory_space<semaphore_mem>>) src(%dma_wait3A_543 : memref<80x64xf32, #tpu.memory_space<vmem>>) dst(%dma_wait3A_549 : memref<10240x64xf32, #tpu.memory_space<vmem_shared>>)
      } else {
      }
      %add3A_306 = arith.constant 2 : i32
      %add3A_307 = arith.addi %scan3A_211, %add3A_306 : i32
      %sub3A = arith.constant 1 : i32
      %sub3A_308 = arith.subi %add3A_307, %sub3A : i32
      %lt3A = arith.constant 25 : i32
      %lt3A_309 = arith.cmpi slt, %sub3A_308, %lt3A : i32
      %convert_element_type3A_310 = arith.extui %lt3A_309 : i1 to i32
      %cond3A_311 = arith.constant 0 : i32
      %cond3A_312 = arith.cmpi ne, %convert_element_type3A_310, %cond3A_311 : i32
      scf.if %cond3A_312 {
        %add3A_454 = arith.constant 2 : i32
        %add3A_455 = arith.addi %scan3A_211, %add3A_454 : i32
        %sub3A_456 = arith.constant 1 : i32
        %sub3A_457 = arith.subi %add3A_455, %sub3A_456 : i32
        %rem3A_458 = arith.constant 2 : i32
        %rem3A_459 = arith.remsi %sub3A_457, %rem3A_458 : i32
        %mul3A_460 = arith.constant 5 : i32
        %mul3A_461 = arith.muli %sub3A_457, %mul3A_460 : i32
        %add3A_462 = arith.constant 0 : i32
        %add3A_463 = arith.addi %mul3A_461, %add3A_462 : i32
        %mul3A_464 = arith.constant 5 : i32
        %mul3A_465 = arith.muli %rem3A_459, %mul3A_464 : i32
        %add3A_466 = arith.constant 0 : i32
        %add3A_467 = arith.addi %mul3A_465, %add3A_466 : i32
        %dma_start3A_468 = arith.constant 0 : i32
        %dma_start3A_469 = arith.constant 0 : i32
        %dma_start3A_470 = tpu.memref_slice %arg8[%add3A_467, %dma_start3A_468, %dma_start3A_469] : memref<10x80x64xf32, #tpu.memory_space<vmem>> -> memref<1x80x64xf32, #tpu.memory_space<vmem>>
        %dma_start3A_471 = tpu.memref_squeeze %dma_start3A_470 : memref<1x80x64xf32, #tpu.memory_space<vmem>> -> memref<80x64xf32, #tpu.memory_space<vmem>>
        %dma_start3A_472 = arith.constant 0 : i32
        %dma_start3A_473 = tpu.memref_slice %arg6[%add3A_463, %dma_start3A_472] : memref<125x80xi32, #tpu.memory_space<vmem>> -> memref<1x80xi32, #tpu.memory_space<vmem>>
        %dma_start3A_474 = tpu.memref_squeeze %dma_start3A_473 : memref<1x80xi32, #tpu.memory_space<vmem>> -> memref<80xi32, #tpu.memory_space<vmem>>
        %dma_start3A_475 = arith.constant 0 : i32
        %dma_start3A_476 = arith.constant 0 : i32
        %dma_start3A_477 = tpu.memref_slice %arg2[%dma_start3A_475, %dma_start3A_476] : memref<10000x64xf32, #tpu.memory_space<hbm>> -> memref<10000x64xf32, #tpu.memory_space<hbm>>
        tpu.enqueue_indirect_dma source(%dma_start3A_477 : memref<10000x64xf32, #tpu.memory_space<hbm>>) target(%dma_start3A_471 : memref<80x64xf32, #tpu.memory_space<vmem>>) offsets(%dma_start3A_474 : memref<80xi32, #tpu.memory_space<vmem>>) semaphore(%arg11 : memref<!tpu.dma_semaphore, #tpu.memory_space<semaphore_mem>>)
        %mul3A_478 = arith.constant 5 : i32
        %mul3A_479 = arith.muli %sub3A_457, %mul3A_478 : i32
        %add3A_480 = arith.constant 1 : i32
        %add3A_481 = arith.addi %mul3A_479, %add3A_480 : i32
        %mul3A_482 = arith.constant 5 : i32
        %mul3A_483 = arith.muli %rem3A_459, %mul3A_482 : i32
        %add3A_484 = arith.constant 1 : i32
        %add3A_485 = arith.addi %mul3A_483, %add3A_484 : i32
        %dma_start3A_486 = arith.constant 0 : i32
        %dma_start3A_487 = arith.constant 0 : i32
        %dma_start3A_488 = tpu.memref_slice %arg8[%add3A_485, %dma_start3A_486, %dma_start3A_487] : memref<10x80x64xf32, #tpu.memory_space<vmem>> -> memref<1x80x64xf32, #tpu.memory_space<vmem>>
        %dma_start3A_489 = tpu.memref_squeeze %dma_start3A_488 : memref<1x80x64xf32, #tpu.memory_space<vmem>> -> memref<80x64xf32, #tpu.memory_space<vmem>>
        %dma_start3A_490 = arith.constant 0 : i32
        %dma_start3A_491 = tpu.memref_slice %arg6[%add3A_481, %dma_start3A_490] : memref<125x80xi32, #tpu.memory_space<vmem>> -> memref<1x80xi32, #tpu.memory_space<vmem>>
        %dma_start3A_492 = tpu.memref_squeeze %dma_start3A_491 : memref<1x80xi32, #tpu.memory_space<vmem>> -> memref<80xi32, #tpu.memory_space<vmem>>
        %dma_start3A_493 = arith.constant 0 : i32
        %dma_start3A_494 = arith.constant 0 : i32
        %dma_start3A_495 = tpu.memref_slice %arg2[%dma_start3A_493, %dma_start3A_494] : memref<10000x64xf32, #tpu.memory_space<hbm>> -> memref<10000x64xf32, #tpu.memory_space<hbm>>
        tpu.enqueue_indirect_dma source(%dma_start3A_495 : memref<10000x64xf32, #tpu.memory_space<hbm>>) target(%dma_start3A_489 : memref<80x64xf32, #tpu.memory_space<vmem>>) offsets(%dma_start3A_492 : memref<80xi32, #tpu.memory_space<vmem>>) semaphore(%arg11 : memref<!tpu.dma_semaphore, #tpu.memory_space<semaphore_mem>>)
        %mul3A_496 = arith.constant 5 : i32
        %mul3A_497 = arith.muli %sub3A_457, %mul3A_496 : i32
        %add3A_498 = arith.constant 2 : i32
        %add3A_499 = arith.addi %mul3A_497, %add3A_498 : i32
        %mul3A_500 = arith.constant 5 : i32
        %mul3A_501 = arith.muli %rem3A_459, %mul3A_500 : i32
        %add3A_502 = arith.constant 2 : i32
        %add3A_503 = arith.addi %mul3A_501, %add3A_502 : i32
        %dma_start3A_504 = arith.constant 0 : i32
        %dma_start3A_505 = arith.constant 0 : i32
        %dma_start3A_506 = tpu.memref_slice %arg8[%add3A_503, %dma_start3A_504, %dma_start3A_505] : memref<10x80x64xf32, #tpu.memory_space<vmem>> -> memref<1x80x64xf32, #tpu.memory_space<vmem>>
        %dma_start3A_507 = tpu.memref_squeeze %dma_start3A_506 : memref<1x80x64xf32, #tpu.memory_space<vmem>> -> memref<80x64xf32, #tpu.memory_space<vmem>>
        %dma_start3A_508 = arith.constant 0 : i32
        %dma_start3A_509 = tpu.memref_slice %arg6[%add3A_499, %dma_start3A_508] : memref<125x80xi32, #tpu.memory_space<vmem>> -> memref<1x80xi32, #tpu.memory_space<vmem>>
        %dma_start3A_510 = tpu.memref_squeeze %dma_start3A_509 : memref<1x80xi32, #tpu.memory_space<vmem>> -> memref<80xi32, #tpu.memory_space<vmem>>
        %dma_start3A_511 = arith.constant 0 : i32
        %dma_start3A_512 = arith.constant 0 : i32
        %dma_start3A_513 = tpu.memref_slice %arg2[%dma_start3A_511, %dma_start3A_512] : memref<10000x64xf32, #tpu.memory_space<hbm>> -> memref<10000x64xf32, #tpu.memory_space<hbm>>
        tpu.enqueue_indirect_dma source(%dma_start3A_513 : memref<10000x64xf32, #tpu.memory_space<hbm>>) target(%dma_start3A_507 : memref<80x64xf32, #tpu.memory_space<vmem>>) offsets(%dma_start3A_510 : memref<80xi32, #tpu.memory_space<vmem>>) semaphore(%arg11 : memref<!tpu.dma_semaphore, #tpu.memory_space<semaphore_mem>>)
        %mul3A_514 = arith.constant 5 : i32
        %mul3A_515 = arith.muli %sub3A_457, %mul3A_514 : i32
        %add3A_516 = arith.constant 3 : i32
        %add3A_517 = arith.addi %mul3A_515, %add3A_516 : i32
        %mul3A_518 = arith.constant 5 : i32
        %mul3A_519 = arith.muli %rem3A_459, %mul3A_518 : i32
        %add3A_520 = arith.constant 3 : i32
        %add3A_521 = arith.addi %mul3A_519, %add3A_520 : i32
        %dma_start3A_522 = arith.constant 0 : i32
        %dma_start3A_523 = arith.constant 0 : i32
        %dma_start3A_524 = tpu.memref_slice %arg8[%add3A_521, %dma_start3A_522, %dma_start3A_523] : memref<10x80x64xf32, #tpu.memory_space<vmem>> -> memref<1x80x64xf32, #tpu.memory_space<vmem>>
        %dma_start3A_525 = tpu.memref_squeeze %dma_start3A_524 : memref<1x80x64xf32, #tpu.memory_space<vmem>> -> memref<80x64xf32, #tpu.memory_space<vmem>>
        %dma_start3A_526 = arith.constant 0 : i32
        %dma_start3A_527 = tpu.memref_slice %arg6[%add3A_517, %dma_start3A_526] : memref<125x80xi32, #tpu.memory_space<vmem>> -> memref<1x80xi32, #tpu.memory_space<vmem>>
        %dma_start3A_528 = tpu.memref_squeeze %dma_start3A_527 : memref<1x80xi32, #tpu.memory_space<vmem>> -> memref<80xi32, #tpu.memory_space<vmem>>
        %dma_start3A_529 = arith.constant 0 : i32
        %dma_start3A_530 = arith.constant 0 : i32
        %dma_start3A_531 = tpu.memref_slice %arg2[%dma_start3A_529, %dma_start3A_530] : memref<10000x64xf32, #tpu.memory_space<hbm>> -> memref<10000x64xf32, #tpu.memory_space<hbm>>
        tpu.enqueue_indirect_dma source(%dma_start3A_531 : memref<10000x64xf32, #tpu.memory_space<hbm>>) target(%dma_start3A_525 : memref<80x64xf32, #tpu.memory_space<vmem>>) offsets(%dma_start3A_528 : memref<80xi32, #tpu.memory_space<vmem>>) semaphore(%arg11 : memref<!tpu.dma_semaphore, #tpu.memory_space<semaphore_mem>>)
        %mul3A_532 = arith.constant 5 : i32
        %mul3A_533 = arith.muli %sub3A_457, %mul3A_532 : i32
        %add3A_534 = arith.constant 4 : i32
        %add3A_535 = arith.addi %mul3A_533, %add3A_534 : i32
        %mul3A_536 = arith.constant 5 : i32
        %mul3A_537 = arith.muli %rem3A_459, %mul3A_536 : i32
        %add3A_538 = arith.constant 4 : i32
        %add3A_539 = arith.addi %mul3A_537, %add3A_538 : i32
        %dma_start3A_540 = arith.constant 0 : i32
        %dma_start3A_541 = arith.constant 0 : i32
        %dma_start3A_542 = tpu.memref_slice %arg8[%add3A_539, %dma_start3A_540, %dma_start3A_541] : memref<10x80x64xf32, #tpu.memory_space<vmem>> -> memref<1x80x64xf32, #tpu.memory_space<vmem>>
        %dma_start3A_543 = tpu.memref_squeeze %dma_start3A_542 : memref<1x80x64xf32, #tpu.memory_space<vmem>> -> memref<80x64xf32, #tpu.memory_space<vmem>>
        %dma_start3A_544 = arith.constant 0 : i32
        %dma_start3A_545 = tpu.memref_slice %arg6[%add3A_535, %dma_start3A_544] : memref<125x80xi32, #tpu.memory_space<vmem>> -> memref<1x80xi32, #tpu.memory_space<vmem>>
        %dma_start3A_546 = tpu.memref_squeeze %dma_start3A_545 : memref<1x80xi32, #tpu.memory_space<vmem>> -> memref<80xi32, #tpu.memory_space<vmem>>
        %dma_start3A_547 = arith.constant 0 : i32
        %dma_start3A_548 = arith.constant 0 : i32
        %dma_start3A_549 = tpu.memref_slice %arg2[%dma_start3A_547, %dma_start3A_548] : memref<10000x64xf32, #tpu.memory_space<hbm>> -> memref<10000x64xf32, #tpu.memory_space<hbm>>
        tpu.enqueue_indirect_dma source(%dma_start3A_549 : memref<10000x64xf32, #tpu.memory_space<hbm>>) target(%dma_start3A_543 : memref<80x64xf32, #tpu.memory_space<vmem>>) offsets(%dma_start3A_546 : memref<80xi32, #tpu.memory_space<vmem>>) semaphore(%arg11 : memref<!tpu.dma_semaphore, #tpu.memory_space<semaphore_mem>>)
      } else {
      }
      %mul3A_313 = arith.constant 5 : i32
      %mul3A_314 = arith.muli %rem3A_213, %mul3A_313 : i32
      %add3A_315 = arith.constant 0 : i32
      %add3A_316 = arith.addi %mul3A_314, %add3A_315 : i32
      %mul3A_317 = arith.constant 5 : i32
      %mul3A_318 = arith.muli %scan3A_211, %mul3A_317 : i32
      %add3A_319 = arith.constant 0 : i32
      %add3A_320 = arith.addi %mul3A_318, %add3A_319 : i32
      %dma_start3A_321 = arith.constant 0 : i32
      %dma_start3A_322 = arith.constant 0 : i32
      %dma_start3A_323 = tpu.memref_slice %arg8[%add3A_316, %dma_start3A_321, %dma_start3A_322] : memref<10x80x64xf32, #tpu.memory_space<vmem>> -> memref<1x80x64xf32, #tpu.memory_space<vmem>>
      %dma_start3A_324 = tpu.memref_squeeze %dma_start3A_323 : memref<1x80x64xf32, #tpu.memory_space<vmem>> -> memref<80x64xf32, #tpu.memory_space<vmem>>
      %dma_start3A_325 = arith.constant 0 : i32
      %dma_start3A_326 = tpu.memref_slice %arg7[%add3A_320, %dma_start3A_325] : memref<125x80xi32, #tpu.memory_space<vmem>> -> memref<1x80xi32, #tpu.memory_space<vmem>>
      %dma_start3A_327 = tpu.memref_squeeze %dma_start3A_326 : memref<1x80xi32, #tpu.memory_space<vmem>> -> memref<80xi32, #tpu.memory_space<vmem>>
      %dma_start3A_328 = arith.constant 0 : i32
      %dma_start3A_329 = arith.constant 0 : i32
      %dma_start3A_330 = tpu.memref_slice %arg10[%dma_start3A_328, %dma_start3A_329] : memref<10240x64xf32, #tpu.memory_space<vmem_shared>> -> memref<10240x64xf32, #tpu.memory_space<vmem_shared>>
      tpu.enqueue_indirect_dma source(%dma_start3A_324 : memref<80x64xf32, #tpu.memory_space<vmem>>) target(%dma_start3A_330 : memref<10240x64xf32, #tpu.memory_space<vmem_shared>>) offsets(%dma_start3A_327 : memref<80xi32, #tpu.memory_space<vmem>>) semaphore(%arg12 : memref<!tpu.dma_semaphore, #tpu.memory_space<semaphore_mem>>) {add = true}
      %mul3A_331 = arith.constant 5 : i32
      %mul3A_332 = arith.muli %scan3A_211, %mul3A_331 : i32
      %add3A_333 = arith.constant 0 : i32
      %add3A_334 = arith.addi %mul3A_332, %add3A_333 : i32
      %dma_start3A_335 = arith.constant 0 : i32
      %dma_start3A_336 = tpu.memref_slice %arg7[%add3A_334, %dma_start3A_335] : memref<125x80xi32, #tpu.memory_space<vmem>> -> memref<1x80xi32, #tpu.memory_space<vmem>>
      %dma_start3A_337 = tpu.memref_squeeze %dma_start3A_336 : memref<1x80xi32, #tpu.memory_space<vmem>> -> memref<80xi32, #tpu.memory_space<vmem>>
      %dma_start3A_338 = arith.constant 0 : i32
      %dma_start3A_339 = arith.constant 0 : i32
      %dma_start3A_340 = tpu.memref_slice %arg15[%dma_start3A_338, %dma_start3A_339] : memref<10240x16xf32, #tpu.memory_space<vmem_shared>> -> memref<10240x16xf32, #tpu.memory_space<vmem_shared>>
      tpu.enqueue_indirect_dma source(%arg13 : memref<80x16xf32, #tpu.memory_space<vmem>>) target(%dma_start3A_340 : memref<10240x16xf32, #tpu.memory_space<vmem_shared>>) offsets(%dma_start3A_337 : memref<80xi32, #tpu.memory_space<vmem>>) semaphore(%arg16 : memref<!tpu.dma_semaphore, #tpu.memory_space<semaphore_mem>>) {add = true}
      %mul3A_341 = arith.constant 5 : i32
      %mul3A_342 = arith.muli %rem3A_213, %mul3A_341 : i32
      %add3A_343 = arith.constant 1 : i32
      %add3A_344 = arith.addi %mul3A_342, %add3A_343 : i32
      %mul3A_345 = arith.constant 5 : i32
      %mul3A_346 = arith.muli %scan3A_211, %mul3A_345 : i32
      %add3A_347 = arith.constant 1 : i32
      %add3A_348 = arith.addi %mul3A_346, %add3A_347 : i32
      %dma_start3A_349 = arith.constant 0 : i32
      %dma_start3A_350 = arith.constant 0 : i32
      %dma_start3A_351 = tpu.memref_slice %arg8[%add3A_344, %dma_start3A_349, %dma_start3A_350] : memref<10x80x64xf32, #tpu.memory_space<vmem>> -> memref<1x80x64xf32, #tpu.memory_space<vmem>>
      %dma_start3A_352 = tpu.memref_squeeze %dma_start3A_351 : memref<1x80x64xf32, #tpu.memory_space<vmem>> -> memref<80x64xf32, #tpu.memory_space<vmem>>
      %dma_start3A_353 = arith.constant 0 : i32
      %dma_start3A_354 = tpu.memref_slice %arg7[%add3A_348, %dma_start3A_353] : memref<125x80xi32, #tpu.memory_space<vmem>> -> memref<1x80xi32, #tpu.memory_space<vmem>>
      %dma_start3A_355 = tpu.memref_squeeze %dma_start3A_354 : memref<1x80xi32, #tpu.memory_space<vmem>> -> memref<80xi32, #tpu.memory_space<vmem>>
      %dma_start3A_356 = arith.constant 0 : i32
      %dma_start3A_357 = arith.constant 0 : i32
      %dma_start3A_358 = tpu.memref_slice %arg10[%dma_start3A_356, %dma_start3A_357] : memref<10240x64xf32, #tpu.memory_space<vmem_shared>> -> memref<10240x64xf32, #tpu.memory_space<vmem_shared>>
      tpu.enqueue_indirect_dma source(%dma_start3A_352 : memref<80x64xf32, #tpu.memory_space<vmem>>) target(%dma_start3A_358 : memref<10240x64xf32, #tpu.memory_space<vmem_shared>>) offsets(%dma_start3A_355 : memref<80xi32, #tpu.memory_space<vmem>>) semaphore(%arg12 : memref<!tpu.dma_semaphore, #tpu.memory_space<semaphore_mem>>) {add = true}
      %mul3A_359 = arith.constant 5 : i32
      %mul3A_360 = arith.muli %scan3A_211, %mul3A_359 : i32
      %add3A_361 = arith.constant 1 : i32
      %add3A_362 = arith.addi %mul3A_360, %add3A_361 : i32
      %dma_start3A_363 = arith.constant 0 : i32
      %dma_start3A_364 = tpu.memref_slice %arg7[%add3A_362, %dma_start3A_363] : memref<125x80xi32, #tpu.memory_space<vmem>> -> memref<1x80xi32, #tpu.memory_space<vmem>>
      %dma_start3A_365 = tpu.memref_squeeze %dma_start3A_364 : memref<1x80xi32, #tpu.memory_space<vmem>> -> memref<80xi32, #tpu.memory_space<vmem>>
      %dma_start3A_366 = arith.constant 0 : i32
      %dma_start3A_367 = arith.constant 0 : i32
      %dma_start3A_368 = tpu.memref_slice %arg15[%dma_start3A_366, %dma_start3A_367] : memref<10240x16xf32, #tpu.memory_space<vmem_shared>> -> memref<10240x16xf32, #tpu.memory_space<vmem_shared>>
      tpu.enqueue_indirect_dma source(%arg13 : memref<80x16xf32, #tpu.memory_space<vmem>>) target(%dma_start3A_368 : memref<10240x16xf32, #tpu.memory_space<vmem_shared>>) offsets(%dma_start3A_365 : memref<80xi32, #tpu.memory_space<vmem>>) semaphore(%arg16 : memref<!tpu.dma_semaphore, #tpu.memory_space<semaphore_mem>>) {add = true}
      %mul3A_369 = arith.constant 5 : i32
      %mul3A_370 = arith.muli %rem3A_213, %mul3A_369 : i32
      %add3A_371 = arith.constant 2 : i32
      %add3A_372 = arith.addi %mul3A_370, %add3A_371 : i32
      %mul3A_373 = arith.constant 5 : i32
      %mul3A_374 = arith.muli %scan3A_211, %mul3A_373 : i32
      %add3A_375 = arith.constant 2 : i32
      %add3A_376 = arith.addi %mul3A_374, %add3A_375 : i32
      %dma_start3A_377 = arith.constant 0 : i32
      %dma_start3A_378 = arith.constant 0 : i32
      %dma_start3A_379 = tpu.memref_slice %arg8[%add3A_372, %dma_start3A_377, %dma_start3A_378] : memref<10x80x64xf32, #tpu.memory_space<vmem>> -> memref<1x80x64xf32, #tpu.memory_space<vmem>>
      %dma_start3A_380 = tpu.memref_squeeze %dma_start3A_379 : memref<1x80x64xf32, #tpu.memory_space<vmem>> -> memref<80x64xf32, #tpu.memory_space<vmem>>
      %dma_start3A_381 = arith.constant 0 : i32
      %dma_start3A_382 = tpu.memref_slice %arg7[%add3A_376, %dma_start3A_381] : memref<125x80xi32, #tpu.memory_space<vmem>> -> memref<1x80xi32, #tpu.memory_space<vmem>>
      %dma_start3A_383 = tpu.memref_squeeze %dma_start3A_382 : memref<1x80xi32, #tpu.memory_space<vmem>> -> memref<80xi32, #tpu.memory_space<vmem>>
      %dma_start3A_384 = arith.constant 0 : i32
      %dma_start3A_385 = arith.constant 0 : i32
      %dma_start3A_386 = tpu.memref_slice %arg10[%dma_start3A_384, %dma_start3A_385] : memref<10240x64xf32, #tpu.memory_space<vmem_shared>> -> memref<10240x64xf32, #tpu.memory_space<vmem_shared>>
      tpu.enqueue_indirect_dma source(%dma_start3A_380 : memref<80x64xf32, #tpu.memory_space<vmem>>) target(%dma_start3A_386 : memref<10240x64xf32, #tpu.memory_space<vmem_shared>>) offsets(%dma_start3A_383 : memref<80xi32, #tpu.memory_space<vmem>>) semaphore(%arg12 : memref<!tpu.dma_semaphore, #tpu.memory_space<semaphore_mem>>) {add = true}
      %mul3A_387 = arith.constant 5 : i32
      %mul3A_388 = arith.muli %scan3A_211, %mul3A_387 : i32
      %add3A_389 = arith.constant 2 : i32
      %add3A_390 = arith.addi %mul3A_388, %add3A_389 : i32
      %dma_start3A_391 = arith.constant 0 : i32
      %dma_start3A_392 = tpu.memref_slice %arg7[%add3A_390, %dma_start3A_391] : memref<125x80xi32, #tpu.memory_space<vmem>> -> memref<1x80xi32, #tpu.memory_space<vmem>>
      %dma_start3A_393 = tpu.memref_squeeze %dma_start3A_392 : memref<1x80xi32, #tpu.memory_space<vmem>> -> memref<80xi32, #tpu.memory_space<vmem>>
      %dma_start3A_394 = arith.constant 0 : i32
      %dma_start3A_395 = arith.constant 0 : i32
      %dma_start3A_396 = tpu.memref_slice %arg15[%dma_start3A_394, %dma_start3A_395] : memref<10240x16xf32, #tpu.memory_space<vmem_shared>> -> memref<10240x16xf32, #tpu.memory_space<vmem_shared>>
      tpu.enqueue_indirect_dma source(%arg13 : memref<80x16xf32, #tpu.memory_space<vmem>>) target(%dma_start3A_396 : memref<10240x16xf32, #tpu.memory_space<vmem_shared>>) offsets(%dma_start3A_393 : memref<80xi32, #tpu.memory_space<vmem>>) semaphore(%arg16 : memref<!tpu.dma_semaphore, #tpu.memory_space<semaphore_mem>>) {add = true}
      %mul3A_397 = arith.constant 5 : i32
      %mul3A_398 = arith.muli %rem3A_213, %mul3A_397 : i32
      %add3A_399 = arith.constant 3 : i32
      %add3A_400 = arith.addi %mul3A_398, %add3A_399 : i32
      %mul3A_401 = arith.constant 5 : i32
      %mul3A_402 = arith.muli %scan3A_211, %mul3A_401 : i32
      %add3A_403 = arith.constant 3 : i32
      %add3A_404 = arith.addi %mul3A_402, %add3A_403 : i32
      %dma_start3A_405 = arith.constant 0 : i32
      %dma_start3A_406 = arith.constant 0 : i32
      %dma_start3A_407 = tpu.memref_slice %arg8[%add3A_400, %dma_start3A_405, %dma_start3A_406] : memref<10x80x64xf32, #tpu.memory_space<vmem>> -> memref<1x80x64xf32, #tpu.memory_space<vmem>>
      %dma_start3A_408 = tpu.memref_squeeze %dma_start3A_407 : memref<1x80x64xf32, #tpu.memory_space<vmem>> -> memref<80x64xf32, #tpu.memory_space<vmem>>
      %dma_start3A_409 = arith.constant 0 : i32
      %dma_start3A_410 = tpu.memref_slice %arg7[%add3A_404, %dma_start3A_409] : memref<125x80xi32, #tpu.memory_space<vmem>> -> memref<1x80xi32, #tpu.memory_space<vmem>>
      %dma_start3A_411 = tpu.memref_squeeze %dma_start3A_410 : memref<1x80xi32, #tpu.memory_space<vmem>> -> memref<80xi32, #tpu.memory_space<vmem>>
      %dma_start3A_412 = arith.constant 0 : i32
      %dma_start3A_413 = arith.constant 0 : i32
      %dma_start3A_414 = tpu.memref_slice %arg10[%dma_start3A_412, %dma_start3A_413] : memref<10240x64xf32, #tpu.memory_space<vmem_shared>> -> memref<10240x64xf32, #tpu.memory_space<vmem_shared>>
      tpu.enqueue_indirect_dma source(%dma_start3A_408 : memref<80x64xf32, #tpu.memory_space<vmem>>) target(%dma_start3A_414 : memref<10240x64xf32, #tpu.memory_space<vmem_shared>>) offsets(%dma_start3A_411 : memref<80xi32, #tpu.memory_space<vmem>>) semaphore(%arg12 : memref<!tpu.dma_semaphore, #tpu.memory_space<semaphore_mem>>) {add = true}
      %mul3A_415 = arith.constant 5 : i32
      %mul3A_416 = arith.muli %scan3A_211, %mul3A_415 : i32
      %add3A_417 = arith.constant 3 : i32
      %add3A_418 = arith.addi %mul3A_416, %add3A_417 : i32
      %dma_start3A_419 = arith.constant 0 : i32
      %dma_start3A_420 = tpu.memref_slice %arg7[%add3A_418, %dma_start3A_419] : memref<125x80xi32, #tpu.memory_space<vmem>> -> memref<1x80xi32, #tpu.memory_space<vmem>>
      %dma_start3A_421 = tpu.memref_squeeze %dma_start3A_420 : memref<1x80xi32, #tpu.memory_space<vmem>> -> memref<80xi32, #tpu.memory_space<vmem>>
      %dma_start3A_422 = arith.constant 0 : i32
      %dma_start3A_423 = arith.constant 0 : i32
      %dma_start3A_424 = tpu.memref_slice %arg15[%dma_start3A_422, %dma_start3A_423] : memref<10240x16xf32, #tpu.memory_space<vmem_shared>> -> memref<10240x16xf32, #tpu.memory_space<vmem_shared>>
      tpu.enqueue_indirect_dma source(%arg13 : memref<80x16xf32, #tpu.memory_space<vmem>>) target(%dma_start3A_424 : memref<10240x16xf32, #tpu.memory_space<vmem_shared>>) offsets(%dma_start3A_421 : memref<80xi32, #tpu.memory_space<vmem>>) semaphore(%arg16 : memref<!tpu.dma_semaphore, #tpu.memory_space<semaphore_mem>>) {add = true}
      %mul3A_425 = arith.constant 5 : i32
      %mul3A_426 = arith.muli %rem3A_213, %mul3A_425 : i32
      %add3A_427 = arith.constant 4 : i32
      %add3A_428 = arith.addi %mul3A_426, %add3A_427 : i32
      %mul3A_429 = arith.constant 5 : i32
      %mul3A_430 = arith.muli %scan3A_211, %mul3A_429 : i32
      %add3A_431 = arith.constant 4 : i32
      %add3A_432 = arith.addi %mul3A_430, %add3A_431 : i32
      %dma_start3A_433 = arith.constant 0 : i32
      %dma_start3A_434 = arith.constant 0 : i32
      %dma_start3A_435 = tpu.memref_slice %arg8[%add3A_428, %dma_start3A_433, %dma_start3A_434] : memref<10x80x64xf32, #tpu.memory_space<vmem>> -> memref<1x80x64xf32, #tpu.memory_space<vmem>>
      %dma_start3A_436 = tpu.memref_squeeze %dma_start3A_435 : memref<1x80x64xf32, #tpu.memory_space<vmem>> -> memref<80x64xf32, #tpu.memory_space<vmem>>
      %dma_start3A_437 = arith.constant 0 : i32
      %dma_start3A_438 = tpu.memref_slice %arg7[%add3A_432, %dma_start3A_437] : memref<125x80xi32, #tpu.memory_space<vmem>> -> memref<1x80xi32, #tpu.memory_space<vmem>>
      %dma_start3A_439 = tpu.memref_squeeze %dma_start3A_438 : memref<1x80xi32, #tpu.memory_space<vmem>> -> memref<80xi32, #tpu.memory_space<vmem>>
      %dma_start3A_440 = arith.constant 0 : i32
      %dma_start3A_441 = arith.constant 0 : i32
      %dma_start3A_442 = tpu.memref_slice %arg10[%dma_start3A_440, %dma_start3A_441] : memref<10240x64xf32, #tpu.memory_space<vmem_shared>> -> memref<10240x64xf32, #tpu.memory_space<vmem_shared>>
      tpu.enqueue_indirect_dma source(%dma_start3A_436 : memref<80x64xf32, #tpu.memory_space<vmem>>) target(%dma_start3A_442 : memref<10240x64xf32, #tpu.memory_space<vmem_shared>>) offsets(%dma_start3A_439 : memref<80xi32, #tpu.memory_space<vmem>>) semaphore(%arg12 : memref<!tpu.dma_semaphore, #tpu.memory_space<semaphore_mem>>) {add = true}
      %mul3A_443 = arith.constant 5 : i32
      %mul3A_444 = arith.muli %scan3A_211, %mul3A_443 : i32
      %add3A_445 = arith.constant 4 : i32
      %add3A_446 = arith.addi %mul3A_444, %add3A_445 : i32
      %dma_start3A_447 = arith.constant 0 : i32
      %dma_start3A_448 = tpu.memref_slice %arg7[%add3A_446, %dma_start3A_447] : memref<125x80xi32, #tpu.memory_space<vmem>> -> memref<1x80xi32, #tpu.memory_space<vmem>>
      %dma_start3A_449 = tpu.memref_squeeze %dma_start3A_448 : memref<1x80xi32, #tpu.memory_space<vmem>> -> memref<80xi32, #tpu.memory_space<vmem>>
      %dma_start3A_450 = arith.constant 0 : i32
      %dma_start3A_451 = arith.constant 0 : i32
      %dma_start3A_452 = tpu.memref_slice %arg15[%dma_start3A_450, %dma_start3A_451] : memref<10240x16xf32, #tpu.memory_space<vmem_shared>> -> memref<10240x16xf32, #tpu.memory_space<vmem_shared>>
      tpu.enqueue_indirect_dma source(%arg13 : memref<80x16xf32, #tpu.memory_space<vmem>>) target(%dma_start3A_452 : memref<10240x16xf32, #tpu.memory_space<vmem_shared>>) offsets(%dma_start3A_449 : memref<80xi32, #tpu.memory_space<vmem>>) semaphore(%arg16 : memref<!tpu.dma_semaphore, #tpu.memory_space<semaphore_mem>>) {add = true}
      %scan3A_453 = arith.constant 0 : i32
      scf.yield %scan3A_453 : i32
    }
    %scan3A_137 = arith.constant 25 : i32
    %dma_wait3A = arith.constant 0 : i32
    %dma_wait3A_138 = arith.constant 120 : i32
    %dma_wait3A_139 = arith.constant 0 : i32
    %dma_wait3A_140 = arith.constant 0 : i32
    %dma_wait3A_141 = tpu.memref_slice %arg8[%dma_wait3A, %dma_wait3A_139, %dma_wait3A_140] : memref<10x80x64xf32, #tpu.memory_space<vmem>> -> memref<1x80x64xf32, #tpu.memory_space<vmem>>
    %dma_wait3A_142 = tpu.memref_squeeze %dma_wait3A_141 : memref<1x80x64xf32, #tpu.memory_space<vmem>> -> memref<80x64xf32, #tpu.memory_space<vmem>>
    %dma_wait3A_143 = arith.constant 0 : i32
    %dma_wait3A_144 = tpu.memref_slice %arg7[%dma_wait3A_138, %dma_wait3A_143] : memref<125x80xi32, #tpu.memory_space<vmem>> -> memref<1x80xi32, #tpu.memory_space<vmem>>
    %dma_wait3A_145 = tpu.memref_squeeze %dma_wait3A_144 : memref<1x80xi32, #tpu.memory_space<vmem>> -> memref<80xi32, #tpu.memory_space<vmem>>
    %dma_wait3A_146 = arith.constant 0 : i32
    %dma_wait3A_147 = arith.constant 0 : i32
    %dma_wait3A_148 = tpu.memref_slice %arg10[%dma_wait3A_146, %dma_wait3A_147] : memref<10240x64xf32, #tpu.memory_space<vmem_shared>> -> memref<10240x64xf32, #tpu.memory_space<vmem_shared>>
    tpu.wait_indirect_dma semaphore(%arg12 : memref<!tpu.dma_semaphore, #tpu.memory_space<semaphore_mem>>) src(%dma_wait3A_142 : memref<80x64xf32, #tpu.memory_space<vmem>>) dst(%dma_wait3A_148 : memref<10240x64xf32, #tpu.memory_space<vmem_shared>>)
    %dma_wait3A_149 = arith.constant 1 : i32
    %dma_wait3A_150 = arith.constant 121 : i32
    %dma_wait3A_151 = arith.constant 0 : i32
    %dma_wait3A_152 = arith.constant 0 : i32
    %dma_wait3A_153 = tpu.memref_slice %arg8[%dma_wait3A_149, %dma_wait3A_151, %dma_wait3A_152] : memref<10x80x64xf32, #tpu.memory_space<vmem>> -> memref<1x80x64xf32, #tpu.memory_space<vmem>>
    %dma_wait3A_154 = tpu.memref_squeeze %dma_wait3A_153 : memref<1x80x64xf32, #tpu.memory_space<vmem>> -> memref<80x64xf32, #tpu.memory_space<vmem>>
    %dma_wait3A_155 = arith.constant 0 : i32
    %dma_wait3A_156 = tpu.memref_slice %arg7[%dma_wait3A_150, %dma_wait3A_155] : memref<125x80xi32, #tpu.memory_space<vmem>> -> memref<1x80xi32, #tpu.memory_space<vmem>>
    %dma_wait3A_157 = tpu.memref_squeeze %dma_wait3A_156 : memref<1x80xi32, #tpu.memory_space<vmem>> -> memref<80xi32, #tpu.memory_space<vmem>>
    %dma_wait3A_158 = arith.constant 0 : i32
    %dma_wait3A_159 = arith.constant 0 : i32
    %dma_wait3A_160 = tpu.memref_slice %arg10[%dma_wait3A_158, %dma_wait3A_159] : memref<10240x64xf32, #tpu.memory_space<vmem_shared>> -> memref<10240x64xf32, #tpu.memory_space<vmem_shared>>
    tpu.wait_indirect_dma semaphore(%arg12 : memref<!tpu.dma_semaphore, #tpu.memory_space<semaphore_mem>>) src(%dma_wait3A_154 : memref<80x64xf32, #tpu.memory_space<vmem>>) dst(%dma_wait3A_160 : memref<10240x64xf32, #tpu.memory_space<vmem_shared>>)
    %dma_wait3A_161 = arith.constant 2 : i32
    %dma_wait3A_162 = arith.constant 122 : i32
    %dma_wait3A_163 = arith.constant 0 : i32
    %dma_wait3A_164 = arith.constant 0 : i32
    %dma_wait3A_165 = tpu.memref_slice %arg8[%dma_wait3A_161, %dma_wait3A_163, %dma_wait3A_164] : memref<10x80x64xf32, #tpu.memory_space<vmem>> -> memref<1x80x64xf32, #tpu.memory_space<vmem>>
    %dma_wait3A_166 = tpu.memref_squeeze %dma_wait3A_165 : memref<1x80x64xf32, #tpu.memory_space<vmem>> -> memref<80x64xf32, #tpu.memory_space<vmem>>
    %dma_wait3A_167 = arith.constant 0 : i32
    %dma_wait3A_168 = tpu.memref_slice %arg7[%dma_wait3A_162, %dma_wait3A_167] : memref<125x80xi32, #tpu.memory_space<vmem>> -> memref<1x80xi32, #tpu.memory_space<vmem>>
    %dma_wait3A_169 = tpu.memref_squeeze %dma_wait3A_168 : memref<1x80xi32, #tpu.memory_space<vmem>> -> memref<80xi32, #tpu.memory_space<vmem>>
    %dma_wait3A_170 = arith.constant 0 : i32
    %dma_wait3A_171 = arith.constant 0 : i32
    %dma_wait3A_172 = tpu.memref_slice %arg10[%dma_wait3A_170, %dma_wait3A_171] : memref<10240x64xf32, #tpu.memory_space<vmem_shared>> -> memref<10240x64xf32, #tpu.memory_space<vmem_shared>>
    tpu.wait_indirect_dma semaphore(%arg12 : memref<!tpu.dma_semaphore, #tpu.memory_space<semaphore_mem>>) src(%dma_wait3A_166 : memref<80x64xf32, #tpu.memory_space<vmem>>) dst(%dma_wait3A_172 : memref<10240x64xf32, #tpu.memory_space<vmem_shared>>)
    %dma_wait3A_173 = arith.constant 3 : i32
    %dma_wait3A_174 = arith.constant 123 : i32
    %dma_wait3A_175 = arith.constant 0 : i32
    %dma_wait3A_176 = arith.constant 0 : i32
    %dma_wait3A_177 = tpu.memref_slice %arg8[%dma_wait3A_173, %dma_wait3A_175, %dma_wait3A_176] : memref<10x80x64xf32, #tpu.memory_space<vmem>> -> memref<1x80x64xf32, #tpu.memory_space<vmem>>
    %dma_wait3A_178 = tpu.memref_squeeze %dma_wait3A_177 : memref<1x80x64xf32, #tpu.memory_space<vmem>> -> memref<80x64xf32, #tpu.memory_space<vmem>>
    %dma_wait3A_179 = arith.constant 0 : i32
    %dma_wait3A_180 = tpu.memref_slice %arg7[%dma_wait3A_174, %dma_wait3A_179] : memref<125x80xi32, #tpu.memory_space<vmem>> -> memref<1x80xi32, #tpu.memory_space<vmem>>
    %dma_wait3A_181 = tpu.memref_squeeze %dma_wait3A_180 : memref<1x80xi32, #tpu.memory_space<vmem>> -> memref<80xi32, #tpu.memory_space<vmem>>
    %dma_wait3A_182 = arith.constant 0 : i32
    %dma_wait3A_183 = arith.constant 0 : i32
    %dma_wait3A_184 = tpu.memref_slice %arg10[%dma_wait3A_182, %dma_wait3A_183] : memref<10240x64xf32, #tpu.memory_space<vmem_shared>> -> memref<10240x64xf32, #tpu.memory_space<vmem_shared>>
    tpu.wait_indirect_dma semaphore(%arg12 : memref<!tpu.dma_semaphore, #tpu.memory_space<semaphore_mem>>) src(%dma_wait3A_178 : memref<80x64xf32, #tpu.memory_space<vmem>>) dst(%dma_wait3A_184 : memref<10240x64xf32, #tpu.memory_space<vmem_shared>>)
    %dma_wait3A_185 = arith.constant 4 : i32
    %dma_wait3A_186 = arith.constant 124 : i32
    %dma_wait3A_187 = arith.constant 0 : i32
    %dma_wait3A_188 = arith.constant 0 : i32
    %dma_wait3A_189 = tpu.memref_slice %arg8[%dma_wait3A_185, %dma_wait3A_187, %dma_wait3A_188] : memref<10x80x64xf32, #tpu.memory_space<vmem>> -> memref<1x80x64xf32, #tpu.memory_space<vmem>>
    %dma_wait3A_190 = tpu.memref_squeeze %dma_wait3A_189 : memref<1x80x64xf32, #tpu.memory_space<vmem>> -> memref<80x64xf32, #tpu.memory_space<vmem>>
    %dma_wait3A_191 = arith.constant 0 : i32
    %dma_wait3A_192 = tpu.memref_slice %arg7[%dma_wait3A_186, %dma_wait3A_191] : memref<125x80xi32, #tpu.memory_space<vmem>> -> memref<1x80xi32, #tpu.memory_space<vmem>>
    %dma_wait3A_193 = tpu.memref_squeeze %dma_wait3A_192 : memref<1x80xi32, #tpu.memory_space<vmem>> -> memref<80xi32, #tpu.memory_space<vmem>>
    %dma_wait3A_194 = arith.constant 0 : i32
    %dma_wait3A_195 = arith.constant 0 : i32
    %dma_wait3A_196 = tpu.memref_slice %arg10[%dma_wait3A_194, %dma_wait3A_195] : memref<10240x64xf32, #tpu.memory_space<vmem_shared>> -> memref<10240x64xf32, #tpu.memory_space<vmem_shared>>
    tpu.wait_indirect_dma semaphore(%arg12 : memref<!tpu.dma_semaphore, #tpu.memory_space<semaphore_mem>>) src(%dma_wait3A_190 : memref<80x64xf32, #tpu.memory_space<vmem>>) dst(%dma_wait3A_196 : memref<10240x64xf32, #tpu.memory_space<vmem_shared>>)
    %scan3A_197 = arith.constant 0 : i32
    %scan3A_198 = arith.constant 0 : i32
    %scan3A_199 = arith.constant 125 : i32
    %scan3A_200 = arith.addi %scan3A_198, %scan3A_199 : i32
    %scan3A_201 = arith.constant 1 : i32
    %scan3A_202 = scf.for %scan3A_211 = %scan3A_198 to %scan3A_200 step %scan3A_201 iter_args(%scan3A_212 = %scan3A_197) -> (i32)  : i32 {
      %dma_wait3A_213 = arith.constant 0 : i32
      %dma_wait3A_214 = tpu.memref_slice %arg7[%scan3A_211, %dma_wait3A_213] : memref<125x80xi32, #tpu.memory_space<vmem>> -> memref<1x80xi32, #tpu.memory_space<vmem>>
      %dma_wait3A_215 = tpu.memref_squeeze %dma_wait3A_214 : memref<1x80xi32, #tpu.memory_space<vmem>> -> memref<80xi32, #tpu.memory_space<vmem>>
      %dma_wait3A_216 = arith.constant 0 : i32
      %dma_wait3A_217 = arith.constant 0 : i32
      %dma_wait3A_218 = tpu.memref_slice %arg15[%dma_wait3A_216, %dma_wait3A_217] : memref<10240x16xf32, #tpu.memory_space<vmem_shared>> -> memref<10240x16xf32, #tpu.memory_space<vmem_shared>>
      tpu.wait_indirect_dma semaphore(%arg16 : memref<!tpu.dma_semaphore, #tpu.memory_space<semaphore_mem>>) src(%arg13 : memref<80x16xf32, #tpu.memory_space<vmem>>) dst(%dma_wait3A_218 : memref<10240x16xf32, #tpu.memory_space<vmem_shared>>)
      %scan3A_219 = arith.constant 0 : i32
      scf.yield %scan3A_219 : i32
    }
    %scan3A_203 = arith.constant 125 : i32
    %barrier3A_204 = arith.constant 0 : index
    tpu.barrier barrier_id(%barrier3A_204)
    %mul3A_205 = arith.constant 640 : i32
    %mul3A_206 = arith.muli %arg1, %mul3A_205 : i32
    %mul3A_207 = arith.constant 64 : i32
    %mul3A_208 = arith.muli %arg0, %mul3A_207 : i32
    "tpu.region"() ({
      %run_scoped3A_211 = tpu.sem_alloc : memref<!tpu.dma_semaphore, #tpu.memory_space<semaphore_mem>>
      %dma_start3A_212 = tpu.memref_slice %arg4[%mul3A_206, %mul3A_208] : memref<10240x128xf32, #tpu.memory_space<hbm>> -> memref<640x64xf32, #tpu.memory_space<hbm>>
      %dma_start3A_213 = arith.constant 0 : i32
      %dma_start3A_214 = tpu.memref_slice %arg10[%mul3A_206, %dma_start3A_213] : memref<10240x64xf32, #tpu.memory_space<vmem_shared>> -> memref<640x64xf32, #tpu.memory_space<vmem_shared>>
      tpu.enqueue_dma source(%dma_start3A_214 : memref<640x64xf32, #tpu.memory_space<vmem_shared>>) target(%dma_start3A_212 : memref<640x64xf32, #tpu.memory_space<hbm>>) target_semaphore(%run_scoped3A_211 : memref<!tpu.dma_semaphore, #tpu.memory_space<semaphore_mem>>)
      %dma_wait3A_215 = tpu.memref_slice %arg4[%mul3A_206, %mul3A_208] : memref<10240x128xf32, #tpu.memory_space<hbm>> -> memref<640x64xf32, #tpu.memory_space<hbm>>
      %dma_wait3A_216 = arith.constant 0 : i32
      %dma_wait3A_217 = tpu.memref_slice %arg10[%mul3A_206, %dma_wait3A_216] : memref<10240x64xf32, #tpu.memory_space<vmem_shared>> -> memref<640x64xf32, #tpu.memory_space<vmem_shared>>
      tpu.wait_dma2 semaphore(%run_scoped3A_211 : memref<!tpu.dma_semaphore, #tpu.memory_space<semaphore_mem>>) src(%dma_wait3A_217 : memref<640x64xf32, #tpu.memory_space<vmem_shared>>) dst(%dma_wait3A_215 : memref<640x64xf32, #tpu.memory_space<hbm>>)
      tpu.yield
    }) : () -> ()
    %mul3A_209 = arith.constant 64 : i32
    %mul3A_210 = arith.muli %arg0, %mul3A_209 : i32
    "tpu.region"() ({
      %run_scoped3A_211 = tpu.sem_alloc : memref<!tpu.dma_semaphore, #tpu.memory_space<semaphore_mem>>
      %dma_start3A_212 = tpu.memref_slice %arg5[%mul3A_206, %mul3A_210] : memref<10240x128xf32, #tpu.memory_space<hbm>> -> memref<640x16xf32, #tpu.memory_space<hbm>>
      %dma_start3A_213 = arith.constant 0 : i32
      %dma_start3A_214 = tpu.memref_slice %arg15[%mul3A_206, %dma_start3A_213] : memref<10240x16xf32, #tpu.memory_space<vmem_shared>> -> memref<640x16xf32, #tpu.memory_space<vmem_shared>>
      tpu.enqueue_dma source(%dma_start3A_214 : memref<640x16xf32, #tpu.memory_space<vmem_shared>>) target(%dma_start3A_212 : memref<640x16xf32, #tpu.memory_space<hbm>>) target_semaphore(%run_scoped3A_211 : memref<!tpu.dma_semaphore, #tpu.memory_space<semaphore_mem>>)
      %dma_wait3A_215 = tpu.memref_slice %arg5[%mul3A_206, %mul3A_210] : memref<10240x128xf32, #tpu.memory_space<hbm>> -> memref<640x16xf32, #tpu.memory_space<hbm>>
      %dma_wait3A_216 = arith.constant 0 : i32
      %dma_wait3A_217 = tpu.memref_slice %arg15[%mul3A_206, %dma_wait3A_216] : memref<10240x16xf32, #tpu.memory_space<vmem_shared>> -> memref<640x16xf32, #tpu.memory_space<vmem_shared>>
      tpu.wait_dma2 semaphore(%run_scoped3A_211 : memref<!tpu.dma_semaphore, #tpu.memory_space<semaphore_mem>>) src(%dma_wait3A_217 : memref<640x16xf32, #tpu.memory_space<vmem_shared>>) dst(%dma_wait3A_215 : memref<640x16xf32, #tpu.memory_space<hbm>>)
      tpu.yield
    }) : () -> ()
    return
  }
}

#map = affine_map<(d0, d1) -> (0, 0)>
#map1 = affine_map<(d0, d1) -> (0, 0, 0, 0)>
module attributes {stable_mosaic.version = 14 : i64} {
  func.func @_scatter_body(%arg0: i32, %arg1: i32, %arg2: memref<10000x32xf32, #tpu.memory_space<hbm>>, %arg3: memref<2x32x125x80xi32, #tpu.memory_space<hbm>>, %arg4: memref<10240x128xf32, #tpu.memory_space<hbm>>, %arg5: memref<125x80xi32, #tpu.memory_space<vmem>>, %arg6: memref<125x80xi32, #tpu.memory_space<vmem>>, %arg7: memref<20x80x32xf32, #tpu.memory_space<vmem>>, %arg8: memref<80x32xf32, #tpu.memory_space<vmem>>, %arg9: memref<10240x32xf32, #tpu.memory_space<vmem_shared>>, %arg10: memref<!tpu.dma_semaphore, #tpu.memory_space<semaphore_mem>>, %arg11: memref<!tpu.dma_semaphore, #tpu.memory_space<semaphore_mem>>) attributes {dimension_semantics = [#tpu.dimension_semantics<core_parallel>, #tpu.dimension_semantics<subcore_parallel>], iteration_bounds = array<i64: 2, 16>, scalar_prefetch = 0 : i64, scratch_operands = 7 : i64, tpu.core_type = #tpu.core_type<sc_vector_subcore>, window_params = [{transform_indices = #map}, {transform_indices = #map1}, {transform_indices = #map}]} {
    %mul3A = arith.constant 2 : i32
    %mul3A_0 = arith.muli %arg1, %mul3A : i32
    %add3A = arith.addi %mul3A_0, %arg0 : i32
    %scan3A = arith.constant 0 : i32
    %scan3A_1 = arith.constant 0 : i32
    %scan3A_2 = arith.constant 80 : i32
    %scan3A_3 = arith.addi %scan3A_1, %scan3A_2 : i32
    %scan3A_4 = arith.constant 1 : i32
    %scan3A_5 = scf.for %scan3A_290 = %scan3A_1 to %scan3A_3 step %scan3A_4 iter_args(%scan3A_291 = %scan3A) -> (i32)  : i32 {
      %broadcast_in_dim3A = arith.constant 0.000000e+00 : f32
      %broadcast_in_dim3A_292 = vector.broadcast %broadcast_in_dim3A : f32 to vector<16xf32>
      %swap3A = arith.index_cast %scan3A_290 : i32 to index
      %swap3A_293 = arith.constant 0 : index
      %swap3A_294 = tpu.vector_load %arg8[%swap3A, %swap3A_293] {strides = array<i32>} : memref<80x32xf32, #tpu.memory_space<vmem>>, vector<1x16xf32>,
      %swap3A_295 = vector.shape_cast %swap3A_294 : vector<1x16xf32> to vector<16xf32>
      %swap3A_296 = vector.shape_cast %broadcast_in_dim3A_292 : vector<16xf32> to vector<1x16xf32>
      tpu.vector_store %arg8[%swap3A, %swap3A_293], %swap3A_296 {strides = array<i32>} : memref<80x32xf32, #tpu.memory_space<vmem>>, vector<1x16xf32>,
      %broadcast_in_dim3A_297 = arith.constant 0.000000e+00 : f32
      %broadcast_in_dim3A_298 = vector.broadcast %broadcast_in_dim3A_297 : f32 to vector<16xf32>
      %swap3A_299 = arith.index_cast %scan3A_290 : i32 to index
      %swap3A_300 = arith.constant 16 : index
      %swap3A_301 = tpu.vector_load %arg8[%swap3A_299, %swap3A_300] {strides = array<i32>} : memref<80x32xf32, #tpu.memory_space<vmem>>, vector<1x16xf32>,
      %swap3A_302 = vector.shape_cast %swap3A_301 : vector<1x16xf32> to vector<16xf32>
      %swap3A_303 = vector.shape_cast %broadcast_in_dim3A_298 : vector<16xf32> to vector<1x16xf32>
      tpu.vector_store %arg8[%swap3A_299, %swap3A_300], %swap3A_303 {strides = array<i32>} : memref<80x32xf32, #tpu.memory_space<vmem>>, vector<1x16xf32>,
      %scan3A_304 = arith.constant 0 : i32
      scf.yield %scan3A_304 : i32
    }
    %scan3A_6 = arith.constant 80 : i32
    %mul3A_7 = arith.constant 640 : i32
    %mul3A_8 = arith.muli %arg1, %mul3A_7 : i32
    %add3A_9 = arith.constant 0 : i32
    %add3A_10 = arith.addi %mul3A_8, %add3A_9 : i32
    "tpu.region"() ({
      %run_scoped3A_290 = tpu.sem_alloc : memref<!tpu.dma_semaphore, #tpu.memory_space<semaphore_mem>>
      %dma_start3A_291 = arith.constant 0 : i32
      %dma_start3A_292 = tpu.memref_slice %arg9[%add3A_10, %dma_start3A_291] : memref<10240x32xf32, #tpu.memory_space<vmem_shared>> -> memref<80x32xf32, #tpu.memory_space<vmem_shared>>
      %dma_start3A_293 = arith.constant 0 : i32
      %dma_start3A_294 = tpu.memref_slice %arg9[%add3A_10, %dma_start3A_293] : memref<10240x32xf32, #tpu.memory_space<vmem_shared>> -> memref<80x32xf32, #tpu.memory_space<vmem_shared>>
      tpu.enqueue_dma source(%arg8 : memref<80x32xf32, #tpu.memory_space<vmem>>) target(%dma_start3A_294 : memref<80x32xf32, #tpu.memory_space<vmem_shared>>) target_semaphore(%run_scoped3A_290 : memref<!tpu.dma_semaphore, #tpu.memory_space<semaphore_mem>>)
      %dma_wait3A_295 = arith.constant 0 : i32
      %dma_wait3A_296 = tpu.memref_slice %arg9[%add3A_10, %dma_wait3A_295] : memref<10240x32xf32, #tpu.memory_space<vmem_shared>> -> memref<80x32xf32, #tpu.memory_space<vmem_shared>>
      %dma_wait3A_297 = arith.constant 0 : i32
      %dma_wait3A_298 = tpu.memref_slice %arg9[%add3A_10, %dma_wait3A_297] : memref<10240x32xf32, #tpu.memory_space<vmem_shared>> -> memref<80x32xf32, #tpu.memory_space<vmem_shared>>
      tpu.wait_dma2 semaphore(%run_scoped3A_290 : memref<!tpu.dma_semaphore, #tpu.memory_space<semaphore_mem>>) src(%arg8 : memref<80x32xf32, #tpu.memory_space<vmem>>) dst(%dma_wait3A_298 : memref<80x32xf32, #tpu.memory_space<vmem_shared>>)
      tpu.yield
    }) : () -> ()
    %mul3A_11 = arith.constant 640 : i32
    %mul3A_12 = arith.muli %arg1, %mul3A_11 : i32
    %add3A_13 = arith.constant 80 : i32
    %add3A_14 = arith.addi %mul3A_12, %add3A_13 : i32
    "tpu.region"() ({
      %run_scoped3A_290 = tpu.sem_alloc : memref<!tpu.dma_semaphore, #tpu.memory_space<semaphore_mem>>
      %dma_start3A_291 = arith.constant 0 : i32
      %dma_start3A_292 = tpu.memref_slice %arg9[%add3A_14, %dma_start3A_291] : memref<10240x32xf32, #tpu.memory_space<vmem_shared>> -> memref<80x32xf32, #tpu.memory_space<vmem_shared>>
      %dma_start3A_293 = arith.constant 0 : i32
      %dma_start3A_294 = tpu.memref_slice %arg9[%add3A_14, %dma_start3A_293] : memref<10240x32xf32, #tpu.memory_space<vmem_shared>> -> memref<80x32xf32, #tpu.memory_space<vmem_shared>>
      tpu.enqueue_dma source(%arg8 : memref<80x32xf32, #tpu.memory_space<vmem>>) target(%dma_start3A_294 : memref<80x32xf32, #tpu.memory_space<vmem_shared>>) target_semaphore(%run_scoped3A_290 : memref<!tpu.dma_semaphore, #tpu.memory_space<semaphore_mem>>)
      %dma_wait3A_295 = arith.constant 0 : i32
      %dma_wait3A_296 = tpu.memref_slice %arg9[%add3A_14, %dma_wait3A_295] : memref<10240x32xf32, #tpu.memory_space<vmem_shared>> -> memref<80x32xf32, #tpu.memory_space<vmem_shared>>
      %dma_wait3A_297 = arith.constant 0 : i32
      %dma_wait3A_298 = tpu.memref_slice %arg9[%add3A_14, %dma_wait3A_297] : memref<10240x32xf32, #tpu.memory_space<vmem_shared>> -> memref<80x32xf32, #tpu.memory_space<vmem_shared>>
      tpu.wait_dma2 semaphore(%run_scoped3A_290 : memref<!tpu.dma_semaphore, #tpu.memory_space<semaphore_mem>>) src(%arg8 : memref<80x32xf32, #tpu.memory_space<vmem>>) dst(%dma_wait3A_298 : memref<80x32xf32, #tpu.memory_space<vmem_shared>>)
      tpu.yield
    }) : () -> ()
    %mul3A_15 = arith.constant 640 : i32
    %mul3A_16 = arith.muli %arg1, %mul3A_15 : i32
    %add3A_17 = arith.constant 160 : i32
    %add3A_18 = arith.addi %mul3A_16, %add3A_17 : i32
    "tpu.region"() ({
      %run_scoped3A_290 = tpu.sem_alloc : memref<!tpu.dma_semaphore, #tpu.memory_space<semaphore_mem>>
      %dma_start3A_291 = arith.constant 0 : i32
      %dma_start3A_292 = tpu.memref_slice %arg9[%add3A_18, %dma_start3A_291] : memref<10240x32xf32, #tpu.memory_space<vmem_shared>> -> memref<80x32xf32, #tpu.memory_space<vmem_shared>>
      %dma_start3A_293 = arith.constant 0 : i32
      %dma_start3A_294 = tpu.memref_slice %arg9[%add3A_18, %dma_start3A_293] : memref<10240x32xf32, #tpu.memory_space<vmem_shared>> -> memref<80x32xf32, #tpu.memory_space<vmem_shared>>
      tpu.enqueue_dma source(%arg8 : memref<80x32xf32, #tpu.memory_space<vmem>>) target(%dma_start3A_294 : memref<80x32xf32, #tpu.memory_space<vmem_shared>>) target_semaphore(%run_scoped3A_290 : memref<!tpu.dma_semaphore, #tpu.memory_space<semaphore_mem>>)
      %dma_wait3A_295 = arith.constant 0 : i32
      %dma_wait3A_296 = tpu.memref_slice %arg9[%add3A_18, %dma_wait3A_295] : memref<10240x32xf32, #tpu.memory_space<vmem_shared>> -> memref<80x32xf32, #tpu.memory_space<vmem_shared>>
      %dma_wait3A_297 = arith.constant 0 : i32
      %dma_wait3A_298 = tpu.memref_slice %arg9[%add3A_18, %dma_wait3A_297] : memref<10240x32xf32, #tpu.memory_space<vmem_shared>> -> memref<80x32xf32, #tpu.memory_space<vmem_shared>>
      tpu.wait_dma2 semaphore(%run_scoped3A_290 : memref<!tpu.dma_semaphore, #tpu.memory_space<semaphore_mem>>) src(%arg8 : memref<80x32xf32, #tpu.memory_space<vmem>>) dst(%dma_wait3A_298 : memref<80x32xf32, #tpu.memory_space<vmem_shared>>)
      tpu.yield
    }) : () -> ()
    %mul3A_19 = arith.constant 640 : i32
    %mul3A_20 = arith.muli %arg1, %mul3A_19 : i32
    %add3A_21 = arith.constant 240 : i32
    %add3A_22 = arith.addi %mul3A_20, %add3A_21 : i32
    "tpu.region"() ({
      %run_scoped3A_290 = tpu.sem_alloc : memref<!tpu.dma_semaphore, #tpu.memory_space<semaphore_mem>>
      %dma_start3A_291 = arith.constant 0 : i32
      %dma_start3A_292 = tpu.memref_slice %arg9[%add3A_22, %dma_start3A_291] : memref<10240x32xf32, #tpu.memory_space<vmem_shared>> -> memref<80x32xf32, #tpu.memory_space<vmem_shared>>
      %dma_start3A_293 = arith.constant 0 : i32
      %dma_start3A_294 = tpu.memref_slice %arg9[%add3A_22, %dma_start3A_293] : memref<10240x32xf32, #tpu.memory_space<vmem_shared>> -> memref<80x32xf32, #tpu.memory_space<vmem_shared>>
      tpu.enqueue_dma source(%arg8 : memref<80x32xf32, #tpu.memory_space<vmem>>) target(%dma_start3A_294 : memref<80x32xf32, #tpu.memory_space<vmem_shared>>) target_semaphore(%run_scoped3A_290 : memref<!tpu.dma_semaphore, #tpu.memory_space<semaphore_mem>>)
      %dma_wait3A_295 = arith.constant 0 : i32
      %dma_wait3A_296 = tpu.memref_slice %arg9[%add3A_22, %dma_wait3A_295] : memref<10240x32xf32, #tpu.memory_space<vmem_shared>> -> memref<80x32xf32, #tpu.memory_space<vmem_shared>>
      %dma_wait3A_297 = arith.constant 0 : i32
      %dma_wait3A_298 = tpu.memref_slice %arg9[%add3A_22, %dma_wait3A_297] : memref<10240x32xf32, #tpu.memory_space<vmem_shared>> -> memref<80x32xf32, #tpu.memory_space<vmem_shared>>
      tpu.wait_dma2 semaphore(%run_scoped3A_290 : memref<!tpu.dma_semaphore, #tpu.memory_space<semaphore_mem>>) src(%arg8 : memref<80x32xf32, #tpu.memory_space<vmem>>) dst(%dma_wait3A_298 : memref<80x32xf32, #tpu.memory_space<vmem_shared>>)
      tpu.yield
    }) : () -> ()
    %mul3A_23 = arith.constant 640 : i32
    %mul3A_24 = arith.muli %arg1, %mul3A_23 : i32
    %add3A_25 = arith.constant 320 : i32
    %add3A_26 = arith.addi %mul3A_24, %add3A_25 : i32
    "tpu.region"() ({
      %run_scoped3A_290 = tpu.sem_alloc : memref<!tpu.dma_semaphore, #tpu.memory_space<semaphore_mem>>
      %dma_start3A_291 = arith.constant 0 : i32
      %dma_start3A_292 = tpu.memref_slice %arg9[%add3A_26, %dma_start3A_291] : memref<10240x32xf32, #tpu.memory_space<vmem_shared>> -> memref<80x32xf32, #tpu.memory_space<vmem_shared>>
      %dma_start3A_293 = arith.constant 0 : i32
      %dma_start3A_294 = tpu.memref_slice %arg9[%add3A_26, %dma_start3A_293] : memref<10240x32xf32, #tpu.memory_space<vmem_shared>> -> memref<80x32xf32, #tpu.memory_space<vmem_shared>>
      tpu.enqueue_dma source(%arg8 : memref<80x32xf32, #tpu.memory_space<vmem>>) target(%dma_start3A_294 : memref<80x32xf32, #tpu.memory_space<vmem_shared>>) target_semaphore(%run_scoped3A_290 : memref<!tpu.dma_semaphore, #tpu.memory_space<semaphore_mem>>)
      %dma_wait3A_295 = arith.constant 0 : i32
      %dma_wait3A_296 = tpu.memref_slice %arg9[%add3A_26, %dma_wait3A_295] : memref<10240x32xf32, #tpu.memory_space<vmem_shared>> -> memref<80x32xf32, #tpu.memory_space<vmem_shared>>
      %dma_wait3A_297 = arith.constant 0 : i32
      %dma_wait3A_298 = tpu.memref_slice %arg9[%add3A_26, %dma_wait3A_297] : memref<10240x32xf32, #tpu.memory_space<vmem_shared>> -> memref<80x32xf32, #tpu.memory_space<vmem_shared>>
      tpu.wait_dma2 semaphore(%run_scoped3A_290 : memref<!tpu.dma_semaphore, #tpu.memory_space<semaphore_mem>>) src(%arg8 : memref<80x32xf32, #tpu.memory_space<vmem>>) dst(%dma_wait3A_298 : memref<80x32xf32, #tpu.memory_space<vmem_shared>>)
      tpu.yield
    }) : () -> ()
    %mul3A_27 = arith.constant 640 : i32
    %mul3A_28 = arith.muli %arg1, %mul3A_27 : i32
    %add3A_29 = arith.constant 400 : i32
    %add3A_30 = arith.addi %mul3A_28, %add3A_29 : i32
    "tpu.region"() ({
      %run_scoped3A_290 = tpu.sem_alloc : memref<!tpu.dma_semaphore, #tpu.memory_space<semaphore_mem>>
      %dma_start3A_291 = arith.constant 0 : i32
      %dma_start3A_292 = tpu.memref_slice %arg9[%add3A_30, %dma_start3A_291] : memref<10240x32xf32, #tpu.memory_space<vmem_shared>> -> memref<80x32xf32, #tpu.memory_space<vmem_shared>>
      %dma_start3A_293 = arith.constant 0 : i32
      %dma_start3A_294 = tpu.memref_slice %arg9[%add3A_30, %dma_start3A_293] : memref<10240x32xf32, #tpu.memory_space<vmem_shared>> -> memref<80x32xf32, #tpu.memory_space<vmem_shared>>
      tpu.enqueue_dma source(%arg8 : memref<80x32xf32, #tpu.memory_space<vmem>>) target(%dma_start3A_294 : memref<80x32xf32, #tpu.memory_space<vmem_shared>>) target_semaphore(%run_scoped3A_290 : memref<!tpu.dma_semaphore, #tpu.memory_space<semaphore_mem>>)
      %dma_wait3A_295 = arith.constant 0 : i32
      %dma_wait3A_296 = tpu.memref_slice %arg9[%add3A_30, %dma_wait3A_295] : memref<10240x32xf32, #tpu.memory_space<vmem_shared>> -> memref<80x32xf32, #tpu.memory_space<vmem_shared>>
      %dma_wait3A_297 = arith.constant 0 : i32
      %dma_wait3A_298 = tpu.memref_slice %arg9[%add3A_30, %dma_wait3A_297] : memref<10240x32xf32, #tpu.memory_space<vmem_shared>> -> memref<80x32xf32, #tpu.memory_space<vmem_shared>>
      tpu.wait_dma2 semaphore(%run_scoped3A_290 : memref<!tpu.dma_semaphore, #tpu.memory_space<semaphore_mem>>) src(%arg8 : memref<80x32xf32, #tpu.memory_space<vmem>>) dst(%dma_wait3A_298 : memref<80x32xf32, #tpu.memory_space<vmem_shared>>)
      tpu.yield
    }) : () -> ()
    %mul3A_31 = arith.constant 640 : i32
    %mul3A_32 = arith.muli %arg1, %mul3A_31 : i32
    %add3A_33 = arith.constant 480 : i32
    %add3A_34 = arith.addi %mul3A_32, %add3A_33 : i32
    "tpu.region"() ({
      %run_scoped3A_290 = tpu.sem_alloc : memref<!tpu.dma_semaphore, #tpu.memory_space<semaphore_mem>>
      %dma_start3A_291 = arith.constant 0 : i32
      %dma_start3A_292 = tpu.memref_slice %arg9[%add3A_34, %dma_start3A_291] : memref<10240x32xf32, #tpu.memory_space<vmem_shared>> -> memref<80x32xf32, #tpu.memory_space<vmem_shared>>
      %dma_start3A_293 = arith.constant 0 : i32
      %dma_start3A_294 = tpu.memref_slice %arg9[%add3A_34, %dma_start3A_293] : memref<10240x32xf32, #tpu.memory_space<vmem_shared>> -> memref<80x32xf32, #tpu.memory_space<vmem_shared>>
      tpu.enqueue_dma source(%arg8 : memref<80x32xf32, #tpu.memory_space<vmem>>) target(%dma_start3A_294 : memref<80x32xf32, #tpu.memory_space<vmem_shared>>) target_semaphore(%run_scoped3A_290 : memref<!tpu.dma_semaphore, #tpu.memory_space<semaphore_mem>>)
      %dma_wait3A_295 = arith.constant 0 : i32
      %dma_wait3A_296 = tpu.memref_slice %arg9[%add3A_34, %dma_wait3A_295] : memref<10240x32xf32, #tpu.memory_space<vmem_shared>> -> memref<80x32xf32, #tpu.memory_space<vmem_shared>>
      %dma_wait3A_297 = arith.constant 0 : i32
      %dma_wait3A_298 = tpu.memref_slice %arg9[%add3A_34, %dma_wait3A_297] : memref<10240x32xf32, #tpu.memory_space<vmem_shared>> -> memref<80x32xf32, #tpu.memory_space<vmem_shared>>
      tpu.wait_dma2 semaphore(%run_scoped3A_290 : memref<!tpu.dma_semaphore, #tpu.memory_space<semaphore_mem>>) src(%arg8 : memref<80x32xf32, #tpu.memory_space<vmem>>) dst(%dma_wait3A_298 : memref<80x32xf32, #tpu.memory_space<vmem_shared>>)
      tpu.yield
    }) : () -> ()
    %mul3A_35 = arith.constant 640 : i32
    %mul3A_36 = arith.muli %arg1, %mul3A_35 : i32
    %add3A_37 = arith.constant 560 : i32
    %add3A_38 = arith.addi %mul3A_36, %add3A_37 : i32
    "tpu.region"() ({
      %run_scoped3A_290 = tpu.sem_alloc : memref<!tpu.dma_semaphore, #tpu.memory_space<semaphore_mem>>
      %dma_start3A_291 = arith.constant 0 : i32
      %dma_start3A_292 = tpu.memref_slice %arg9[%add3A_38, %dma_start3A_291] : memref<10240x32xf32, #tpu.memory_space<vmem_shared>> -> memref<80x32xf32, #tpu.memory_space<vmem_shared>>
      %dma_start3A_293 = arith.constant 0 : i32
      %dma_start3A_294 = tpu.memref_slice %arg9[%add3A_38, %dma_start3A_293] : memref<10240x32xf32, #tpu.memory_space<vmem_shared>> -> memref<80x32xf32, #tpu.memory_space<vmem_shared>>
      tpu.enqueue_dma source(%arg8 : memref<80x32xf32, #tpu.memory_space<vmem>>) target(%dma_start3A_294 : memref<80x32xf32, #tpu.memory_space<vmem_shared>>) target_semaphore(%run_scoped3A_290 : memref<!tpu.dma_semaphore, #tpu.memory_space<semaphore_mem>>)
      %dma_wait3A_295 = arith.constant 0 : i32
      %dma_wait3A_296 = tpu.memref_slice %arg9[%add3A_38, %dma_wait3A_295] : memref<10240x32xf32, #tpu.memory_space<vmem_shared>> -> memref<80x32xf32, #tpu.memory_space<vmem_shared>>
      %dma_wait3A_297 = arith.constant 0 : i32
      %dma_wait3A_298 = tpu.memref_slice %arg9[%add3A_38, %dma_wait3A_297] : memref<10240x32xf32, #tpu.memory_space<vmem_shared>> -> memref<80x32xf32, #tpu.memory_space<vmem_shared>>
      tpu.wait_dma2 semaphore(%run_scoped3A_290 : memref<!tpu.dma_semaphore, #tpu.memory_space<semaphore_mem>>) src(%arg8 : memref<80x32xf32, #tpu.memory_space<vmem>>) dst(%dma_wait3A_298 : memref<80x32xf32, #tpu.memory_space<vmem_shared>>)
      tpu.yield
    }) : () -> ()
    %barrier3A = arith.constant 0 : index
    tpu.barrier barrier_id(%barrier3A)
    %run_scoped3A = arith.constant 0 : i32
    "tpu.region"() ({
      %run_scoped3A_290 = tpu.sem_alloc : memref<!tpu.dma_semaphore, #tpu.memory_space<semaphore_mem>>
      %dma_start3A_291 = arith.constant 0 : i32
      %dma_start3A_292 = arith.constant 0 : i32
      %dma_start3A_293 = tpu.memref_slice %arg3[%run_scoped3A, %add3A, %dma_start3A_291, %dma_start3A_292] : memref<2x32x125x80xi32, #tpu.memory_space<hbm>> -> memref<1x1x125x80xi32, #tpu.memory_space<hbm>>
      %dma_start3A_294 = tpu.memref_squeeze %dma_start3A_293 : memref<1x1x125x80xi32, #tpu.memory_space<hbm>> -> memref<125x80xi32, #tpu.memory_space<hbm>>
      %dma_start3A_295 = arith.constant 0 : i32
      %dma_start3A_296 = arith.constant 0 : i32
      %dma_start3A_297 = tpu.memref_slice %arg3[%run_scoped3A, %add3A, %dma_start3A_295, %dma_start3A_296] : memref<2x32x125x80xi32, #tpu.memory_space<hbm>> -> memref<1x1x125x80xi32, #tpu.memory_space<hbm>>
      %dma_start3A_298 = tpu.memref_squeeze %dma_start3A_297 : memref<1x1x125x80xi32, #tpu.memory_space<hbm>> -> memref<125x80xi32, #tpu.memory_space<hbm>>
      tpu.enqueue_dma source(%dma_start3A_298 : memref<125x80xi32, #tpu.memory_space<hbm>>) target(%arg5 : memref<125x80xi32, #tpu.memory_space<vmem>>) target_semaphore(%run_scoped3A_290 : memref<!tpu.dma_semaphore, #tpu.memory_space<semaphore_mem>>)
      %dma_wait3A_299 = arith.constant 0 : i32
      %dma_wait3A_300 = arith.constant 0 : i32
      %dma_wait3A_301 = tpu.memref_slice %arg3[%run_scoped3A, %add3A, %dma_wait3A_299, %dma_wait3A_300] : memref<2x32x125x80xi32, #tpu.memory_space<hbm>> -> memref<1x1x125x80xi32, #tpu.memory_space<hbm>>
      %dma_wait3A_302 = tpu.memref_squeeze %dma_wait3A_301 : memref<1x1x125x80xi32, #tpu.memory_space<hbm>> -> memref<125x80xi32, #tpu.memory_space<hbm>>
      %dma_wait3A_303 = arith.constant 0 : i32
      %dma_wait3A_304 = arith.constant 0 : i32
      %dma_wait3A_305 = tpu.memref_slice %arg3[%run_scoped3A, %add3A, %dma_wait3A_303, %dma_wait3A_304] : memref<2x32x125x80xi32, #tpu.memory_space<hbm>> -> memref<1x1x125x80xi32, #tpu.memory_space<hbm>>
      %dma_wait3A_306 = tpu.memref_squeeze %dma_wait3A_305 : memref<1x1x125x80xi32, #tpu.memory_space<hbm>> -> memref<125x80xi32, #tpu.memory_space<hbm>>
      tpu.wait_dma2 semaphore(%run_scoped3A_290 : memref<!tpu.dma_semaphore, #tpu.memory_space<semaphore_mem>>) src(%dma_wait3A_306 : memref<125x80xi32, #tpu.memory_space<hbm>>) dst(%arg5 : memref<125x80xi32, #tpu.memory_space<vmem>>)
      tpu.yield
    }) : () -> ()
    %run_scoped3A_39 = arith.constant 1 : i32
    "tpu.region"() ({
      %run_scoped3A_290 = tpu.sem_alloc : memref<!tpu.dma_semaphore, #tpu.memory_space<semaphore_mem>>
      %dma_start3A_291 = arith.constant 0 : i32
      %dma_start3A_292 = arith.constant 0 : i32
      %dma_start3A_293 = tpu.memref_slice %arg3[%run_scoped3A_39, %add3A, %dma_start3A_291, %dma_start3A_292] : memref<2x32x125x80xi32, #tpu.memory_space<hbm>> -> memref<1x1x125x80xi32, #tpu.memory_space<hbm>>
      %dma_start3A_294 = tpu.memref_squeeze %dma_start3A_293 : memref<1x1x125x80xi32, #tpu.memory_space<hbm>> -> memref<125x80xi32, #tpu.memory_space<hbm>>
      %dma_start3A_295 = arith.constant 0 : i32
      %dma_start3A_296 = arith.constant 0 : i32
      %dma_start3A_297 = tpu.memref_slice %arg3[%run_scoped3A_39, %add3A, %dma_start3A_295, %dma_start3A_296] : memref<2x32x125x80xi32, #tpu.memory_space<hbm>> -> memref<1x1x125x80xi32, #tpu.memory_space<hbm>>
      %dma_start3A_298 = tpu.memref_squeeze %dma_start3A_297 : memref<1x1x125x80xi32, #tpu.memory_space<hbm>> -> memref<125x80xi32, #tpu.memory_space<hbm>>
      tpu.enqueue_dma source(%dma_start3A_298 : memref<125x80xi32, #tpu.memory_space<hbm>>) target(%arg6 : memref<125x80xi32, #tpu.memory_space<vmem>>) target_semaphore(%run_scoped3A_290 : memref<!tpu.dma_semaphore, #tpu.memory_space<semaphore_mem>>)
      %dma_wait3A_299 = arith.constant 0 : i32
      %dma_wait3A_300 = arith.constant 0 : i32
      %dma_wait3A_301 = tpu.memref_slice %arg3[%run_scoped3A_39, %add3A, %dma_wait3A_299, %dma_wait3A_300] : memref<2x32x125x80xi32, #tpu.memory_space<hbm>> -> memref<1x1x125x80xi32, #tpu.memory_space<hbm>>
      %dma_wait3A_302 = tpu.memref_squeeze %dma_wait3A_301 : memref<1x1x125x80xi32, #tpu.memory_space<hbm>> -> memref<125x80xi32, #tpu.memory_space<hbm>>
      %dma_wait3A_303 = arith.constant 0 : i32
      %dma_wait3A_304 = arith.constant 0 : i32
      %dma_wait3A_305 = tpu.memref_slice %arg3[%run_scoped3A_39, %add3A, %dma_wait3A_303, %dma_wait3A_304] : memref<2x32x125x80xi32, #tpu.memory_space<hbm>> -> memref<1x1x125x80xi32, #tpu.memory_space<hbm>>
      %dma_wait3A_306 = tpu.memref_squeeze %dma_wait3A_305 : memref<1x1x125x80xi32, #tpu.memory_space<hbm>> -> memref<125x80xi32, #tpu.memory_space<hbm>>
      tpu.wait_dma2 semaphore(%run_scoped3A_290 : memref<!tpu.dma_semaphore, #tpu.memory_space<semaphore_mem>>) src(%dma_wait3A_306 : memref<125x80xi32, #tpu.memory_space<hbm>>) dst(%arg6 : memref<125x80xi32, #tpu.memory_space<vmem>>)
      tpu.yield
    }) : () -> ()
    %dma_start3A = arith.constant 0 : i32
    %dma_start3A_40 = arith.constant 0 : i32
    %dma_start3A_41 = arith.constant 0 : i32
    %dma_start3A_42 = arith.constant 0 : i32
    %dma_start3A_43 = tpu.memref_slice %arg7[%dma_start3A_40, %dma_start3A_41, %dma_start3A_42] : memref<20x80x32xf32, #tpu.memory_space<vmem>> -> memref<1x80x32xf32, #tpu.memory_space<vmem>>
    %dma_start3A_44 = tpu.memref_squeeze %dma_start3A_43 : memref<1x80x32xf32, #tpu.memory_space<vmem>> -> memref<80x32xf32, #tpu.memory_space<vmem>>
    %dma_start3A_45 = arith.constant 0 : i32
    %dma_start3A_46 = tpu.memref_slice %arg5[%dma_start3A, %dma_start3A_45] : memref<125x80xi32, #tpu.memory_space<vmem>> -> memref<1x80xi32, #tpu.memory_space<vmem>>
    %dma_start3A_47 = tpu.memref_squeeze %dma_start3A_46 : memref<1x80xi32, #tpu.memory_space<vmem>> -> memref<80xi32, #tpu.memory_space<vmem>>
    %dma_start3A_48 = arith.constant 0 : i32
    %dma_start3A_49 = arith.constant 0 : i32
    %dma_start3A_50 = tpu.memref_slice %arg2[%dma_start3A_48, %dma_start3A_49] : memref<10000x32xf32, #tpu.memory_space<hbm>> -> memref<10000x32xf32, #tpu.memory_space<hbm>>
    tpu.enqueue_indirect_dma source(%dma_start3A_50 : memref<10000x32xf32, #tpu.memory_space<hbm>>) target(%dma_start3A_44 : memref<80x32xf32, #tpu.memory_space<vmem>>) offsets(%dma_start3A_47 : memref<80xi32, #tpu.memory_space<vmem>>) semaphore(%arg10 : memref<!tpu.dma_semaphore, #tpu.memory_space<semaphore_mem>>)
    %dma_start3A_51 = arith.constant 1 : i32
    %dma_start3A_52 = arith.constant 1 : i32
    %dma_start3A_53 = arith.constant 0 : i32
    %dma_start3A_54 = arith.constant 0 : i32
    %dma_start3A_55 = tpu.memref_slice %arg7[%dma_start3A_52, %dma_start3A_53, %dma_start3A_54] : memref<20x80x32xf32, #tpu.memory_space<vmem>> -> memref<1x80x32xf32, #tpu.memory_space<vmem>>
    %dma_start3A_56 = tpu.memref_squeeze %dma_start3A_55 : memref<1x80x32xf32, #tpu.memory_space<vmem>> -> memref<80x32xf32, #tpu.memory_space<vmem>>
    %dma_start3A_57 = arith.constant 0 : i32
    %dma_start3A_58 = tpu.memref_slice %arg5[%dma_start3A_51, %dma_start3A_57] : memref<125x80xi32, #tpu.memory_space<vmem>> -> memref<1x80xi32, #tpu.memory_space<vmem>>
    %dma_start3A_59 = tpu.memref_squeeze %dma_start3A_58 : memref<1x80xi32, #tpu.memory_space<vmem>> -> memref<80xi32, #tpu.memory_space<vmem>>
    %dma_start3A_60 = arith.constant 0 : i32
    %dma_start3A_61 = arith.constant 0 : i32
    %dma_start3A_62 = tpu.memref_slice %arg2[%dma_start3A_60, %dma_start3A_61] : memref<10000x32xf32, #tpu.memory_space<hbm>> -> memref<10000x32xf32, #tpu.memory_space<hbm>>
    tpu.enqueue_indirect_dma source(%dma_start3A_62 : memref<10000x32xf32, #tpu.memory_space<hbm>>) target(%dma_start3A_56 : memref<80x32xf32, #tpu.memory_space<vmem>>) offsets(%dma_start3A_59 : memref<80xi32, #tpu.memory_space<vmem>>) semaphore(%arg10 : memref<!tpu.dma_semaphore, #tpu.memory_space<semaphore_mem>>)
    %dma_start3A_63 = arith.constant 2 : i32
    %dma_start3A_64 = arith.constant 2 : i32
    %dma_start3A_65 = arith.constant 0 : i32
    %dma_start3A_66 = arith.constant 0 : i32
    %dma_start3A_67 = tpu.memref_slice %arg7[%dma_start3A_64, %dma_start3A_65, %dma_start3A_66] : memref<20x80x32xf32, #tpu.memory_space<vmem>> -> memref<1x80x32xf32, #tpu.memory_space<vmem>>
    %dma_start3A_68 = tpu.memref_squeeze %dma_start3A_67 : memref<1x80x32xf32, #tpu.memory_space<vmem>> -> memref<80x32xf32, #tpu.memory_space<vmem>>
    %dma_start3A_69 = arith.constant 0 : i32
    %dma_start3A_70 = tpu.memref_slice %arg5[%dma_start3A_63, %dma_start3A_69] : memref<125x80xi32, #tpu.memory_space<vmem>> -> memref<1x80xi32, #tpu.memory_space<vmem>>
    %dma_start3A_71 = tpu.memref_squeeze %dma_start3A_70 : memref<1x80xi32, #tpu.memory_space<vmem>> -> memref<80xi32, #tpu.memory_space<vmem>>
    %dma_start3A_72 = arith.constant 0 : i32
    %dma_start3A_73 = arith.constant 0 : i32
    %dma_start3A_74 = tpu.memref_slice %arg2[%dma_start3A_72, %dma_start3A_73] : memref<10000x32xf32, #tpu.memory_space<hbm>> -> memref<10000x32xf32, #tpu.memory_space<hbm>>
    tpu.enqueue_indirect_dma source(%dma_start3A_74 : memref<10000x32xf32, #tpu.memory_space<hbm>>) target(%dma_start3A_68 : memref<80x32xf32, #tpu.memory_space<vmem>>) offsets(%dma_start3A_71 : memref<80xi32, #tpu.memory_space<vmem>>) semaphore(%arg10 : memref<!tpu.dma_semaphore, #tpu.memory_space<semaphore_mem>>)
    %dma_start3A_75 = arith.constant 3 : i32
    %dma_start3A_76 = arith.constant 3 : i32
    %dma_start3A_77 = arith.constant 0 : i32
    %dma_start3A_78 = arith.constant 0 : i32
    %dma_start3A_79 = tpu.memref_slice %arg7[%dma_start3A_76, %dma_start3A_77, %dma_start3A_78] : memref<20x80x32xf32, #tpu.memory_space<vmem>> -> memref<1x80x32xf32, #tpu.memory_space<vmem>>
    %dma_start3A_80 = tpu.memref_squeeze %dma_start3A_79 : memref<1x80x32xf32, #tpu.memory_space<vmem>> -> memref<80x32xf32, #tpu.memory_space<vmem>>
    %dma_start3A_81 = arith.constant 0 : i32
    %dma_start3A_82 = tpu.memref_slice %arg5[%dma_start3A_75, %dma_start3A_81] : memref<125x80xi32, #tpu.memory_space<vmem>> -> memref<1x80xi32, #tpu.memory_space<vmem>>
    %dma_start3A_83 = tpu.memref_squeeze %dma_start3A_82 : memref<1x80xi32, #tpu.memory_space<vmem>> -> memref<80xi32, #tpu.memory_space<vmem>>
    %dma_start3A_84 = arith.constant 0 : i32
    %dma_start3A_85 = arith.constant 0 : i32
    %dma_start3A_86 = tpu.memref_slice %arg2[%dma_start3A_84, %dma_start3A_85] : memref<10000x32xf32, #tpu.memory_space<hbm>> -> memref<10000x32xf32, #tpu.memory_space<hbm>>
    tpu.enqueue_indirect_dma source(%dma_start3A_86 : memref<10000x32xf32, #tpu.memory_space<hbm>>) target(%dma_start3A_80 : memref<80x32xf32, #tpu.memory_space<vmem>>) offsets(%dma_start3A_83 : memref<80xi32, #tpu.memory_space<vmem>>) semaphore(%arg10 : memref<!tpu.dma_semaphore, #tpu.memory_space<semaphore_mem>>)
    %dma_start3A_87 = arith.constant 4 : i32
    %dma_start3A_88 = arith.constant 4 : i32
    %dma_start3A_89 = arith.constant 0 : i32
    %dma_start3A_90 = arith.constant 0 : i32
    %dma_start3A_91 = tpu.memref_slice %arg7[%dma_start3A_88, %dma_start3A_89, %dma_start3A_90] : memref<20x80x32xf32, #tpu.memory_space<vmem>> -> memref<1x80x32xf32, #tpu.memory_space<vmem>>
    %dma_start3A_92 = tpu.memref_squeeze %dma_start3A_91 : memref<1x80x32xf32, #tpu.memory_space<vmem>> -> memref<80x32xf32, #tpu.memory_space<vmem>>
    %dma_start3A_93 = arith.constant 0 : i32
    %dma_start3A_94 = tpu.memref_slice %arg5[%dma_start3A_87, %dma_start3A_93] : memref<125x80xi32, #tpu.memory_space<vmem>> -> memref<1x80xi32, #tpu.memory_space<vmem>>
    %dma_start3A_95 = tpu.memref_squeeze %dma_start3A_94 : memref<1x80xi32, #tpu.memory_space<vmem>> -> memref<80xi32, #tpu.memory_space<vmem>>
    %dma_start3A_96 = arith.constant 0 : i32
    %dma_start3A_97 = arith.constant 0 : i32
    %dma_start3A_98 = tpu.memref_slice %arg2[%dma_start3A_96, %dma_start3A_97] : memref<10000x32xf32, #tpu.memory_space<hbm>> -> memref<10000x32xf32, #tpu.memory_space<hbm>>
    tpu.enqueue_indirect_dma source(%dma_start3A_98 : memref<10000x32xf32, #tpu.memory_space<hbm>>) target(%dma_start3A_92 : memref<80x32xf32, #tpu.memory_space<vmem>>) offsets(%dma_start3A_95 : memref<80xi32, #tpu.memory_space<vmem>>) semaphore(%arg10 : memref<!tpu.dma_semaphore, #tpu.memory_space<semaphore_mem>>)
    %dma_start3A_99 = arith.constant 5 : i32
    %dma_start3A_100 = arith.constant 5 : i32
    %dma_start3A_101 = arith.constant 0 : i32
    %dma_start3A_102 = arith.constant 0 : i32
    %dma_start3A_103 = tpu.memref_slice %arg7[%dma_start3A_100, %dma_start3A_101, %dma_start3A_102] : memref<20x80x32xf32, #tpu.memory_space<vmem>> -> memref<1x80x32xf32, #tpu.memory_space<vmem>>
    %dma_start3A_104 = tpu.memref_squeeze %dma_start3A_103 : memref<1x80x32xf32, #tpu.memory_space<vmem>> -> memref<80x32xf32, #tpu.memory_space<vmem>>
    %dma_start3A_105 = arith.constant 0 : i32
    %dma_start3A_106 = tpu.memref_slice %arg5[%dma_start3A_99, %dma_start3A_105] : memref<125x80xi32, #tpu.memory_space<vmem>> -> memref<1x80xi32, #tpu.memory_space<vmem>>
    %dma_start3A_107 = tpu.memref_squeeze %dma_start3A_106 : memref<1x80xi32, #tpu.memory_space<vmem>> -> memref<80xi32, #tpu.memory_space<vmem>>
    %dma_start3A_108 = arith.constant 0 : i32
    %dma_start3A_109 = arith.constant 0 : i32
    %dma_start3A_110 = tpu.memref_slice %arg2[%dma_start3A_108, %dma_start3A_109] : memref<10000x32xf32, #tpu.memory_space<hbm>> -> memref<10000x32xf32, #tpu.memory_space<hbm>>
    tpu.enqueue_indirect_dma source(%dma_start3A_110 : memref<10000x32xf32, #tpu.memory_space<hbm>>) target(%dma_start3A_104 : memref<80x32xf32, #tpu.memory_space<vmem>>) offsets(%dma_start3A_107 : memref<80xi32, #tpu.memory_space<vmem>>) semaphore(%arg10 : memref<!tpu.dma_semaphore, #tpu.memory_space<semaphore_mem>>)
    %dma_start3A_111 = arith.constant 6 : i32
    %dma_start3A_112 = arith.constant 6 : i32
    %dma_start3A_113 = arith.constant 0 : i32
    %dma_start3A_114 = arith.constant 0 : i32
    %dma_start3A_115 = tpu.memref_slice %arg7[%dma_start3A_112, %dma_start3A_113, %dma_start3A_114] : memref<20x80x32xf32, #tpu.memory_space<vmem>> -> memref<1x80x32xf32, #tpu.memory_space<vmem>>
    %dma_start3A_116 = tpu.memref_squeeze %dma_start3A_115 : memref<1x80x32xf32, #tpu.memory_space<vmem>> -> memref<80x32xf32, #tpu.memory_space<vmem>>
    %dma_start3A_117 = arith.constant 0 : i32
    %dma_start3A_118 = tpu.memref_slice %arg5[%dma_start3A_111, %dma_start3A_117] : memref<125x80xi32, #tpu.memory_space<vmem>> -> memref<1x80xi32, #tpu.memory_space<vmem>>
    %dma_start3A_119 = tpu.memref_squeeze %dma_start3A_118 : memref<1x80xi32, #tpu.memory_space<vmem>> -> memref<80xi32, #tpu.memory_space<vmem>>
    %dma_start3A_120 = arith.constant 0 : i32
    %dma_start3A_121 = arith.constant 0 : i32
    %dma_start3A_122 = tpu.memref_slice %arg2[%dma_start3A_120, %dma_start3A_121] : memref<10000x32xf32, #tpu.memory_space<hbm>> -> memref<10000x32xf32, #tpu.memory_space<hbm>>
    tpu.enqueue_indirect_dma source(%dma_start3A_122 : memref<10000x32xf32, #tpu.memory_space<hbm>>) target(%dma_start3A_116 : memref<80x32xf32, #tpu.memory_space<vmem>>) offsets(%dma_start3A_119 : memref<80xi32, #tpu.memory_space<vmem>>) semaphore(%arg10 : memref<!tpu.dma_semaphore, #tpu.memory_space<semaphore_mem>>)
    %dma_start3A_123 = arith.constant 7 : i32
    %dma_start3A_124 = arith.constant 7 : i32
    %dma_start3A_125 = arith.constant 0 : i32
    %dma_start3A_126 = arith.constant 0 : i32
    %dma_start3A_127 = tpu.memref_slice %arg7[%dma_start3A_124, %dma_start3A_125, %dma_start3A_126] : memref<20x80x32xf32, #tpu.memory_space<vmem>> -> memref<1x80x32xf32, #tpu.memory_space<vmem>>
    %dma_start3A_128 = tpu.memref_squeeze %dma_start3A_127 : memref<1x80x32xf32, #tpu.memory_space<vmem>> -> memref<80x32xf32, #tpu.memory_space<vmem>>
    %dma_start3A_129 = arith.constant 0 : i32
    %dma_start3A_130 = tpu.memref_slice %arg5[%dma_start3A_123, %dma_start3A_129] : memref<125x80xi32, #tpu.memory_space<vmem>> -> memref<1x80xi32, #tpu.memory_space<vmem>>
    %dma_start3A_131 = tpu.memref_squeeze %dma_start3A_130 : memref<1x80xi32, #tpu.memory_space<vmem>> -> memref<80xi32, #tpu.memory_space<vmem>>
    %dma_start3A_132 = arith.constant 0 : i32
    %dma_start3A_133 = arith.constant 0 : i32
    %dma_start3A_134 = tpu.memref_slice %arg2[%dma_start3A_132, %dma_start3A_133] : memref<10000x32xf32, #tpu.memory_space<hbm>> -> memref<10000x32xf32, #tpu.memory_space<hbm>>
    tpu.enqueue_indirect_dma source(%dma_start3A_134 : memref<10000x32xf32, #tpu.memory_space<hbm>>) target(%dma_start3A_128 : memref<80x32xf32, #tpu.memory_space<vmem>>) offsets(%dma_start3A_131 : memref<80xi32, #tpu.memory_space<vmem>>) semaphore(%arg10 : memref<!tpu.dma_semaphore, #tpu.memory_space<semaphore_mem>>)
    %dma_start3A_135 = arith.constant 8 : i32
    %dma_start3A_136 = arith.constant 8 : i32
    %dma_start3A_137 = arith.constant 0 : i32
    %dma_start3A_138 = arith.constant 0 : i32
    %dma_start3A_139 = tpu.memref_slice %arg7[%dma_start3A_136, %dma_start3A_137, %dma_start3A_138] : memref<20x80x32xf32, #tpu.memory_space<vmem>> -> memref<1x80x32xf32, #tpu.memory_space<vmem>>
    %dma_start3A_140 = tpu.memref_squeeze %dma_start3A_139 : memref<1x80x32xf32, #tpu.memory_space<vmem>> -> memref<80x32xf32, #tpu.memory_space<vmem>>
    %dma_start3A_141 = arith.constant 0 : i32
    %dma_start3A_142 = tpu.memref_slice %arg5[%dma_start3A_135, %dma_start3A_141] : memref<125x80xi32, #tpu.memory_space<vmem>> -> memref<1x80xi32, #tpu.memory_space<vmem>>
    %dma_start3A_143 = tpu.memref_squeeze %dma_start3A_142 : memref<1x80xi32, #tpu.memory_space<vmem>> -> memref<80xi32, #tpu.memory_space<vmem>>
    %dma_start3A_144 = arith.constant 0 : i32
    %dma_start3A_145 = arith.constant 0 : i32
    %dma_start3A_146 = tpu.memref_slice %arg2[%dma_start3A_144, %dma_start3A_145] : memref<10000x32xf32, #tpu.memory_space<hbm>> -> memref<10000x32xf32, #tpu.memory_space<hbm>>
    tpu.enqueue_indirect_dma source(%dma_start3A_146 : memref<10000x32xf32, #tpu.memory_space<hbm>>) target(%dma_start3A_140 : memref<80x32xf32, #tpu.memory_space<vmem>>) offsets(%dma_start3A_143 : memref<80xi32, #tpu.memory_space<vmem>>) semaphore(%arg10 : memref<!tpu.dma_semaphore, #tpu.memory_space<semaphore_mem>>)
    %dma_start3A_147 = arith.constant 9 : i32
    %dma_start3A_148 = arith.constant 9 : i32
    %dma_start3A_149 = arith.constant 0 : i32
    %dma_start3A_150 = arith.constant 0 : i32
    %dma_start3A_151 = tpu.memref_slice %arg7[%dma_start3A_148, %dma_start3A_149, %dma_start3A_150] : memref<20x80x32xf32, #tpu.memory_space<vmem>> -> memref<1x80x32xf32, #tpu.memory_space<vmem>>
    %dma_start3A_152 = tpu.memref_squeeze %dma_start3A_151 : memref<1x80x32xf32, #tpu.memory_space<vmem>> -> memref<80x32xf32, #tpu.memory_space<vmem>>
    %dma_start3A_153 = arith.constant 0 : i32
    %dma_start3A_154 = tpu.memref_slice %arg5[%dma_start3A_147, %dma_start3A_153] : memref<125x80xi32, #tpu.memory_space<vmem>> -> memref<1x80xi32, #tpu.memory_space<vmem>>
    %dma_start3A_155 = tpu.memref_squeeze %dma_start3A_154 : memref<1x80xi32, #tpu.memory_space<vmem>> -> memref<80xi32, #tpu.memory_space<vmem>>
    %dma_start3A_156 = arith.constant 0 : i32
    %dma_start3A_157 = arith.constant 0 : i32
    %dma_start3A_158 = tpu.memref_slice %arg2[%dma_start3A_156, %dma_start3A_157] : memref<10000x32xf32, #tpu.memory_space<hbm>> -> memref<10000x32xf32, #tpu.memory_space<hbm>>
    tpu.enqueue_indirect_dma source(%dma_start3A_158 : memref<10000x32xf32, #tpu.memory_space<hbm>>) target(%dma_start3A_152 : memref<80x32xf32, #tpu.memory_space<vmem>>) offsets(%dma_start3A_155 : memref<80xi32, #tpu.memory_space<vmem>>) semaphore(%arg10 : memref<!tpu.dma_semaphore, #tpu.memory_space<semaphore_mem>>)
    %dma_start3A_159 = arith.constant 10 : i32
    %dma_start3A_160 = arith.constant 10 : i32
    %dma_start3A_161 = arith.constant 0 : i32
    %dma_start3A_162 = arith.constant 0 : i32
    %dma_start3A_163 = tpu.memref_slice %arg7[%dma_start3A_160, %dma_start3A_161, %dma_start3A_162] : memref<20x80x32xf32, #tpu.memory_space<vmem>> -> memref<1x80x32xf32, #tpu.memory_space<vmem>>
    %dma_start3A_164 = tpu.memref_squeeze %dma_start3A_163 : memref<1x80x32xf32, #tpu.memory_space<vmem>> -> memref<80x32xf32, #tpu.memory_space<vmem>>
    %dma_start3A_165 = arith.constant 0 : i32
    %dma_start3A_166 = tpu.memref_slice %arg5[%dma_start3A_159, %dma_start3A_165] : memref<125x80xi32, #tpu.memory_space<vmem>> -> memref<1x80xi32, #tpu.memory_space<vmem>>
    %dma_start3A_167 = tpu.memref_squeeze %dma_start3A_166 : memref<1x80xi32, #tpu.memory_space<vmem>> -> memref<80xi32, #tpu.memory_space<vmem>>
    %dma_start3A_168 = arith.constant 0 : i32
    %dma_start3A_169 = arith.constant 0 : i32
    %dma_start3A_170 = tpu.memref_slice %arg2[%dma_start3A_168, %dma_start3A_169] : memref<10000x32xf32, #tpu.memory_space<hbm>> -> memref<10000x32xf32, #tpu.memory_space<hbm>>
    tpu.enqueue_indirect_dma source(%dma_start3A_170 : memref<10000x32xf32, #tpu.memory_space<hbm>>) target(%dma_start3A_164 : memref<80x32xf32, #tpu.memory_space<vmem>>) offsets(%dma_start3A_167 : memref<80xi32, #tpu.memory_space<vmem>>) semaphore(%arg10 : memref<!tpu.dma_semaphore, #tpu.memory_space<semaphore_mem>>)
    %dma_start3A_171 = arith.constant 11 : i32
    %dma_start3A_172 = arith.constant 11 : i32
    %dma_start3A_173 = arith.constant 0 : i32
    %dma_start3A_174 = arith.constant 0 : i32
    %dma_start3A_175 = tpu.memref_slice %arg7[%dma_start3A_172, %dma_start3A_173, %dma_start3A_174] : memref<20x80x32xf32, #tpu.memory_space<vmem>> -> memref<1x80x32xf32, #tpu.memory_space<vmem>>
    %dma_start3A_176 = tpu.memref_squeeze %dma_start3A_175 : memref<1x80x32xf32, #tpu.memory_space<vmem>> -> memref<80x32xf32, #tpu.memory_space<vmem>>
    %dma_start3A_177 = arith.constant 0 : i32
    %dma_start3A_178 = tpu.memref_slice %arg5[%dma_start3A_171, %dma_start3A_177] : memref<125x80xi32, #tpu.memory_space<vmem>> -> memref<1x80xi32, #tpu.memory_space<vmem>>
    %dma_start3A_179 = tpu.memref_squeeze %dma_start3A_178 : memref<1x80xi32, #tpu.memory_space<vmem>> -> memref<80xi32, #tpu.memory_space<vmem>>
    %dma_start3A_180 = arith.constant 0 : i32
    %dma_start3A_181 = arith.constant 0 : i32
    %dma_start3A_182 = tpu.memref_slice %arg2[%dma_start3A_180, %dma_start3A_181] : memref<10000x32xf32, #tpu.memory_space<hbm>> -> memref<10000x32xf32, #tpu.memory_space<hbm>>
    tpu.enqueue_indirect_dma source(%dma_start3A_182 : memref<10000x32xf32, #tpu.memory_space<hbm>>) target(%dma_start3A_176 : memref<80x32xf32, #tpu.memory_space<vmem>>) offsets(%dma_start3A_179 : memref<80xi32, #tpu.memory_space<vmem>>) semaphore(%arg10 : memref<!tpu.dma_semaphore, #tpu.memory_space<semaphore_mem>>)
    %dma_start3A_183 = arith.constant 12 : i32
    %dma_start3A_184 = arith.constant 12 : i32
    %dma_start3A_185 = arith.constant 0 : i32
    %dma_start3A_186 = arith.constant 0 : i32
    %dma_start3A_187 = tpu.memref_slice %arg7[%dma_start3A_184, %dma_start3A_185, %dma_start3A_186] : memref<20x80x32xf32, #tpu.memory_space<vmem>> -> memref<1x80x32xf32, #tpu.memory_space<vmem>>
    %dma_start3A_188 = tpu.memref_squeeze %dma_start3A_187 : memref<1x80x32xf32, #tpu.memory_space<vmem>> -> memref<80x32xf32, #tpu.memory_space<vmem>>
    %dma_start3A_189 = arith.constant 0 : i32
    %dma_start3A_190 = tpu.memref_slice %arg5[%dma_start3A_183, %dma_start3A_189] : memref<125x80xi32, #tpu.memory_space<vmem>> -> memref<1x80xi32, #tpu.memory_space<vmem>>
    %dma_start3A_191 = tpu.memref_squeeze %dma_start3A_190 : memref<1x80xi32, #tpu.memory_space<vmem>> -> memref<80xi32, #tpu.memory_space<vmem>>
    %dma_start3A_192 = arith.constant 0 : i32
    %dma_start3A_193 = arith.constant 0 : i32
    %dma_start3A_194 = tpu.memref_slice %arg2[%dma_start3A_192, %dma_start3A_193] : memref<10000x32xf32, #tpu.memory_space<hbm>> -> memref<10000x32xf32, #tpu.memory_space<hbm>>
    tpu.enqueue_indirect_dma source(%dma_start3A_194 : memref<10000x32xf32, #tpu.memory_space<hbm>>) target(%dma_start3A_188 : memref<80x32xf32, #tpu.memory_space<vmem>>) offsets(%dma_start3A_191 : memref<80xi32, #tpu.memory_space<vmem>>) semaphore(%arg10 : memref<!tpu.dma_semaphore, #tpu.memory_space<semaphore_mem>>)
    %dma_start3A_195 = arith.constant 13 : i32
    %dma_start3A_196 = arith.constant 13 : i32
    %dma_start3A_197 = arith.constant 0 : i32
    %dma_start3A_198 = arith.constant 0 : i32
    %dma_start3A_199 = tpu.memref_slice %arg7[%dma_start3A_196, %dma_start3A_197, %dma_start3A_198] : memref<20x80x32xf32, #tpu.memory_space<vmem>> -> memref<1x80x32xf32, #tpu.memory_space<vmem>>
    %dma_start3A_200 = tpu.memref_squeeze %dma_start3A_199 : memref<1x80x32xf32, #tpu.memory_space<vmem>> -> memref<80x32xf32, #tpu.memory_space<vmem>>
    %dma_start3A_201 = arith.constant 0 : i32
    %dma_start3A_202 = tpu.memref_slice %arg5[%dma_start3A_195, %dma_start3A_201] : memref<125x80xi32, #tpu.memory_space<vmem>> -> memref<1x80xi32, #tpu.memory_space<vmem>>
    %dma_start3A_203 = tpu.memref_squeeze %dma_start3A_202 : memref<1x80xi32, #tpu.memory_space<vmem>> -> memref<80xi32, #tpu.memory_space<vmem>>
    %dma_start3A_204 = arith.constant 0 : i32
    %dma_start3A_205 = arith.constant 0 : i32
    %dma_start3A_206 = tpu.memref_slice %arg2[%dma_start3A_204, %dma_start3A_205] : memref<10000x32xf32, #tpu.memory_space<hbm>> -> memref<10000x32xf32, #tpu.memory_space<hbm>>
    tpu.enqueue_indirect_dma source(%dma_start3A_206 : memref<10000x32xf32, #tpu.memory_space<hbm>>) target(%dma_start3A_200 : memref<80x32xf32, #tpu.memory_space<vmem>>) offsets(%dma_start3A_203 : memref<80xi32, #tpu.memory_space<vmem>>) semaphore(%arg10 : memref<!tpu.dma_semaphore, #tpu.memory_space<semaphore_mem>>)
    %dma_start3A_207 = arith.constant 14 : i32
    %dma_start3A_208 = arith.constant 14 : i32
    %dma_start3A_209 = arith.constant 0 : i32
    %dma_start3A_210 = arith.constant 0 : i32
    %dma_start3A_211 = tpu.memref_slice %arg7[%dma_start3A_208, %dma_start3A_209, %dma_start3A_210] : memref<20x80x32xf32, #tpu.memory_space<vmem>> -> memref<1x80x32xf32, #tpu.memory_space<vmem>>
    %dma_start3A_212 = tpu.memref_squeeze %dma_start3A_211 : memref<1x80x32xf32, #tpu.memory_space<vmem>> -> memref<80x32xf32, #tpu.memory_space<vmem>>
    %dma_start3A_213 = arith.constant 0 : i32
    %dma_start3A_214 = tpu.memref_slice %arg5[%dma_start3A_207, %dma_start3A_213] : memref<125x80xi32, #tpu.memory_space<vmem>> -> memref<1x80xi32, #tpu.memory_space<vmem>>
    %dma_start3A_215 = tpu.memref_squeeze %dma_start3A_214 : memref<1x80xi32, #tpu.memory_space<vmem>> -> memref<80xi32, #tpu.memory_space<vmem>>
    %dma_start3A_216 = arith.constant 0 : i32
    %dma_start3A_217 = arith.constant 0 : i32
    %dma_start3A_218 = tpu.memref_slice %arg2[%dma_start3A_216, %dma_start3A_217] : memref<10000x32xf32, #tpu.memory_space<hbm>> -> memref<10000x32xf32, #tpu.memory_space<hbm>>
    tpu.enqueue_indirect_dma source(%dma_start3A_218 : memref<10000x32xf32, #tpu.memory_space<hbm>>) target(%dma_start3A_212 : memref<80x32xf32, #tpu.memory_space<vmem>>) offsets(%dma_start3A_215 : memref<80xi32, #tpu.memory_space<vmem>>) semaphore(%arg10 : memref<!tpu.dma_semaphore, #tpu.memory_space<semaphore_mem>>)
    %scan3A_219 = arith.constant 0 : i32
    %scan3A_220 = arith.constant 0 : i32
    %scan3A_221 = arith.constant 25 : i32
    %scan3A_222 = arith.addi %scan3A_220, %scan3A_221 : i32
    %scan3A_223 = arith.constant 1 : i32
    %scan3A_224 = scf.for %scan3A_290 = %scan3A_220 to %scan3A_222 step %scan3A_223 iter_args(%scan3A_291 = %scan3A_219) -> (i32)  : i32 {
      %rem3A = arith.constant 4 : i32
      %rem3A_292 = arith.remsi %scan3A_290, %rem3A : i32
      %mul3A_293 = arith.constant 5 : i32
      %mul3A_294 = arith.muli %scan3A_290, %mul3A_293 : i32
      %add3A_295 = arith.constant 0 : i32
      %add3A_296 = arith.addi %mul3A_294, %add3A_295 : i32
      %mul3A_297 = arith.constant 5 : i32
      %mul3A_298 = arith.muli %rem3A_292, %mul3A_297 : i32
      %add3A_299 = arith.constant 0 : i32
      %add3A_300 = arith.addi %mul3A_298, %add3A_299 : i32
      %dma_wait3A_301 = arith.constant 0 : i32
      %dma_wait3A_302 = arith.constant 0 : i32
      %dma_wait3A_303 = tpu.memref_slice %arg7[%add3A_300, %dma_wait3A_301, %dma_wait3A_302] : memref<20x80x32xf32, #tpu.memory_space<vmem>> -> memref<1x80x32xf32, #tpu.memory_space<vmem>>
      %dma_wait3A_304 = tpu.memref_squeeze %dma_wait3A_303 : memref<1x80x32xf32, #tpu.memory_space<vmem>> -> memref<80x32xf32, #tpu.memory_space<vmem>>
      %dma_wait3A_305 = arith.constant 0 : i32
      %dma_wait3A_306 = tpu.memref_slice %arg5[%add3A_296, %dma_wait3A_305] : memref<125x80xi32, #tpu.memory_space<vmem>> -> memref<1x80xi32, #tpu.memory_space<vmem>>
      %dma_wait3A_307 = tpu.memref_squeeze %dma_wait3A_306 : memref<1x80xi32, #tpu.memory_space<vmem>> -> memref<80xi32, #tpu.memory_space<vmem>>
      %dma_wait3A_308 = arith.constant 0 : i32
      %dma_wait3A_309 = arith.constant 0 : i32
      %dma_wait3A_310 = tpu.memref_slice %arg2[%dma_wait3A_308, %dma_wait3A_309] : memref<10000x32xf32, #tpu.memory_space<hbm>> -> memref<10000x32xf32, #tpu.memory_space<hbm>>
      tpu.wait_indirect_dma semaphore(%arg10 : memref<!tpu.dma_semaphore, #tpu.memory_space<semaphore_mem>>) src(%dma_wait3A_310 : memref<10000x32xf32, #tpu.memory_space<hbm>>) dst(%dma_wait3A_304 : memref<80x32xf32, #tpu.memory_space<vmem>>)
      %mul3A_311 = arith.constant 5 : i32
      %mul3A_312 = arith.muli %scan3A_290, %mul3A_311 : i32
      %add3A_313 = arith.constant 1 : i32
      %add3A_314 = arith.addi %mul3A_312, %add3A_313 : i32
      %mul3A_315 = arith.constant 5 : i32
      %mul3A_316 = arith.muli %rem3A_292, %mul3A_315 : i32
      %add3A_317 = arith.constant 1 : i32
      %add3A_318 = arith.addi %mul3A_316, %add3A_317 : i32
      %dma_wait3A_319 = arith.constant 0 : i32
      %dma_wait3A_320 = arith.constant 0 : i32
      %dma_wait3A_321 = tpu.memref_slice %arg7[%add3A_318, %dma_wait3A_319, %dma_wait3A_320] : memref<20x80x32xf32, #tpu.memory_space<vmem>> -> memref<1x80x32xf32, #tpu.memory_space<vmem>>
      %dma_wait3A_322 = tpu.memref_squeeze %dma_wait3A_321 : memref<1x80x32xf32, #tpu.memory_space<vmem>> -> memref<80x32xf32, #tpu.memory_space<vmem>>
      %dma_wait3A_323 = arith.constant 0 : i32
      %dma_wait3A_324 = tpu.memref_slice %arg5[%add3A_314, %dma_wait3A_323] : memref<125x80xi32, #tpu.memory_space<vmem>> -> memref<1x80xi32, #tpu.memory_space<vmem>>
      %dma_wait3A_325 = tpu.memref_squeeze %dma_wait3A_324 : memref<1x80xi32, #tpu.memory_space<vmem>> -> memref<80xi32, #tpu.memory_space<vmem>>
      %dma_wait3A_326 = arith.constant 0 : i32
      %dma_wait3A_327 = arith.constant 0 : i32
      %dma_wait3A_328 = tpu.memref_slice %arg2[%dma_wait3A_326, %dma_wait3A_327] : memref<10000x32xf32, #tpu.memory_space<hbm>> -> memref<10000x32xf32, #tpu.memory_space<hbm>>
      tpu.wait_indirect_dma semaphore(%arg10 : memref<!tpu.dma_semaphore, #tpu.memory_space<semaphore_mem>>) src(%dma_wait3A_328 : memref<10000x32xf32, #tpu.memory_space<hbm>>) dst(%dma_wait3A_322 : memref<80x32xf32, #tpu.memory_space<vmem>>)
      %mul3A_329 = arith.constant 5 : i32
      %mul3A_330 = arith.muli %scan3A_290, %mul3A_329 : i32
      %add3A_331 = arith.constant 2 : i32
      %add3A_332 = arith.addi %mul3A_330, %add3A_331 : i32
      %mul3A_333 = arith.constant 5 : i32
      %mul3A_334 = arith.muli %rem3A_292, %mul3A_333 : i32
      %add3A_335 = arith.constant 2 : i32
      %add3A_336 = arith.addi %mul3A_334, %add3A_335 : i32
      %dma_wait3A_337 = arith.constant 0 : i32
      %dma_wait3A_338 = arith.constant 0 : i32
      %dma_wait3A_339 = tpu.memref_slice %arg7[%add3A_336, %dma_wait3A_337, %dma_wait3A_338] : memref<20x80x32xf32, #tpu.memory_space<vmem>> -> memref<1x80x32xf32, #tpu.memory_space<vmem>>
      %dma_wait3A_340 = tpu.memref_squeeze %dma_wait3A_339 : memref<1x80x32xf32, #tpu.memory_space<vmem>> -> memref<80x32xf32, #tpu.memory_space<vmem>>
      %dma_wait3A_341 = arith.constant 0 : i32
      %dma_wait3A_342 = tpu.memref_slice %arg5[%add3A_332, %dma_wait3A_341] : memref<125x80xi32, #tpu.memory_space<vmem>> -> memref<1x80xi32, #tpu.memory_space<vmem>>
      %dma_wait3A_343 = tpu.memref_squeeze %dma_wait3A_342 : memref<1x80xi32, #tpu.memory_space<vmem>> -> memref<80xi32, #tpu.memory_space<vmem>>
      %dma_wait3A_344 = arith.constant 0 : i32
      %dma_wait3A_345 = arith.constant 0 : i32
      %dma_wait3A_346 = tpu.memref_slice %arg2[%dma_wait3A_344, %dma_wait3A_345] : memref<10000x32xf32, #tpu.memory_space<hbm>> -> memref<10000x32xf32, #tpu.memory_space<hbm>>
      tpu.wait_indirect_dma semaphore(%arg10 : memref<!tpu.dma_semaphore, #tpu.memory_space<semaphore_mem>>) src(%dma_wait3A_346 : memref<10000x32xf32, #tpu.memory_space<hbm>>) dst(%dma_wait3A_340 : memref<80x32xf32, #tpu.memory_space<vmem>>)
      %mul3A_347 = arith.constant 5 : i32
      %mul3A_348 = arith.muli %scan3A_290, %mul3A_347 : i32
      %add3A_349 = arith.constant 3 : i32
      %add3A_350 = arith.addi %mul3A_348, %add3A_349 : i32
      %mul3A_351 = arith.constant 5 : i32
      %mul3A_352 = arith.muli %rem3A_292, %mul3A_351 : i32
      %add3A_353 = arith.constant 3 : i32
      %add3A_354 = arith.addi %mul3A_352, %add3A_353 : i32
      %dma_wait3A_355 = arith.constant 0 : i32
      %dma_wait3A_356 = arith.constant 0 : i32
      %dma_wait3A_357 = tpu.memref_slice %arg7[%add3A_354, %dma_wait3A_355, %dma_wait3A_356] : memref<20x80x32xf32, #tpu.memory_space<vmem>> -> memref<1x80x32xf32, #tpu.memory_space<vmem>>
      %dma_wait3A_358 = tpu.memref_squeeze %dma_wait3A_357 : memref<1x80x32xf32, #tpu.memory_space<vmem>> -> memref<80x32xf32, #tpu.memory_space<vmem>>
      %dma_wait3A_359 = arith.constant 0 : i32
      %dma_wait3A_360 = tpu.memref_slice %arg5[%add3A_350, %dma_wait3A_359] : memref<125x80xi32, #tpu.memory_space<vmem>> -> memref<1x80xi32, #tpu.memory_space<vmem>>
      %dma_wait3A_361 = tpu.memref_squeeze %dma_wait3A_360 : memref<1x80xi32, #tpu.memory_space<vmem>> -> memref<80xi32, #tpu.memory_space<vmem>>
      %dma_wait3A_362 = arith.constant 0 : i32
      %dma_wait3A_363 = arith.constant 0 : i32
      %dma_wait3A_364 = tpu.memref_slice %arg2[%dma_wait3A_362, %dma_wait3A_363] : memref<10000x32xf32, #tpu.memory_space<hbm>> -> memref<10000x32xf32, #tpu.memory_space<hbm>>
      tpu.wait_indirect_dma semaphore(%arg10 : memref<!tpu.dma_semaphore, #tpu.memory_space<semaphore_mem>>) src(%dma_wait3A_364 : memref<10000x32xf32, #tpu.memory_space<hbm>>) dst(%dma_wait3A_358 : memref<80x32xf32, #tpu.memory_space<vmem>>)
      %mul3A_365 = arith.constant 5 : i32
      %mul3A_366 = arith.muli %scan3A_290, %mul3A_365 : i32
      %add3A_367 = arith.constant 4 : i32
      %add3A_368 = arith.addi %mul3A_366, %add3A_367 : i32
      %mul3A_369 = arith.constant 5 : i32
      %mul3A_370 = arith.muli %rem3A_292, %mul3A_369 : i32
      %add3A_371 = arith.constant 4 : i32
      %add3A_372 = arith.addi %mul3A_370, %add3A_371 : i32
      %dma_wait3A_373 = arith.constant 0 : i32
      %dma_wait3A_374 = arith.constant 0 : i32
      %dma_wait3A_375 = tpu.memref_slice %arg7[%add3A_372, %dma_wait3A_373, %dma_wait3A_374] : memref<20x80x32xf32, #tpu.memory_space<vmem>> -> memref<1x80x32xf32, #tpu.memory_space<vmem>>
      %dma_wait3A_376 = tpu.memref_squeeze %dma_wait3A_375 : memref<1x80x32xf32, #tpu.memory_space<vmem>> -> memref<80x32xf32, #tpu.memory_space<vmem>>
      %dma_wait3A_377 = arith.constant 0 : i32
      %dma_wait3A_378 = tpu.memref_slice %arg5[%add3A_368, %dma_wait3A_377] : memref<125x80xi32, #tpu.memory_space<vmem>> -> memref<1x80xi32, #tpu.memory_space<vmem>>
      %dma_wait3A_379 = tpu.memref_squeeze %dma_wait3A_378 : memref<1x80xi32, #tpu.memory_space<vmem>> -> memref<80xi32, #tpu.memory_space<vmem>>
      %dma_wait3A_380 = arith.constant 0 : i32
      %dma_wait3A_381 = arith.constant 0 : i32
      %dma_wait3A_382 = tpu.memref_slice %arg2[%dma_wait3A_380, %dma_wait3A_381] : memref<10000x32xf32, #tpu.memory_space<hbm>> -> memref<10000x32xf32, #tpu.memory_space<hbm>>
      tpu.wait_indirect_dma semaphore(%arg10 : memref<!tpu.dma_semaphore, #tpu.memory_space<semaphore_mem>>) src(%dma_wait3A_382 : memref<10000x32xf32, #tpu.memory_space<hbm>>) dst(%dma_wait3A_376 : memref<80x32xf32, #tpu.memory_space<vmem>>)
      %gt3A = arith.constant 0 : i32
      %gt3A_383 = arith.cmpi sgt, %scan3A_290, %gt3A : i32
      %convert_element_type3A = arith.extui %gt3A_383 : i1 to i32
      %cond3A = arith.constant 0 : i32
      %cond3A_384 = arith.cmpi ne, %convert_element_type3A, %cond3A : i32
      scf.if %cond3A_384 {
        %sub3A_483 = arith.constant 1 : i32
        %sub3A_484 = arith.subi %scan3A_290, %sub3A_483 : i32
        %sub3A_485 = arith.constant 1 : i32
        %sub3A_486 = arith.subi %scan3A_290, %sub3A_485 : i32
        %rem3A_487 = arith.constant 4 : i32
        %rem3A_488 = arith.remsi %sub3A_486, %rem3A_487 : i32
        %mul3A_489 = arith.constant 5 : i32
        %mul3A_490 = arith.muli %rem3A_488, %mul3A_489 : i32
        %add3A_491 = arith.constant 0 : i32
        %add3A_492 = arith.addi %mul3A_490, %add3A_491 : i32
        %mul3A_493 = arith.constant 5 : i32
        %mul3A_494 = arith.muli %sub3A_484, %mul3A_493 : i32
        %add3A_495 = arith.constant 0 : i32
        %add3A_496 = arith.addi %mul3A_494, %add3A_495 : i32
        %dma_wait3A_497 = arith.constant 0 : i32
        %dma_wait3A_498 = arith.constant 0 : i32
        %dma_wait3A_499 = tpu.memref_slice %arg7[%add3A_492, %dma_wait3A_497, %dma_wait3A_498] : memref<20x80x32xf32, #tpu.memory_space<vmem>> -> memref<1x80x32xf32, #tpu.memory_space<vmem>>
        %dma_wait3A_500 = tpu.memref_squeeze %dma_wait3A_499 : memref<1x80x32xf32, #tpu.memory_space<vmem>> -> memref<80x32xf32, #tpu.memory_space<vmem>>
        %dma_wait3A_501 = arith.constant 0 : i32
        %dma_wait3A_502 = tpu.memref_slice %arg6[%add3A_496, %dma_wait3A_501] : memref<125x80xi32, #tpu.memory_space<vmem>> -> memref<1x80xi32, #tpu.memory_space<vmem>>
        %dma_wait3A_503 = tpu.memref_squeeze %dma_wait3A_502 : memref<1x80xi32, #tpu.memory_space<vmem>> -> memref<80xi32, #tpu.memory_space<vmem>>
        %dma_wait3A_504 = arith.constant 0 : i32
        %dma_wait3A_505 = arith.constant 0 : i32
        %dma_wait3A_506 = tpu.memref_slice %arg9[%dma_wait3A_504, %dma_wait3A_505] : memref<10240x32xf32, #tpu.memory_space<vmem_shared>> -> memref<10240x32xf32, #tpu.memory_space<vmem_shared>>
        tpu.wait_indirect_dma semaphore(%arg11 : memref<!tpu.dma_semaphore, #tpu.memory_space<semaphore_mem>>) src(%dma_wait3A_500 : memref<80x32xf32, #tpu.memory_space<vmem>>) dst(%dma_wait3A_506 : memref<10240x32xf32, #tpu.memory_space<vmem_shared>>)
        %mul3A_507 = arith.constant 5 : i32
        %mul3A_508 = arith.muli %rem3A_488, %mul3A_507 : i32
        %add3A_509 = arith.constant 1 : i32
        %add3A_510 = arith.addi %mul3A_508, %add3A_509 : i32
        %mul3A_511 = arith.constant 5 : i32
        %mul3A_512 = arith.muli %sub3A_484, %mul3A_511 : i32
        %add3A_513 = arith.constant 1 : i32
        %add3A_514 = arith.addi %mul3A_512, %add3A_513 : i32
        %dma_wait3A_515 = arith.constant 0 : i32
        %dma_wait3A_516 = arith.constant 0 : i32
        %dma_wait3A_517 = tpu.memref_slice %arg7[%add3A_510, %dma_wait3A_515, %dma_wait3A_516] : memref<20x80x32xf32, #tpu.memory_space<vmem>> -> memref<1x80x32xf32, #tpu.memory_space<vmem>>
        %dma_wait3A_518 = tpu.memref_squeeze %dma_wait3A_517 : memref<1x80x32xf32, #tpu.memory_space<vmem>> -> memref<80x32xf32, #tpu.memory_space<vmem>>
        %dma_wait3A_519 = arith.constant 0 : i32
        %dma_wait3A_520 = tpu.memref_slice %arg6[%add3A_514, %dma_wait3A_519] : memref<125x80xi32, #tpu.memory_space<vmem>> -> memref<1x80xi32, #tpu.memory_space<vmem>>
        %dma_wait3A_521 = tpu.memref_squeeze %dma_wait3A_520 : memref<1x80xi32, #tpu.memory_space<vmem>> -> memref<80xi32, #tpu.memory_space<vmem>>
        %dma_wait3A_522 = arith.constant 0 : i32
        %dma_wait3A_523 = arith.constant 0 : i32
        %dma_wait3A_524 = tpu.memref_slice %arg9[%dma_wait3A_522, %dma_wait3A_523] : memref<10240x32xf32, #tpu.memory_space<vmem_shared>> -> memref<10240x32xf32, #tpu.memory_space<vmem_shared>>
        tpu.wait_indirect_dma semaphore(%arg11 : memref<!tpu.dma_semaphore, #tpu.memory_space<semaphore_mem>>) src(%dma_wait3A_518 : memref<80x32xf32, #tpu.memory_space<vmem>>) dst(%dma_wait3A_524 : memref<10240x32xf32, #tpu.memory_space<vmem_shared>>)
        %mul3A_525 = arith.constant 5 : i32
        %mul3A_526 = arith.muli %rem3A_488, %mul3A_525 : i32
        %add3A_527 = arith.constant 2 : i32
        %add3A_528 = arith.addi %mul3A_526, %add3A_527 : i32
        %mul3A_529 = arith.constant 5 : i32
        %mul3A_530 = arith.muli %sub3A_484, %mul3A_529 : i32
        %add3A_531 = arith.constant 2 : i32
        %add3A_532 = arith.addi %mul3A_530, %add3A_531 : i32
        %dma_wait3A_533 = arith.constant 0 : i32
        %dma_wait3A_534 = arith.constant 0 : i32
        %dma_wait3A_535 = tpu.memref_slice %arg7[%add3A_528, %dma_wait3A_533, %dma_wait3A_534] : memref<20x80x32xf32, #tpu.memory_space<vmem>> -> memref<1x80x32xf32, #tpu.memory_space<vmem>>
        %dma_wait3A_536 = tpu.memref_squeeze %dma_wait3A_535 : memref<1x80x32xf32, #tpu.memory_space<vmem>> -> memref<80x32xf32, #tpu.memory_space<vmem>>
        %dma_wait3A_537 = arith.constant 0 : i32
        %dma_wait3A_538 = tpu.memref_slice %arg6[%add3A_532, %dma_wait3A_537] : memref<125x80xi32, #tpu.memory_space<vmem>> -> memref<1x80xi32, #tpu.memory_space<vmem>>
        %dma_wait3A_539 = tpu.memref_squeeze %dma_wait3A_538 : memref<1x80xi32, #tpu.memory_space<vmem>> -> memref<80xi32, #tpu.memory_space<vmem>>
        %dma_wait3A_540 = arith.constant 0 : i32
        %dma_wait3A_541 = arith.constant 0 : i32
        %dma_wait3A_542 = tpu.memref_slice %arg9[%dma_wait3A_540, %dma_wait3A_541] : memref<10240x32xf32, #tpu.memory_space<vmem_shared>> -> memref<10240x32xf32, #tpu.memory_space<vmem_shared>>
        tpu.wait_indirect_dma semaphore(%arg11 : memref<!tpu.dma_semaphore, #tpu.memory_space<semaphore_mem>>) src(%dma_wait3A_536 : memref<80x32xf32, #tpu.memory_space<vmem>>) dst(%dma_wait3A_542 : memref<10240x32xf32, #tpu.memory_space<vmem_shared>>)
        %mul3A_543 = arith.constant 5 : i32
        %mul3A_544 = arith.muli %rem3A_488, %mul3A_543 : i32
        %add3A_545 = arith.constant 3 : i32
        %add3A_546 = arith.addi %mul3A_544, %add3A_545 : i32
        %mul3A_547 = arith.constant 5 : i32
        %mul3A_548 = arith.muli %sub3A_484, %mul3A_547 : i32
        %add3A_549 = arith.constant 3 : i32
        %add3A_550 = arith.addi %mul3A_548, %add3A_549 : i32
        %dma_wait3A_551 = arith.constant 0 : i32
        %dma_wait3A_552 = arith.constant 0 : i32
        %dma_wait3A_553 = tpu.memref_slice %arg7[%add3A_546, %dma_wait3A_551, %dma_wait3A_552] : memref<20x80x32xf32, #tpu.memory_space<vmem>> -> memref<1x80x32xf32, #tpu.memory_space<vmem>>
        %dma_wait3A_554 = tpu.memref_squeeze %dma_wait3A_553 : memref<1x80x32xf32, #tpu.memory_space<vmem>> -> memref<80x32xf32, #tpu.memory_space<vmem>>
        %dma_wait3A_555 = arith.constant 0 : i32
        %dma_wait3A_556 = tpu.memref_slice %arg6[%add3A_550, %dma_wait3A_555] : memref<125x80xi32, #tpu.memory_space<vmem>> -> memref<1x80xi32, #tpu.memory_space<vmem>>
        %dma_wait3A_557 = tpu.memref_squeeze %dma_wait3A_556 : memref<1x80xi32, #tpu.memory_space<vmem>> -> memref<80xi32, #tpu.memory_space<vmem>>
        %dma_wait3A_558 = arith.constant 0 : i32
        %dma_wait3A_559 = arith.constant 0 : i32
        %dma_wait3A_560 = tpu.memref_slice %arg9[%dma_wait3A_558, %dma_wait3A_559] : memref<10240x32xf32, #tpu.memory_space<vmem_shared>> -> memref<10240x32xf32, #tpu.memory_space<vmem_shared>>
        tpu.wait_indirect_dma semaphore(%arg11 : memref<!tpu.dma_semaphore, #tpu.memory_space<semaphore_mem>>) src(%dma_wait3A_554 : memref<80x32xf32, #tpu.memory_space<vmem>>) dst(%dma_wait3A_560 : memref<10240x32xf32, #tpu.memory_space<vmem_shared>>)
        %mul3A_561 = arith.constant 5 : i32
        %mul3A_562 = arith.muli %rem3A_488, %mul3A_561 : i32
        %add3A_563 = arith.constant 4 : i32
        %add3A_564 = arith.addi %mul3A_562, %add3A_563 : i32
        %mul3A_565 = arith.constant 5 : i32
        %mul3A_566 = arith.muli %sub3A_484, %mul3A_565 : i32
        %add3A_567 = arith.constant 4 : i32
        %add3A_568 = arith.addi %mul3A_566, %add3A_567 : i32
        %dma_wait3A_569 = arith.constant 0 : i32
        %dma_wait3A_570 = arith.constant 0 : i32
        %dma_wait3A_571 = tpu.memref_slice %arg7[%add3A_564, %dma_wait3A_569, %dma_wait3A_570] : memref<20x80x32xf32, #tpu.memory_space<vmem>> -> memref<1x80x32xf32, #tpu.memory_space<vmem>>
        %dma_wait3A_572 = tpu.memref_squeeze %dma_wait3A_571 : memref<1x80x32xf32, #tpu.memory_space<vmem>> -> memref<80x32xf32, #tpu.memory_space<vmem>>
        %dma_wait3A_573 = arith.constant 0 : i32
        %dma_wait3A_574 = tpu.memref_slice %arg6[%add3A_568, %dma_wait3A_573] : memref<125x80xi32, #tpu.memory_space<vmem>> -> memref<1x80xi32, #tpu.memory_space<vmem>>
        %dma_wait3A_575 = tpu.memref_squeeze %dma_wait3A_574 : memref<1x80xi32, #tpu.memory_space<vmem>> -> memref<80xi32, #tpu.memory_space<vmem>>
        %dma_wait3A_576 = arith.constant 0 : i32
        %dma_wait3A_577 = arith.constant 0 : i32
        %dma_wait3A_578 = tpu.memref_slice %arg9[%dma_wait3A_576, %dma_wait3A_577] : memref<10240x32xf32, #tpu.memory_space<vmem_shared>> -> memref<10240x32xf32, #tpu.memory_space<vmem_shared>>
        tpu.wait_indirect_dma semaphore(%arg11 : memref<!tpu.dma_semaphore, #tpu.memory_space<semaphore_mem>>) src(%dma_wait3A_572 : memref<80x32xf32, #tpu.memory_space<vmem>>) dst(%dma_wait3A_578 : memref<10240x32xf32, #tpu.memory_space<vmem_shared>>)
      } else {
      }
      %add3A_385 = arith.constant 4 : i32
      %add3A_386 = arith.addi %scan3A_290, %add3A_385 : i32
      %sub3A = arith.constant 1 : i32
      %sub3A_387 = arith.subi %add3A_386, %sub3A : i32
      %lt3A = arith.constant 25 : i32
      %lt3A_388 = arith.cmpi slt, %sub3A_387, %lt3A : i32
      %convert_element_type3A_389 = arith.extui %lt3A_388 : i1 to i32
      %cond3A_390 = arith.constant 0 : i32
      %cond3A_391 = arith.cmpi ne, %convert_element_type3A_389, %cond3A_390 : i32
      scf.if %cond3A_391 {
        %add3A_483 = arith.constant 4 : i32
        %add3A_484 = arith.addi %scan3A_290, %add3A_483 : i32
        %sub3A_485 = arith.constant 1 : i32
        %sub3A_486 = arith.subi %add3A_484, %sub3A_485 : i32
        %rem3A_487 = arith.constant 4 : i32
        %rem3A_488 = arith.remsi %sub3A_486, %rem3A_487 : i32
        %mul3A_489 = arith.constant 5 : i32
        %mul3A_490 = arith.muli %sub3A_486, %mul3A_489 : i32
        %add3A_491 = arith.constant 0 : i32
        %add3A_492 = arith.addi %mul3A_490, %add3A_491 : i32
        %mul3A_493 = arith.constant 5 : i32
        %mul3A_494 = arith.muli %rem3A_488, %mul3A_493 : i32
        %add3A_495 = arith.constant 0 : i32
        %add3A_496 = arith.addi %mul3A_494, %add3A_495 : i32
        %dma_start3A_497 = arith.constant 0 : i32
        %dma_start3A_498 = arith.constant 0 : i32
        %dma_start3A_499 = tpu.memref_slice %arg7[%add3A_496, %dma_start3A_497, %dma_start3A_498] : memref<20x80x32xf32, #tpu.memory_space<vmem>> -> memref<1x80x32xf32, #tpu.memory_space<vmem>>
        %dma_start3A_500 = tpu.memref_squeeze %dma_start3A_499 : memref<1x80x32xf32, #tpu.memory_space<vmem>> -> memref<80x32xf32, #tpu.memory_space<vmem>>
        %dma_start3A_501 = arith.constant 0 : i32
        %dma_start3A_502 = tpu.memref_slice %arg5[%add3A_492, %dma_start3A_501] : memref<125x80xi32, #tpu.memory_space<vmem>> -> memref<1x80xi32, #tpu.memory_space<vmem>>
        %dma_start3A_503 = tpu.memref_squeeze %dma_start3A_502 : memref<1x80xi32, #tpu.memory_space<vmem>> -> memref<80xi32, #tpu.memory_space<vmem>>
        %dma_start3A_504 = arith.constant 0 : i32
        %dma_start3A_505 = arith.constant 0 : i32
        %dma_start3A_506 = tpu.memref_slice %arg2[%dma_start3A_504, %dma_start3A_505] : memref<10000x32xf32, #tpu.memory_space<hbm>> -> memref<10000x32xf32, #tpu.memory_space<hbm>>
        tpu.enqueue_indirect_dma source(%dma_start3A_506 : memref<10000x32xf32, #tpu.memory_space<hbm>>) target(%dma_start3A_500 : memref<80x32xf32, #tpu.memory_space<vmem>>) offsets(%dma_start3A_503 : memref<80xi32, #tpu.memory_space<vmem>>) semaphore(%arg10 : memref<!tpu.dma_semaphore, #tpu.memory_space<semaphore_mem>>)
        %mul3A_507 = arith.constant 5 : i32
        %mul3A_508 = arith.muli %sub3A_486, %mul3A_507 : i32
        %add3A_509 = arith.constant 1 : i32
        %add3A_510 = arith.addi %mul3A_508, %add3A_509 : i32
        %mul3A_511 = arith.constant 5 : i32
        %mul3A_512 = arith.muli %rem3A_488, %mul3A_511 : i32
        %add3A_513 = arith.constant 1 : i32
        %add3A_514 = arith.addi %mul3A_512, %add3A_513 : i32
        %dma_start3A_515 = arith.constant 0 : i32
        %dma_start3A_516 = arith.constant 0 : i32
        %dma_start3A_517 = tpu.memref_slice %arg7[%add3A_514, %dma_start3A_515, %dma_start3A_516] : memref<20x80x32xf32, #tpu.memory_space<vmem>> -> memref<1x80x32xf32, #tpu.memory_space<vmem>>
        %dma_start3A_518 = tpu.memref_squeeze %dma_start3A_517 : memref<1x80x32xf32, #tpu.memory_space<vmem>> -> memref<80x32xf32, #tpu.memory_space<vmem>>
        %dma_start3A_519 = arith.constant 0 : i32
        %dma_start3A_520 = tpu.memref_slice %arg5[%add3A_510, %dma_start3A_519] : memref<125x80xi32, #tpu.memory_space<vmem>> -> memref<1x80xi32, #tpu.memory_space<vmem>>
        %dma_start3A_521 = tpu.memref_squeeze %dma_start3A_520 : memref<1x80xi32, #tpu.memory_space<vmem>> -> memref<80xi32, #tpu.memory_space<vmem>>
        %dma_start3A_522 = arith.constant 0 : i32
        %dma_start3A_523 = arith.constant 0 : i32
        %dma_start3A_524 = tpu.memref_slice %arg2[%dma_start3A_522, %dma_start3A_523] : memref<10000x32xf32, #tpu.memory_space<hbm>> -> memref<10000x32xf32, #tpu.memory_space<hbm>>
        tpu.enqueue_indirect_dma source(%dma_start3A_524 : memref<10000x32xf32, #tpu.memory_space<hbm>>) target(%dma_start3A_518 : memref<80x32xf32, #tpu.memory_space<vmem>>) offsets(%dma_start3A_521 : memref<80xi32, #tpu.memory_space<vmem>>) semaphore(%arg10 : memref<!tpu.dma_semaphore, #tpu.memory_space<semaphore_mem>>)
        %mul3A_525 = arith.constant 5 : i32
        %mul3A_526 = arith.muli %sub3A_486, %mul3A_525 : i32
        %add3A_527 = arith.constant 2 : i32
        %add3A_528 = arith.addi %mul3A_526, %add3A_527 : i32
        %mul3A_529 = arith.constant 5 : i32
        %mul3A_530 = arith.muli %rem3A_488, %mul3A_529 : i32
        %add3A_531 = arith.constant 2 : i32
        %add3A_532 = arith.addi %mul3A_530, %add3A_531 : i32
        %dma_start3A_533 = arith.constant 0 : i32
        %dma_start3A_534 = arith.constant 0 : i32
        %dma_start3A_535 = tpu.memref_slice %arg7[%add3A_532, %dma_start3A_533, %dma_start3A_534] : memref<20x80x32xf32, #tpu.memory_space<vmem>> -> memref<1x80x32xf32, #tpu.memory_space<vmem>>
        %dma_start3A_536 = tpu.memref_squeeze %dma_start3A_535 : memref<1x80x32xf32, #tpu.memory_space<vmem>> -> memref<80x32xf32, #tpu.memory_space<vmem>>
        %dma_start3A_537 = arith.constant 0 : i32
        %dma_start3A_538 = tpu.memref_slice %arg5[%add3A_528, %dma_start3A_537] : memref<125x80xi32, #tpu.memory_space<vmem>> -> memref<1x80xi32, #tpu.memory_space<vmem>>
        %dma_start3A_539 = tpu.memref_squeeze %dma_start3A_538 : memref<1x80xi32, #tpu.memory_space<vmem>> -> memref<80xi32, #tpu.memory_space<vmem>>
        %dma_start3A_540 = arith.constant 0 : i32
        %dma_start3A_541 = arith.constant 0 : i32
        %dma_start3A_542 = tpu.memref_slice %arg2[%dma_start3A_540, %dma_start3A_541] : memref<10000x32xf32, #tpu.memory_space<hbm>> -> memref<10000x32xf32, #tpu.memory_space<hbm>>
        tpu.enqueue_indirect_dma source(%dma_start3A_542 : memref<10000x32xf32, #tpu.memory_space<hbm>>) target(%dma_start3A_536 : memref<80x32xf32, #tpu.memory_space<vmem>>) offsets(%dma_start3A_539 : memref<80xi32, #tpu.memory_space<vmem>>) semaphore(%arg10 : memref<!tpu.dma_semaphore, #tpu.memory_space<semaphore_mem>>)
        %mul3A_543 = arith.constant 5 : i32
        %mul3A_544 = arith.muli %sub3A_486, %mul3A_543 : i32
        %add3A_545 = arith.constant 3 : i32
        %add3A_546 = arith.addi %mul3A_544, %add3A_545 : i32
        %mul3A_547 = arith.constant 5 : i32
        %mul3A_548 = arith.muli %rem3A_488, %mul3A_547 : i32
        %add3A_549 = arith.constant 3 : i32
        %add3A_550 = arith.addi %mul3A_548, %add3A_549 : i32
        %dma_start3A_551 = arith.constant 0 : i32
        %dma_start3A_552 = arith.constant 0 : i32
        %dma_start3A_553 = tpu.memref_slice %arg7[%add3A_550, %dma_start3A_551, %dma_start3A_552] : memref<20x80x32xf32, #tpu.memory_space<vmem>> -> memref<1x80x32xf32, #tpu.memory_space<vmem>>
        %dma_start3A_554 = tpu.memref_squeeze %dma_start3A_553 : memref<1x80x32xf32, #tpu.memory_space<vmem>> -> memref<80x32xf32, #tpu.memory_space<vmem>>
        %dma_start3A_555 = arith.constant 0 : i32
        %dma_start3A_556 = tpu.memref_slice %arg5[%add3A_546, %dma_start3A_555] : memref<125x80xi32, #tpu.memory_space<vmem>> -> memref<1x80xi32, #tpu.memory_space<vmem>>
        %dma_start3A_557 = tpu.memref_squeeze %dma_start3A_556 : memref<1x80xi32, #tpu.memory_space<vmem>> -> memref<80xi32, #tpu.memory_space<vmem>>
        %dma_start3A_558 = arith.constant 0 : i32
        %dma_start3A_559 = arith.constant 0 : i32
        %dma_start3A_560 = tpu.memref_slice %arg2[%dma_start3A_558, %dma_start3A_559] : memref<10000x32xf32, #tpu.memory_space<hbm>> -> memref<10000x32xf32, #tpu.memory_space<hbm>>
        tpu.enqueue_indirect_dma source(%dma_start3A_560 : memref<10000x32xf32, #tpu.memory_space<hbm>>) target(%dma_start3A_554 : memref<80x32xf32, #tpu.memory_space<vmem>>) offsets(%dma_start3A_557 : memref<80xi32, #tpu.memory_space<vmem>>) semaphore(%arg10 : memref<!tpu.dma_semaphore, #tpu.memory_space<semaphore_mem>>)
        %mul3A_561 = arith.constant 5 : i32
        %mul3A_562 = arith.muli %sub3A_486, %mul3A_561 : i32
        %add3A_563 = arith.constant 4 : i32
        %add3A_564 = arith.addi %mul3A_562, %add3A_563 : i32
        %mul3A_565 = arith.constant 5 : i32
        %mul3A_566 = arith.muli %rem3A_488, %mul3A_565 : i32
        %add3A_567 = arith.constant 4 : i32
        %add3A_568 = arith.addi %mul3A_566, %add3A_567 : i32
        %dma_start3A_569 = arith.constant 0 : i32
        %dma_start3A_570 = arith.constant 0 : i32
        %dma_start3A_571 = tpu.memref_slice %arg7[%add3A_568, %dma_start3A_569, %dma_start3A_570] : memref<20x80x32xf32, #tpu.memory_space<vmem>> -> memref<1x80x32xf32, #tpu.memory_space<vmem>>
        %dma_start3A_572 = tpu.memref_squeeze %dma_start3A_571 : memref<1x80x32xf32, #tpu.memory_space<vmem>> -> memref<80x32xf32, #tpu.memory_space<vmem>>
        %dma_start3A_573 = arith.constant 0 : i32
        %dma_start3A_574 = tpu.memref_slice %arg5[%add3A_564, %dma_start3A_573] : memref<125x80xi32, #tpu.memory_space<vmem>> -> memref<1x80xi32, #tpu.memory_space<vmem>>
        %dma_start3A_575 = tpu.memref_squeeze %dma_start3A_574 : memref<1x80xi32, #tpu.memory_space<vmem>> -> memref<80xi32, #tpu.memory_space<vmem>>
        %dma_start3A_576 = arith.constant 0 : i32
        %dma_start3A_577 = arith.constant 0 : i32
        %dma_start3A_578 = tpu.memref_slice %arg2[%dma_start3A_576, %dma_start3A_577] : memref<10000x32xf32, #tpu.memory_space<hbm>> -> memref<10000x32xf32, #tpu.memory_space<hbm>>
        tpu.enqueue_indirect_dma source(%dma_start3A_578 : memref<10000x32xf32, #tpu.memory_space<hbm>>) target(%dma_start3A_572 : memref<80x32xf32, #tpu.memory_space<vmem>>) offsets(%dma_start3A_575 : memref<80xi32, #tpu.memory_space<vmem>>) semaphore(%arg10 : memref<!tpu.dma_semaphore, #tpu.memory_space<semaphore_mem>>)
      } else {
      }
      %mul3A_392 = arith.constant 5 : i32
      %mul3A_393 = arith.muli %rem3A_292, %mul3A_392 : i32
      %add3A_394 = arith.constant 0 : i32
      %add3A_395 = arith.addi %mul3A_393, %add3A_394 : i32
      %mul3A_396 = arith.constant 5 : i32
      %mul3A_397 = arith.muli %scan3A_290, %mul3A_396 : i32
      %add3A_398 = arith.constant 0 : i32
      %add3A_399 = arith.addi %mul3A_397, %add3A_398 : i32
      %dma_start3A_400 = arith.constant 0 : i32
      %dma_start3A_401 = arith.constant 0 : i32
      %dma_start3A_402 = tpu.memref_slice %arg7[%add3A_395, %dma_start3A_400, %dma_start3A_401] : memref<20x80x32xf32, #tpu.memory_space<vmem>> -> memref<1x80x32xf32, #tpu.memory_space<vmem>>
      %dma_start3A_403 = tpu.memref_squeeze %dma_start3A_402 : memref<1x80x32xf32, #tpu.memory_space<vmem>> -> memref<80x32xf32, #tpu.memory_space<vmem>>
      %dma_start3A_404 = arith.constant 0 : i32
      %dma_start3A_405 = tpu.memref_slice %arg6[%add3A_399, %dma_start3A_404] : memref<125x80xi32, #tpu.memory_space<vmem>> -> memref<1x80xi32, #tpu.memory_space<vmem>>
      %dma_start3A_406 = tpu.memref_squeeze %dma_start3A_405 : memref<1x80xi32, #tpu.memory_space<vmem>> -> memref<80xi32, #tpu.memory_space<vmem>>
      %dma_start3A_407 = arith.constant 0 : i32
      %dma_start3A_408 = arith.constant 0 : i32
      %dma_start3A_409 = tpu.memref_slice %arg9[%dma_start3A_407, %dma_start3A_408] : memref<10240x32xf32, #tpu.memory_space<vmem_shared>> -> memref<10240x32xf32, #tpu.memory_space<vmem_shared>>
      tpu.enqueue_indirect_dma source(%dma_start3A_403 : memref<80x32xf32, #tpu.memory_space<vmem>>) target(%dma_start3A_409 : memref<10240x32xf32, #tpu.memory_space<vmem_shared>>) offsets(%dma_start3A_406 : memref<80xi32, #tpu.memory_space<vmem>>) semaphore(%arg11 : memref<!tpu.dma_semaphore, #tpu.memory_space<semaphore_mem>>) {add = true}
      %mul3A_410 = arith.constant 5 : i32
      %mul3A_411 = arith.muli %rem3A_292, %mul3A_410 : i32
      %add3A_412 = arith.constant 1 : i32
      %add3A_413 = arith.addi %mul3A_411, %add3A_412 : i32
      %mul3A_414 = arith.constant 5 : i32
      %mul3A_415 = arith.muli %scan3A_290, %mul3A_414 : i32
      %add3A_416 = arith.constant 1 : i32
      %add3A_417 = arith.addi %mul3A_415, %add3A_416 : i32
      %dma_start3A_418 = arith.constant 0 : i32
      %dma_start3A_419 = arith.constant 0 : i32
      %dma_start3A_420 = tpu.memref_slice %arg7[%add3A_413, %dma_start3A_418, %dma_start3A_419] : memref<20x80x32xf32, #tpu.memory_space<vmem>> -> memref<1x80x32xf32, #tpu.memory_space<vmem>>
      %dma_start3A_421 = tpu.memref_squeeze %dma_start3A_420 : memref<1x80x32xf32, #tpu.memory_space<vmem>> -> memref<80x32xf32, #tpu.memory_space<vmem>>
      %dma_start3A_422 = arith.constant 0 : i32
      %dma_start3A_423 = tpu.memref_slice %arg6[%add3A_417, %dma_start3A_422] : memref<125x80xi32, #tpu.memory_space<vmem>> -> memref<1x80xi32, #tpu.memory_space<vmem>>
      %dma_start3A_424 = tpu.memref_squeeze %dma_start3A_423 : memref<1x80xi32, #tpu.memory_space<vmem>> -> memref<80xi32, #tpu.memory_space<vmem>>
      %dma_start3A_425 = arith.constant 0 : i32
      %dma_start3A_426 = arith.constant 0 : i32
      %dma_start3A_427 = tpu.memref_slice %arg9[%dma_start3A_425, %dma_start3A_426] : memref<10240x32xf32, #tpu.memory_space<vmem_shared>> -> memref<10240x32xf32, #tpu.memory_space<vmem_shared>>
      tpu.enqueue_indirect_dma source(%dma_start3A_421 : memref<80x32xf32, #tpu.memory_space<vmem>>) target(%dma_start3A_427 : memref<10240x32xf32, #tpu.memory_space<vmem_shared>>) offsets(%dma_start3A_424 : memref<80xi32, #tpu.memory_space<vmem>>) semaphore(%arg11 : memref<!tpu.dma_semaphore, #tpu.memory_space<semaphore_mem>>) {add = true}
      %mul3A_428 = arith.constant 5 : i32
      %mul3A_429 = arith.muli %rem3A_292, %mul3A_428 : i32
      %add3A_430 = arith.constant 2 : i32
      %add3A_431 = arith.addi %mul3A_429, %add3A_430 : i32
      %mul3A_432 = arith.constant 5 : i32
      %mul3A_433 = arith.muli %scan3A_290, %mul3A_432 : i32
      %add3A_434 = arith.constant 2 : i32
      %add3A_435 = arith.addi %mul3A_433, %add3A_434 : i32
      %dma_start3A_436 = arith.constant 0 : i32
      %dma_start3A_437 = arith.constant 0 : i32
      %dma_start3A_438 = tpu.memref_slice %arg7[%add3A_431, %dma_start3A_436, %dma_start3A_437] : memref<20x80x32xf32, #tpu.memory_space<vmem>> -> memref<1x80x32xf32, #tpu.memory_space<vmem>>
      %dma_start3A_439 = tpu.memref_squeeze %dma_start3A_438 : memref<1x80x32xf32, #tpu.memory_space<vmem>> -> memref<80x32xf32, #tpu.memory_space<vmem>>
      %dma_start3A_440 = arith.constant 0 : i32
      %dma_start3A_441 = tpu.memref_slice %arg6[%add3A_435, %dma_start3A_440] : memref<125x80xi32, #tpu.memory_space<vmem>> -> memref<1x80xi32, #tpu.memory_space<vmem>>
      %dma_start3A_442 = tpu.memref_squeeze %dma_start3A_441 : memref<1x80xi32, #tpu.memory_space<vmem>> -> memref<80xi32, #tpu.memory_space<vmem>>
      %dma_start3A_443 = arith.constant 0 : i32
      %dma_start3A_444 = arith.constant 0 : i32
      %dma_start3A_445 = tpu.memref_slice %arg9[%dma_start3A_443, %dma_start3A_444] : memref<10240x32xf32, #tpu.memory_space<vmem_shared>> -> memref<10240x32xf32, #tpu.memory_space<vmem_shared>>
      tpu.enqueue_indirect_dma source(%dma_start3A_439 : memref<80x32xf32, #tpu.memory_space<vmem>>) target(%dma_start3A_445 : memref<10240x32xf32, #tpu.memory_space<vmem_shared>>) offsets(%dma_start3A_442 : memref<80xi32, #tpu.memory_space<vmem>>) semaphore(%arg11 : memref<!tpu.dma_semaphore, #tpu.memory_space<semaphore_mem>>) {add = true}
      %mul3A_446 = arith.constant 5 : i32
      %mul3A_447 = arith.muli %rem3A_292, %mul3A_446 : i32
      %add3A_448 = arith.constant 3 : i32
      %add3A_449 = arith.addi %mul3A_447, %add3A_448 : i32
      %mul3A_450 = arith.constant 5 : i32
      %mul3A_451 = arith.muli %scan3A_290, %mul3A_450 : i32
      %add3A_452 = arith.constant 3 : i32
      %add3A_453 = arith.addi %mul3A_451, %add3A_452 : i32
      %dma_start3A_454 = arith.constant 0 : i32
      %dma_start3A_455 = arith.constant 0 : i32
      %dma_start3A_456 = tpu.memref_slice %arg7[%add3A_449, %dma_start3A_454, %dma_start3A_455] : memref<20x80x32xf32, #tpu.memory_space<vmem>> -> memref<1x80x32xf32, #tpu.memory_space<vmem>>
      %dma_start3A_457 = tpu.memref_squeeze %dma_start3A_456 : memref<1x80x32xf32, #tpu.memory_space<vmem>> -> memref<80x32xf32, #tpu.memory_space<vmem>>
      %dma_start3A_458 = arith.constant 0 : i32
      %dma_start3A_459 = tpu.memref_slice %arg6[%add3A_453, %dma_start3A_458] : memref<125x80xi32, #tpu.memory_space<vmem>> -> memref<1x80xi32, #tpu.memory_space<vmem>>
      %dma_start3A_460 = tpu.memref_squeeze %dma_start3A_459 : memref<1x80xi32, #tpu.memory_space<vmem>> -> memref<80xi32, #tpu.memory_space<vmem>>
      %dma_start3A_461 = arith.constant 0 : i32
      %dma_start3A_462 = arith.constant 0 : i32
      %dma_start3A_463 = tpu.memref_slice %arg9[%dma_start3A_461, %dma_start3A_462] : memref<10240x32xf32, #tpu.memory_space<vmem_shared>> -> memref<10240x32xf32, #tpu.memory_space<vmem_shared>>
      tpu.enqueue_indirect_dma source(%dma_start3A_457 : memref<80x32xf32, #tpu.memory_space<vmem>>) target(%dma_start3A_463 : memref<10240x32xf32, #tpu.memory_space<vmem_shared>>) offsets(%dma_start3A_460 : memref<80xi32, #tpu.memory_space<vmem>>) semaphore(%arg11 : memref<!tpu.dma_semaphore, #tpu.memory_space<semaphore_mem>>) {add = true}
      %mul3A_464 = arith.constant 5 : i32
      %mul3A_465 = arith.muli %rem3A_292, %mul3A_464 : i32
      %add3A_466 = arith.constant 4 : i32
      %add3A_467 = arith.addi %mul3A_465, %add3A_466 : i32
      %mul3A_468 = arith.constant 5 : i32
      %mul3A_469 = arith.muli %scan3A_290, %mul3A_468 : i32
      %add3A_470 = arith.constant 4 : i32
      %add3A_471 = arith.addi %mul3A_469, %add3A_470 : i32
      %dma_start3A_472 = arith.constant 0 : i32
      %dma_start3A_473 = arith.constant 0 : i32
      %dma_start3A_474 = tpu.memref_slice %arg7[%add3A_467, %dma_start3A_472, %dma_start3A_473] : memref<20x80x32xf32, #tpu.memory_space<vmem>> -> memref<1x80x32xf32, #tpu.memory_space<vmem>>
      %dma_start3A_475 = tpu.memref_squeeze %dma_start3A_474 : memref<1x80x32xf32, #tpu.memory_space<vmem>> -> memref<80x32xf32, #tpu.memory_space<vmem>>
      %dma_start3A_476 = arith.constant 0 : i32
      %dma_start3A_477 = tpu.memref_slice %arg6[%add3A_471, %dma_start3A_476] : memref<125x80xi32, #tpu.memory_space<vmem>> -> memref<1x80xi32, #tpu.memory_space<vmem>>
      %dma_start3A_478 = tpu.memref_squeeze %dma_start3A_477 : memref<1x80xi32, #tpu.memory_space<vmem>> -> memref<80xi32, #tpu.memory_space<vmem>>
      %dma_start3A_479 = arith.constant 0 : i32
      %dma_start3A_480 = arith.constant 0 : i32
      %dma_start3A_481 = tpu.memref_slice %arg9[%dma_start3A_479, %dma_start3A_480] : memref<10240x32xf32, #tpu.memory_space<vmem_shared>> -> memref<10240x32xf32, #tpu.memory_space<vmem_shared>>
      tpu.enqueue_indirect_dma source(%dma_start3A_475 : memref<80x32xf32, #tpu.memory_space<vmem>>) target(%dma_start3A_481 : memref<10240x32xf32, #tpu.memory_space<vmem_shared>>) offsets(%dma_start3A_478 : memref<80xi32, #tpu.memory_space<vmem>>) semaphore(%arg11 : memref<!tpu.dma_semaphore, #tpu.memory_space<semaphore_mem>>) {add = true}
      %scan3A_482 = arith.constant 0 : i32
      scf.yield %scan3A_482 : i32
    }
    %scan3A_225 = arith.constant 25 : i32
    %dma_wait3A = arith.constant 0 : i32
    %dma_wait3A_226 = arith.constant 120 : i32
    %dma_wait3A_227 = arith.constant 0 : i32
    %dma_wait3A_228 = arith.constant 0 : i32
    %dma_wait3A_229 = tpu.memref_slice %arg7[%dma_wait3A, %dma_wait3A_227, %dma_wait3A_228] : memref<20x80x32xf32, #tpu.memory_space<vmem>> -> memref<1x80x32xf32, #tpu.memory_space<vmem>>
    %dma_wait3A_230 = tpu.memref_squeeze %dma_wait3A_229 : memref<1x80x32xf32, #tpu.memory_space<vmem>> -> memref<80x32xf32, #tpu.memory_space<vmem>>
    %dma_wait3A_231 = arith.constant 0 : i32
    %dma_wait3A_232 = tpu.memref_slice %arg6[%dma_wait3A_226, %dma_wait3A_231] : memref<125x80xi32, #tpu.memory_space<vmem>> -> memref<1x80xi32, #tpu.memory_space<vmem>>
    %dma_wait3A_233 = tpu.memref_squeeze %dma_wait3A_232 : memref<1x80xi32, #tpu.memory_space<vmem>> -> memref<80xi32, #tpu.memory_space<vmem>>
    %dma_wait3A_234 = arith.constant 0 : i32
    %dma_wait3A_235 = arith.constant 0 : i32
    %dma_wait3A_236 = tpu.memref_slice %arg9[%dma_wait3A_234, %dma_wait3A_235] : memref<10240x32xf32, #tpu.memory_space<vmem_shared>> -> memref<10240x32xf32, #tpu.memory_space<vmem_shared>>
    tpu.wait_indirect_dma semaphore(%arg11 : memref<!tpu.dma_semaphore, #tpu.memory_space<semaphore_mem>>) src(%dma_wait3A_230 : memref<80x32xf32, #tpu.memory_space<vmem>>) dst(%dma_wait3A_236 : memref<10240x32xf32, #tpu.memory_space<vmem_shared>>)
    %dma_wait3A_237 = arith.constant 1 : i32
    %dma_wait3A_238 = arith.constant 121 : i32
    %dma_wait3A_239 = arith.constant 0 : i32
    %dma_wait3A_240 = arith.constant 0 : i32
    %dma_wait3A_241 = tpu.memref_slice %arg7[%dma_wait3A_237, %dma_wait3A_239, %dma_wait3A_240] : memref<20x80x32xf32, #tpu.memory_space<vmem>> -> memref<1x80x32xf32, #tpu.memory_space<vmem>>
    %dma_wait3A_242 = tpu.memref_squeeze %dma_wait3A_241 : memref<1x80x32xf32, #tpu.memory_space<vmem>> -> memref<80x32xf32, #tpu.memory_space<vmem>>
    %dma_wait3A_243 = arith.constant 0 : i32
    %dma_wait3A_244 = tpu.memref_slice %arg6[%dma_wait3A_238, %dma_wait3A_243] : memref<125x80xi32, #tpu.memory_space<vmem>> -> memref<1x80xi32, #tpu.memory_space<vmem>>
    %dma_wait3A_245 = tpu.memref_squeeze %dma_wait3A_244 : memref<1x80xi32, #tpu.memory_space<vmem>> -> memref<80xi32, #tpu.memory_space<vmem>>
    %dma_wait3A_246 = arith.constant 0 : i32
    %dma_wait3A_247 = arith.constant 0 : i32
    %dma_wait3A_248 = tpu.memref_slice %arg9[%dma_wait3A_246, %dma_wait3A_247] : memref<10240x32xf32, #tpu.memory_space<vmem_shared>> -> memref<10240x32xf32, #tpu.memory_space<vmem_shared>>
    tpu.wait_indirect_dma semaphore(%arg11 : memref<!tpu.dma_semaphore, #tpu.memory_space<semaphore_mem>>) src(%dma_wait3A_242 : memref<80x32xf32, #tpu.memory_space<vmem>>) dst(%dma_wait3A_248 : memref<10240x32xf32, #tpu.memory_space<vmem_shared>>)
    %dma_wait3A_249 = arith.constant 2 : i32
    %dma_wait3A_250 = arith.constant 122 : i32
    %dma_wait3A_251 = arith.constant 0 : i32
    %dma_wait3A_252 = arith.constant 0 : i32
    %dma_wait3A_253 = tpu.memref_slice %arg7[%dma_wait3A_249, %dma_wait3A_251, %dma_wait3A_252] : memref<20x80x32xf32, #tpu.memory_space<vmem>> -> memref<1x80x32xf32, #tpu.memory_space<vmem>>
    %dma_wait3A_254 = tpu.memref_squeeze %dma_wait3A_253 : memref<1x80x32xf32, #tpu.memory_space<vmem>> -> memref<80x32xf32, #tpu.memory_space<vmem>>
    %dma_wait3A_255 = arith.constant 0 : i32
    %dma_wait3A_256 = tpu.memref_slice %arg6[%dma_wait3A_250, %dma_wait3A_255] : memref<125x80xi32, #tpu.memory_space<vmem>> -> memref<1x80xi32, #tpu.memory_space<vmem>>
    %dma_wait3A_257 = tpu.memref_squeeze %dma_wait3A_256 : memref<1x80xi32, #tpu.memory_space<vmem>> -> memref<80xi32, #tpu.memory_space<vmem>>
    %dma_wait3A_258 = arith.constant 0 : i32
    %dma_wait3A_259 = arith.constant 0 : i32
    %dma_wait3A_260 = tpu.memref_slice %arg9[%dma_wait3A_258, %dma_wait3A_259] : memref<10240x32xf32, #tpu.memory_space<vmem_shared>> -> memref<10240x32xf32, #tpu.memory_space<vmem_shared>>
    tpu.wait_indirect_dma semaphore(%arg11 : memref<!tpu.dma_semaphore, #tpu.memory_space<semaphore_mem>>) src(%dma_wait3A_254 : memref<80x32xf32, #tpu.memory_space<vmem>>) dst(%dma_wait3A_260 : memref<10240x32xf32, #tpu.memory_space<vmem_shared>>)
    %dma_wait3A_261 = arith.constant 3 : i32
    %dma_wait3A_262 = arith.constant 123 : i32
    %dma_wait3A_263 = arith.constant 0 : i32
    %dma_wait3A_264 = arith.constant 0 : i32
    %dma_wait3A_265 = tpu.memref_slice %arg7[%dma_wait3A_261, %dma_wait3A_263, %dma_wait3A_264] : memref<20x80x32xf32, #tpu.memory_space<vmem>> -> memref<1x80x32xf32, #tpu.memory_space<vmem>>
    %dma_wait3A_266 = tpu.memref_squeeze %dma_wait3A_265 : memref<1x80x32xf32, #tpu.memory_space<vmem>> -> memref<80x32xf32, #tpu.memory_space<vmem>>
    %dma_wait3A_267 = arith.constant 0 : i32
    %dma_wait3A_268 = tpu.memref_slice %arg6[%dma_wait3A_262, %dma_wait3A_267] : memref<125x80xi32, #tpu.memory_space<vmem>> -> memref<1x80xi32, #tpu.memory_space<vmem>>
    %dma_wait3A_269 = tpu.memref_squeeze %dma_wait3A_268 : memref<1x80xi32, #tpu.memory_space<vmem>> -> memref<80xi32, #tpu.memory_space<vmem>>
    %dma_wait3A_270 = arith.constant 0 : i32
    %dma_wait3A_271 = arith.constant 0 : i32
    %dma_wait3A_272 = tpu.memref_slice %arg9[%dma_wait3A_270, %dma_wait3A_271] : memref<10240x32xf32, #tpu.memory_space<vmem_shared>> -> memref<10240x32xf32, #tpu.memory_space<vmem_shared>>
    tpu.wait_indirect_dma semaphore(%arg11 : memref<!tpu.dma_semaphore, #tpu.memory_space<semaphore_mem>>) src(%dma_wait3A_266 : memref<80x32xf32, #tpu.memory_space<vmem>>) dst(%dma_wait3A_272 : memref<10240x32xf32, #tpu.memory_space<vmem_shared>>)
    %dma_wait3A_273 = arith.constant 4 : i32
    %dma_wait3A_274 = arith.constant 124 : i32
    %dma_wait3A_275 = arith.constant 0 : i32
    %dma_wait3A_276 = arith.constant 0 : i32
    %dma_wait3A_277 = tpu.memref_slice %arg7[%dma_wait3A_273, %dma_wait3A_275, %dma_wait3A_276] : memref<20x80x32xf32, #tpu.memory_space<vmem>> -> memref<1x80x32xf32, #tpu.memory_space<vmem>>
    %dma_wait3A_278 = tpu.memref_squeeze %dma_wait3A_277 : memref<1x80x32xf32, #tpu.memory_space<vmem>> -> memref<80x32xf32, #tpu.memory_space<vmem>>
    %dma_wait3A_279 = arith.constant 0 : i32
    %dma_wait3A_280 = tpu.memref_slice %arg6[%dma_wait3A_274, %dma_wait3A_279] : memref<125x80xi32, #tpu.memory_space<vmem>> -> memref<1x80xi32, #tpu.memory_space<vmem>>
    %dma_wait3A_281 = tpu.memref_squeeze %dma_wait3A_280 : memref<1x80xi32, #tpu.memory_space<vmem>> -> memref<80xi32, #tpu.memory_space<vmem>>
    %dma_wait3A_282 = arith.constant 0 : i32
    %dma_wait3A_283 = arith.constant 0 : i32
    %dma_wait3A_284 = tpu.memref_slice %arg9[%dma_wait3A_282, %dma_wait3A_283] : memref<10240x32xf32, #tpu.memory_space<vmem_shared>> -> memref<10240x32xf32, #tpu.memory_space<vmem_shared>>
    tpu.wait_indirect_dma semaphore(%arg11 : memref<!tpu.dma_semaphore, #tpu.memory_space<semaphore_mem>>) src(%dma_wait3A_278 : memref<80x32xf32, #tpu.memory_space<vmem>>) dst(%dma_wait3A_284 : memref<10240x32xf32, #tpu.memory_space<vmem_shared>>)
    %barrier3A_285 = arith.constant 0 : index
    tpu.barrier barrier_id(%barrier3A_285)
    %mul3A_286 = arith.constant 640 : i32
    %mul3A_287 = arith.muli %arg1, %mul3A_286 : i32
    %mul3A_288 = arith.constant 32 : i32
    %mul3A_289 = arith.muli %arg0, %mul3A_288 : i32
    "tpu.region"() ({
      %run_scoped3A_290 = tpu.sem_alloc : memref<!tpu.dma_semaphore, #tpu.memory_space<semaphore_mem>>
      %dma_start3A_291 = tpu.memref_slice %arg4[%mul3A_287, %mul3A_289] : memref<10240x128xf32, #tpu.memory_space<hbm>> -> memref<640x32xf32, #tpu.memory_space<hbm>>
      %dma_start3A_292 = arith.constant 0 : i32
      %dma_start3A_293 = tpu.memref_slice %arg9[%mul3A_287, %dma_start3A_292] : memref<10240x32xf32, #tpu.memory_space<vmem_shared>> -> memref<640x32xf32, #tpu.memory_space<vmem_shared>>
      tpu.enqueue_dma source(%dma_start3A_293 : memref<640x32xf32, #tpu.memory_space<vmem_shared>>) target(%dma_start3A_291 : memref<640x32xf32, #tpu.memory_space<hbm>>) target_semaphore(%run_scoped3A_290 : memref<!tpu.dma_semaphore, #tpu.memory_space<semaphore_mem>>)
      %dma_wait3A_294 = tpu.memref_slice %arg4[%mul3A_287, %mul3A_289] : memref<10240x128xf32, #tpu.memory_space<hbm>> -> memref<640x32xf32, #tpu.memory_space<hbm>>
      %dma_wait3A_295 = arith.constant 0 : i32
      %dma_wait3A_296 = tpu.memref_slice %arg9[%mul3A_287, %dma_wait3A_295] : memref<10240x32xf32, #tpu.memory_space<vmem_shared>> -> memref<640x32xf32, #tpu.memory_space<vmem_shared>>
      tpu.wait_dma2 semaphore(%run_scoped3A_290 : memref<!tpu.dma_semaphore, #tpu.memory_space<semaphore_mem>>) src(%dma_wait3A_296 : memref<640x32xf32, #tpu.memory_space<vmem_shared>>) dst(%dma_wait3A_294 : memref<640x32xf32, #tpu.memory_space<hbm>>)
      tpu.yield
    }) : () -> ()
    return
  }
}

module attributes {stable_mosaic.version = 14 : i64} {
  func.func @_proj_body(%arg0: memref<10000x128xf32, #tpu.memory_space<vmem>>, %arg1: memref<128x64xf32, #tpu.memory_space<vmem>>, %arg2: memref<10000x64xf32, #tpu.memory_space<vmem>>) attributes {dimension_semantics = [], scalar_prefetch = 0 : i64, scratch_operands = 0 : i64, tpu.core_type = #tpu.core_type<tc>} {
    %get3A = arith.constant 0 : index
    %get3A_0 = arith.constant 0 : index
    %get3A_1 = vector.load %arg0[%get3A, %get3A_0] : memref<10000x128xf32, #tpu.memory_space<vmem>>, vector<10000x128xf32>
    %get3A_2 = arith.constant 0 : index
    %get3A_3 = arith.constant 0 : index
    %get3A_4 = vector.load %arg1[%get3A_2, %get3A_3] : memref<128x64xf32, #tpu.memory_space<vmem>>, vector<128x64xf32>
    %dot_general3A = arith.constant dense<0.000000e+00> : vector<10000x64xf32>
    %dot_general3A_5 = tpu.matmul %get3A_1, %get3A_4, %dot_general3A {dimension_numbers = #tpu.dot_dimension_numbers<[1], [0], [0], [1], [0, 0, 1, 1], [], []>, transpose_lhs_hint = false} : vector<10000x128xf32>, vector<128x64xf32>, vector<10000x64xf32> -> vector<10000x64xf32>
    %swap3A = arith.constant 0 : index
    %swap3A_6 = arith.constant 0 : index
    %swap3A_7 = vector.load %arg2[%swap3A, %swap3A_6] : memref<10000x64xf32, #tpu.memory_space<vmem>>, vector<10000x64xf32>
    tpu.vector_store %arg2[%swap3A, %swap3A_6], %dot_general3A_5 {strides = array<i32>} : memref<10000x64xf32, #tpu.memory_space<vmem>>, vector<10000x64xf32>,
    return
  }
}

module attributes {stable_mosaic.version = 14 : i64} {
  func.func @_layer0_body(%arg0: i32, %arg1: memref<2000x128xf32, #tpu.memory_space<vmem>>, %arg2: memref<2000x128xf32, #tpu.memory_space<vmem>>, %arg3: memref<2000x128xf32, #tpu.memory_space<vmem>>, %arg4: memref<128x64xf32, #tpu.memory_space<vmem>>, %arg5: memref<64x32xf32, #tpu.memory_space<vmem>>, %arg6: memref<1x64xf32, #tpu.memory_space<vmem>>, %arg7: memref<2000x128xf32, #tpu.memory_space<vmem>>, %arg8: memref<2000x32xf32, #tpu.memory_space<vmem>>) attributes {dimension_semantics = [#tpu.dimension_semantics<arbitrary>], iteration_bounds = array<i64: 5>, scalar_prefetch = 0 : i64, scratch_operands = 0 : i64, tpu.core_type = #tpu.core_type<tc>, window_params = [{transform_indices = @transform_0, window_bounds = array<i64: 2000, 128>}, {transform_indices = @transform_1, window_bounds = array<i64: 2000, 128>}, {transform_indices = @transform_2, window_bounds = array<i64: 2000, 128>}, {pipeline_mode = #tpu.pipeline_mode<synchronous>, transform_indices = @transform_3, window_bounds = array<i64: 128, 64>}, {pipeline_mode = #tpu.pipeline_mode<synchronous>, transform_indices = @transform_4, window_bounds = array<i64: 64, 32>}, {pipeline_mode = #tpu.pipeline_mode<synchronous>, transform_indices = @transform_5, window_bounds = array<i64: 1, 64>}, {transform_indices = @transform_6, window_bounds = array<i64: 2000, 128>}, {transform_indices = @transform_7, window_bounds = array<i64: 2000, 32>}]} {
    %get3A = arith.constant 0 : index
    %get3A_0 = arith.constant 0 : index
    %get3A_1 = vector.load %arg3[%get3A, %get3A_0] : memref<2000x128xf32, #tpu.memory_space<vmem>>, vector<2000x1xf32>
    %get3A_2 = arith.constant 0 : index
    %get3A_3 = arith.constant 64 : index
    %get3A_4 = vector.load %arg3[%get3A_2, %get3A_3] : memref<2000x128xf32, #tpu.memory_space<vmem>>, vector<2000x1xf32>
    %add3A = arith.addf %get3A_1, %get3A_4 : vector<2000x1xf32>
    %max3A = arith.constant 1.000000e+00 : f32
    %max3A_5 = vector.broadcast %max3A : f32 to vector<2000x1xf32>
    %max3A_6 = arith.maximumf %add3A, %max3A_5 : vector<2000x1xf32>
    %div3A = arith.constant 1.000000e+00 : f32
    %div3A_7 = vector.broadcast %div3A : f32 to vector<2000x1xf32>
    %div3A_8 = arith.divf %div3A_7, %max3A_6 : vector<2000x1xf32>
    %get3A_9 = arith.constant 0 : index
    %get3A_10 = arith.constant 0 : index
    %get3A_11 = vector.load %arg2[%get3A_9, %get3A_10] : memref<2000x128xf32, #tpu.memory_space<vmem>>, vector<2000x64xf32>
    %get3A_12 = arith.constant 0 : index
    %get3A_13 = arith.constant 64 : index
    %get3A_14 = vector.load %arg2[%get3A_12, %get3A_13] : memref<2000x128xf32, #tpu.memory_space<vmem>>, vector<2000x64xf32>
    %add3A_15 = arith.addf %get3A_11, %get3A_14 : vector<2000x64xf32>
    %mul3A = vector.broadcast %div3A_8 : vector<2000x1xf32> to vector<2000x64xf32>
    %mul3A_16 = arith.mulf %add3A_15, %mul3A : vector<2000x64xf32>
    %get3A_17 = arith.constant 0 : index
    %get3A_18 = arith.constant 0 : index
    %get3A_19 = vector.load %arg1[%get3A_17, %get3A_18] : memref<2000x128xf32, #tpu.memory_space<vmem>>, vector<2000x128xf32>
    %get3A_20 = arith.constant 0 : index
    %get3A_21 = arith.constant 0 : index
    %get3A_22 = vector.load %arg4[%get3A_20, %get3A_21] : memref<128x64xf32, #tpu.memory_space<vmem>>, vector<128x64xf32>
    %dot_general3A = arith.constant dense<0.000000e+00> : vector<2000x64xf32>
    %dot_general3A_23 = tpu.matmul %get3A_19, %get3A_22, %dot_general3A {dimension_numbers = #tpu.dot_dimension_numbers<[1], [0], [0], [1], [0, 0, 1, 1], [], []>, transpose_lhs_hint = false} : vector<2000x128xf32>, vector<128x64xf32>, vector<2000x64xf32> -> vector<2000x64xf32>
    %add3A_24 = arith.addf %dot_general3A_23, %mul3A_16 : vector<2000x64xf32>
    %get3A_25 = arith.constant 0 : index
    %get3A_26 = arith.constant 0 : index
    %get3A_27 = vector.load %arg6[%get3A_25, %get3A_26] : memref<1x64xf32, #tpu.memory_space<vmem>>, vector<1x64xf32>
    %add3A_28 = vector.broadcast %get3A_27 : vector<1x64xf32> to vector<2000x64xf32>
    %add3A_29 = arith.addf %add3A_24, %add3A_28 : vector<2000x64xf32>
    %max3A_30 = arith.constant 0.000000e+00 : f32
    %max3A_31 = vector.broadcast %max3A_30 : f32 to vector<2000x64xf32>
    %max3A_32 = arith.maximumf %add3A_29, %max3A_31 : vector<2000x64xf32>
    %broadcast_in_dim3A = arith.constant 0.000000e+00 : f32
    %broadcast_in_dim3A_33 = vector.broadcast %broadcast_in_dim3A : f32 to vector<2000x63xf32>
    %concatenate3A = tpu.concatenate %max3A_32, %div3A_8, %broadcast_in_dim3A_33 in 1 : vector<2000x64xf32>, vector<2000x1xf32>, vector<2000x63xf32> -> vector<2000x128xf32>
    %swap3A = arith.constant 0 : index
    %swap3A_34 = arith.constant 0 : index
    %swap3A_35 = vector.load %arg7[%swap3A, %swap3A_34] : memref<2000x128xf32, #tpu.memory_space<vmem>>, vector<2000x128xf32>
    tpu.vector_store %arg7[%swap3A, %swap3A_34], %concatenate3A {strides = array<i32>} : memref<2000x128xf32, #tpu.memory_space<vmem>>, vector<2000x128xf32>,
    %get3A_36 = arith.constant 0 : index
    %get3A_37 = arith.constant 0 : index
    %get3A_38 = vector.load %arg5[%get3A_36, %get3A_37] : memref<64x32xf32, #tpu.memory_space<vmem>>, vector<64x32xf32>
    %dot_general3A_39 = arith.constant dense<0.000000e+00> : vector<2000x32xf32>
    %dot_general3A_40 = tpu.matmul %max3A_32, %get3A_38, %dot_general3A_39 {dimension_numbers = #tpu.dot_dimension_numbers<[1], [0], [0], [1], [0, 0, 1, 1], [], []>, transpose_lhs_hint = false} : vector<2000x64xf32>, vector<64x32xf32>, vector<2000x32xf32> -> vector<2000x32xf32>
    %swap3A_41 = arith.constant 0 : index
    %swap3A_42 = arith.constant 0 : index
    %swap3A_43 = vector.load %arg8[%swap3A_41, %swap3A_42] : memref<2000x32xf32, #tpu.memory_space<vmem>>, vector<2000x32xf32>
    tpu.vector_store %arg8[%swap3A_41, %swap3A_42], %dot_general3A_40 {strides = array<i32>} : memref<2000x32xf32, #tpu.memory_space<vmem>>, vector<2000x32xf32>,
    return
  }
  func.func @transform_0(%arg0: i32) -> (i32, i32) {
    %c0_i32 = arith.constant 0 : i32
    %c0_i32_0 = arith.constant 0 : i32
    return %arg0, %c0_i32 : i32, i32
  }
  func.func @transform_1(%arg0: i32) -> (i32, i32) {
    %c0_i32 = arith.constant 0 : i32
    %c0_i32_0 = arith.constant 0 : i32
    return %arg0, %c0_i32 : i32, i32
  }
  func.func @transform_2(%arg0: i32) -> (i32, i32) {
    %c0_i32 = arith.constant 0 : i32
    %c0_i32_0 = arith.constant 0 : i32
    return %arg0, %c0_i32 : i32, i32
  }
  func.func @transform_3(%arg0: i32) -> (i32, i32) {
    %c0_i32 = arith.constant 0 : i32
    %c0_i32_0 = arith.constant 0 : i32
    %c0_i32_1 = arith.constant 0 : i32
    return %c0_i32, %c0_i32_0 : i32, i32
  }
  func.func @transform_4(%arg0: i32) -> (i32, i32) {
    %c0_i32 = arith.constant 0 : i32
    %c0_i32_0 = arith.constant 0 : i32
    %c0_i32_1 = arith.constant 0 : i32
    return %c0_i32, %c0_i32_0 : i32, i32
  }
  func.func @transform_5(%arg0: i32) -> (i32, i32) {
    %c0_i32 = arith.constant 0 : i32
    %c0_i32_0 = arith.constant 0 : i32
    %c0_i32_1 = arith.constant 0 : i32
    return %c0_i32, %c0_i32_0 : i32, i32
  }
  func.func @transform_6(%arg0: i32) -> (i32, i32) {
    %c0_i32 = arith.constant 0 : i32
    %c0_i32_0 = arith.constant 0 : i32
    return %arg0, %c0_i32 : i32, i32
  }
  func.func @transform_7(%arg0: i32) -> (i32, i32) {
    %c0_i32 = arith.constant 0 : i32
    %c0_i32_0 = arith.constant 0 : i32
    return %arg0, %c0_i32 : i32, i32
  }
}

module attributes {stable_mosaic.version = 14 : i64} {
  func.func @_layer1_body(%arg0: i32, %arg1: memref<2000x128xf32, #tpu.memory_space<vmem>>, %arg2: memref<2000x128xf32, #tpu.memory_space<vmem>>, %arg3: memref<64x32xf32, #tpu.memory_space<vmem>>, %arg4: memref<32x47xf32, #tpu.memory_space<vmem>>, %arg5: memref<1x32xf32, #tpu.memory_space<vmem>>, %arg6: memref<1x47xf32, #tpu.memory_space<vmem>>, %arg7: memref<2000x47xf32, #tpu.memory_space<vmem>>, %arg8: memref<2000x32xf32, #tpu.memory_space<vmem>>) attributes {dimension_semantics = [#tpu.dimension_semantics<arbitrary>], iteration_bounds = array<i64: 5>, scalar_prefetch = 0 : i64, scratch_operands = 0 : i64, tpu.core_type = #tpu.core_type<tc>, window_params = [{transform_indices = @transform_0, window_bounds = array<i64: 2000, 128>}, {transform_indices = @transform_1, window_bounds = array<i64: 2000, 128>}, {pipeline_mode = #tpu.pipeline_mode<synchronous>, transform_indices = @transform_2, window_bounds = array<i64: 64, 32>}, {pipeline_mode = #tpu.pipeline_mode<synchronous>, transform_indices = @transform_3, window_bounds = array<i64: 32, 47>}, {pipeline_mode = #tpu.pipeline_mode<synchronous>, transform_indices = @transform_4, window_bounds = array<i64: 1, 32>}, {pipeline_mode = #tpu.pipeline_mode<synchronous>, transform_indices = @transform_5, window_bounds = array<i64: 1, 47>}, {transform_indices = @transform_6, window_bounds = array<i64: 2000, 47>}, {transform_indices = @transform_7, window_bounds = array<i64: 2000, 32>}]} {
    %get3A = arith.constant 0 : index
    %get3A_0 = arith.constant 64 : index
    %get3A_1 = vector.load %arg1[%get3A, %get3A_0] : memref<2000x128xf32, #tpu.memory_space<vmem>>, vector<2000x1xf32>
    %get3A_2 = arith.constant 0 : index
    %get3A_3 = arith.constant 0 : index
    %get3A_4 = vector.load %arg2[%get3A_2, %get3A_3] : memref<2000x128xf32, #tpu.memory_space<vmem>>, vector<2000x32xf32>
    %get3A_5 = arith.constant 0 : index
    %get3A_6 = arith.constant 32 : index
    %get3A_7 = vector.load %arg2[%get3A_5, %get3A_6] : memref<2000x128xf32, #tpu.memory_space<vmem>>, vector<2000x32xf32>
    %add3A = arith.addf %get3A_4, %get3A_7 : vector<2000x32xf32>
    %mul3A = vector.broadcast %get3A_1 : vector<2000x1xf32> to vector<2000x32xf32>
    %mul3A_8 = arith.mulf %add3A, %mul3A : vector<2000x32xf32>
    %get3A_9 = arith.constant 0 : index
    %get3A_10 = arith.constant 0 : index
    %get3A_11 = vector.load %arg1[%get3A_9, %get3A_10] : memref<2000x128xf32, #tpu.memory_space<vmem>>, vector<2000x64xf32>
    %get3A_12 = arith.constant 0 : index
    %get3A_13 = arith.constant 0 : index
    %get3A_14 = vector.load %arg3[%get3A_12, %get3A_13] : memref<64x32xf32, #tpu.memory_space<vmem>>, vector<64x32xf32>
    %dot_general3A = arith.constant dense<0.000000e+00> : vector<2000x32xf32>
    %dot_general3A_15 = tpu.matmul %get3A_11, %get3A_14, %dot_general3A {dimension_numbers = #tpu.dot_dimension_numbers<[1], [0], [0], [1], [0, 0, 1, 1], [], []>, transpose_lhs_hint = false} : vector<2000x64xf32>, vector<64x32xf32>, vector<2000x32xf32> -> vector<2000x32xf32>
    %add3A_16 = arith.addf %dot_general3A_15, %mul3A_8 : vector<2000x32xf32>
    %get3A_17 = arith.constant 0 : index
    %get3A_18 = arith.constant 0 : index
    %get3A_19 = vector.load %arg5[%get3A_17, %get3A_18] : memref<1x32xf32, #tpu.memory_space<vmem>>, vector<1x32xf32>
    %add3A_20 = vector.broadcast %get3A_19 : vector<1x32xf32> to vector<2000x32xf32>
    %add3A_21 = arith.addf %add3A_16, %add3A_20 : vector<2000x32xf32>
    %swap3A = arith.constant 0 : index
    %swap3A_22 = arith.constant 0 : index
    %swap3A_23 = vector.load %arg8[%swap3A, %swap3A_22] : memref<2000x32xf32, #tpu.memory_space<vmem>>, vector<2000x32xf32>
    tpu.vector_store %arg8[%swap3A, %swap3A_22], %add3A_21 {strides = array<i32>} : memref<2000x32xf32, #tpu.memory_space<vmem>>, vector<2000x32xf32>,
    %get3A_24 = arith.constant 0 : index
    %get3A_25 = arith.constant 0 : index
    %get3A_26 = vector.load %arg4[%get3A_24, %get3A_25] : memref<32x47xf32, #tpu.memory_space<vmem>>, vector<32x47xf32>
    %dot_general3A_27 = arith.constant dense<0.000000e+00> : vector<2000x47xf32>
    %dot_general3A_28 = tpu.matmul %add3A_21, %get3A_26, %dot_general3A_27 {dimension_numbers = #tpu.dot_dimension_numbers<[1], [0], [0], [1], [0, 0, 1, 1], [], []>, transpose_lhs_hint = false} : vector<2000x32xf32>, vector<32x47xf32>, vector<2000x47xf32> -> vector<2000x47xf32>
    %get3A_29 = arith.constant 0 : index
    %get3A_30 = arith.constant 0 : index
    %get3A_31 = vector.load %arg6[%get3A_29, %get3A_30] : memref<1x47xf32, #tpu.memory_space<vmem>>, vector<1x47xf32>
    %add3A_32 = vector.broadcast %get3A_31 : vector<1x47xf32> to vector<2000x47xf32>
    %add3A_33 = arith.addf %dot_general3A_28, %add3A_32 : vector<2000x47xf32>
    %swap3A_34 = arith.constant 0 : index
    %swap3A_35 = arith.constant 0 : index
    %swap3A_36 = vector.load %arg7[%swap3A_34, %swap3A_35] : memref<2000x47xf32, #tpu.memory_space<vmem>>, vector<2000x47xf32>
    tpu.vector_store %arg7[%swap3A_34, %swap3A_35], %add3A_33 {strides = array<i32>} : memref<2000x47xf32, #tpu.memory_space<vmem>>, vector<2000x47xf32>,
    return
  }
  func.func @transform_0(%arg0: i32) -> (i32, i32) {
    %c0_i32 = arith.constant 0 : i32
    %c0_i32_0 = arith.constant 0 : i32
    return %arg0, %c0_i32 : i32, i32
  }
  func.func @transform_1(%arg0: i32) -> (i32, i32) {
    %c0_i32 = arith.constant 0 : i32
    %c0_i32_0 = arith.constant 0 : i32
    return %arg0, %c0_i32 : i32, i32
  }
  func.func @transform_2(%arg0: i32) -> (i32, i32) {
    %c0_i32 = arith.constant 0 : i32
    %c0_i32_0 = arith.constant 0 : i32
    %c0_i32_1 = arith.constant 0 : i32
    return %c0_i32, %c0_i32_0 : i32, i32
  }
  func.func @transform_3(%arg0: i32) -> (i32, i32) {
    %c0_i32 = arith.constant 0 : i32
    %c0_i32_0 = arith.constant 0 : i32
    %c0_i32_1 = arith.constant 0 : i32
    return %c0_i32, %c0_i32_0 : i32, i32
  }
  func.func @transform_4(%arg0: i32) -> (i32, i32) {
    %c0_i32 = arith.constant 0 : i32
    %c0_i32_0 = arith.constant 0 : i32
    %c0_i32_1 = arith.constant 0 : i32
    return %c0_i32, %c0_i32_0 : i32, i32
  }
  func.func @transform_5(%arg0: i32) -> (i32, i32) {
    %c0_i32 = arith.constant 0 : i32
    %c0_i32_0 = arith.constant 0 : i32
    %c0_i32_1 = arith.constant 0 : i32
    return %c0_i32, %c0_i32_0 : i32, i32
  }
  func.func @transform_6(%arg0: i32) -> (i32, i32) {
    %c0_i32 = arith.constant 0 : i32
    %c0_i32_0 = arith.constant 0 : i32
    return %arg0, %c0_i32 : i32, i32
  }
  func.func @transform_7(%arg0: i32) -> (i32, i32) {
    %c0_i32 = arith.constant 0 : i32
    %c0_i32_0 = arith.constant 0 : i32
    return %arg0, %c0_i32 : i32, i32
  }
}

</mosaic_0001>

<sc_bundles>
// kernel: kernel.10.cloned.1.call-start
scs
__scs_entry_jumppad:
0x0: {  	(pc) =	sbr.rel $0x88, $3  }
0x1: {  	(tag) =	ssettag $0x0;
	lr =	simm.s32 $0x1  }
0x2: {  	[smem:$0x3F97] =	sst lr;
	_ =	strace $0xD0000000  }
0x3: {  	_ = 	snop  }
0x4: {  	_ = 	snop  }
0x5: {  	_ = 	snop  }
0x6: {  	_ = 	snop  }
0x7: {  	_ = 	snop  }
__scs_overlays_trampoline_lowered:
0x8: {  	[smem:$0x3FA6] =	sst s0  }
0x9: {  	[smem:$0x3FA7] =	sst s1  }
0xa: {  	[smem:$0x3FA8] =	sst s2  }
0xb: {  	[smem:$0x3FA9] =	sst s3  }
0xc: {  	[smem:$0x3FAA] =	sst s4  }
0xd: {  	[smem:$0x3FAB] =	sst s5  }
0xe: {  	[smem:$0x3FAC] =	sst s6  }
0xf: {  	[smem:$0x3FAD] =	sst s7  }
0x10: {  	[smem:$0x3FAE] =	sst s8  }
0x11: {  	[smem:$0x3FAF] =	sst s9;
	s0 =	simm.s32 @!p0 $0x0  }
0x12: {  	s1 =	sld [smem:$0x3F95];
	s0 =	simm.s32 @p0 $0x1  }
0x13: {  	[smem:$0x3FB0] =	sst s0;
	s0 =	simm.s32 @!p1 $0x0  }
0x14: {  	s2 =	sld [smem:$0x3F94];
	s0 =	simm.s32 @p1 $0x1  }
0x15: {  	[smem:$0x3FB1] =	sst s0;
	s0 =	simm.s32 @!p2 $0x0  }
0x16: {  	s3 =	sld [smem:$0x3FDB];
	s0 =	simm.s32 @p2 $0x1  }
0x17: {  	s4 =	simm.s32 $0x1BF5;
	[smem:$0x3FB3] =	sst s0  }
0x18: {  	s0 =	sld [smem:$0x3F96];
	_ =	swait.ge [sflag:s4], $0x0  }
0x19: {  	s7 =	sld [smem:$0x3F97]  }
0x1a: {  	s8 =	sadd.s32 $0xFFFFE003, lr  }
0x1b: {  	s9 =	sadd.s32 $0xFFFFFEF7, lr;
	s5 =	simm.s32 $0xFFFFFFFF;
	p2 =	slt.u32 s8, $0xFFFFF086  }
0x1c: {  	p1 =	slt.u32 s9, $0xF7A;
	s5 =	simm.s32 @!p2 $0x0  }
0x1d: {  	s5 =	simm.s32 @p1 $0x1;
	p0 =	seq.s32 s7, s2  }
0x1e: {  	s7 =	smul.u32 @!p0 $0xF7A, s2;
	p2 =	seq.s32 @!p0 s5, $0x0  }
0x1f: {  	s9 =	smul.u32 $0xF7A, s1;
	s8 =	simm.s32 @!p0 $0x1BF5;
	p2 =	por !p2, p0  }
0x20: {  	[sflag:s8] =	ssyncset.s32 @!p0 $0xFFFFF086;
	s6 =	sadd.s32 @!p0 s3, s7;
	s7 =	simm.s32 @!p0 $0x108  }
0x21: {  	s3 =	sadd.s32 s3, s9;
	s6 =	sadd.s32 @!p0 $0x88, s6;
	s7 =	simm.s32 @p2 $0x1082  }
0x22: {  	[simem:s7], [sflag:s8] =	dma.local @!p0 [hbm:s6], $0xF7A  }
0x23: {  	s9 =	sor.u32 $0xD0000000, s2;
	s6 =	simm.s32 $0x108;
	_ =	swait.ge @!p0 [sflag:s8], $0x0  }
0x24: {  	s3 =	sadd.s32 $0x88, s3;
	s6 =	simm.s32 @!p1 $0x1082;
	[sflag:s4] =	ssyncset.s32 $0xFFFFF086  }
0x25: {  	[simem:s6], [sflag:s4] =	dma.local [hbm:s3], $0xF7A  }
0x26: {  	[smem:$0x3F97] =	sst s1;
	(tag) =	ssettag s2;
	_ =	strace s9  }
0x27: {  	s1 =	sld [smem:$0x3FA7]  }
0x28: {  	s2 =	sld [smem:$0x3FA8]  }
0x29: {  	s4 =	sld [smem:$0x3FAA]  }
0x2a: {  	p0 =	seq.s32 s5, $0x0;
	s5 =	sld [smem:$0x3FAB]  }
0x2b: {  	s6 =	sld [smem:$0x3FAC]  }
0x2c: {  	s7 =	sld [smem:$0x3FAD]  }
0x2d: {  	s3 =	simm.s32 $0x108;
	s8 =	sld [smem:$0x3FAE]  }
0x2e: {  	s3 =	simm.s32 @!p0 $0x1082;
	s9 =	sld [smem:$0x3FAF]  }
0x2f: {  	lr =	sadd.s32 s0, s3;
	s0 =	sld [smem:$0x3FA6]  }
0x30: {  	s3 =	sld [smem:$0x3FA9]  }
0x31: {  	[smem:$0x3FB2] =	sst s10  }
0x32: {  	s10 =	sld [smem:$0x3FB0];
	_ =	sdelay $0x3  }
0x33: {  	p0 =	seq.s32 s10, $0x1;
	s10 =	sld [smem:$0x3FB2];
	_ =	sdelay $0x3  }
0x34: {  	[smem:$0x3FB2] =	sst s10  }
0x35: {  	s10 =	sld [smem:$0x3FB1];
	_ =	sdelay $0x3  }
0x36: {  	p1 =	seq.s32 s10, $0x1;
	s10 =	sld [smem:$0x3FB2];
	_ =	sdelay $0x3  }
0x37: {  	[smem:$0x3FB2] =	sst s10  }
0x38: {  	s10 =	sld [smem:$0x3FB3]  }
0x39: {  	_ = 	snop;
	(pc) =	sbr.ind lr, $3  }
0x3a: {  	_ = 	snop  }
0x3b: {  	_ = 	snop  }
0x3c: {  	p2 =	seq.s32 s10, $0x1;
	s10 =	sld [smem:$0x3FB2]  }
0x3d: {  	_ =	shalt  }
0x3e: {  	_ =	shalt  }
0x3f: {  	_ =	shalt  }
0x40: {  	_ =	shalt  }
0x41: {  	_ =	shalt  }
0x42: {  	_ =	shalt  }
0x43: {  	_ =	shalt  }
0x44: {  	_ =	shalt  }
0x45: {  	_ =	shalt  }
0x46: {  	_ =	shalt  }
0x47: {  	_ =	shalt  }
0x48: {  	_ =	shalt  }
0x49: {  	_ =	shalt  }
0x4a: {  	_ =	shalt  }
0x4b: {  	_ =	shalt  }
0x4c: {  	_ =	shalt  }
0x4d: {  	_ =	shalt  }
0x4e: {  	_ =	shalt  }
0x4f: {  	_ =	shalt  }
0x50: {  	_ =	shalt  }
0x51: {  	_ =	shalt  }
0x52: {  	_ =	shalt  }
0x53: {  	_ =	shalt  }
0x54: {  	_ =	shalt  }
0x55: {  	_ =	shalt  }
0x56: {  	_ =	shalt  }
0x57: {  	_ =	shalt  }
0x58: {  	_ =	shalt  }
0x59: {  	_ =	shalt  }
0x5a: {  	_ =	shalt  }
0x5b: {  	_ =	shalt  }
0x5c: {  	_ =	shalt  }
0x5d: {  	_ =	shalt  }
0x5e: {  	_ =	shalt  }
0x5f: {  	_ =	shalt  }
0x60: {  	_ =	shalt  }
0x61: {  	_ =	shalt  }
0x62: {  	_ =	shalt  }
0x63: {  	_ =	shalt  }
0x64: {  	_ =	shalt  }
0x65: {  	_ =	shalt  }
0x66: {  	_ =	shalt  }
0x67: {  	_ =	shalt  }
0x68: {  	_ =	shalt  }
0x69: {  	_ =	shalt  }
0x6a: {  	_ =	shalt  }
0x6b: {  	_ =	shalt  }
0x6c: {  	_ =	shalt  }
0x6d: {  	_ =	shalt  }
0x6e: {  	_ =	shalt  }
0x6f: {  	_ =	shalt  }
0x70: {  	_ =	shalt  }
0x71: {  	_ =	shalt  }
0x72: {  	_ =	shalt  }
0x73: {  	_ =	shalt  }
0x74: {  	_ =	shalt  }
0x75: {  	_ =	shalt  }
0x76: {  	_ =	shalt  }
0x77: {  	_ =	shalt  }
0x78: {  	_ =	shalt  }
0x79: {  	_ =	shalt  }
0x7a: {  	_ =	shalt  }
0x7b: {  	_ =	shalt  }
0x7c: {  	_ =	shalt  }
0x7d: {  	_ =	shalt  }
0x7e: {  	_ =	shalt  }
0x7f: {  	_ =	shalt  }
0x80: {  	_ =	shalt  }
0x81: {  	_ =	shalt  }
0x82: {  	_ =	shalt  }
0x83: {  	_ =	shalt  }
0x84: {  	_ =	shalt  }
0x85: {  	_ =	shalt  }
0x86: {  	_ =	shalt  }
0x87: {  	_ =	shalt  }
.Lfunc_end0:
.L_simem_size_0:
called_computation.1_lowered:
.L_overlay_start_0:
0x88: {  	s2 =	sld [smem:$0x3FD9]  }
0x89: {  	s3 =	sld [smem:$0x3FFE];
	_ =	sdelay $0x1  }
0x8a: {  	s1 =	srdreg.scid  }
0x8b: {  	s0 =	sand.u32 $0x1, s1  }
0x8c: {  	s14 =	sshll.u32 s0, $0xA;
	s2 =	sadd.s32 s3, s2  }
0x8d: {  	s2 =	sadd.s32 s2, s14  }
0x8e: {  	[smem:$0x3FBE] =	sst s2  }
0x8f: {  	_ = 	snop  }
0x90: {  	s2 =	sld [smem:$0x3FD0];
	_ =	sdelay $0x2  }
0x91: {  	s15 =	simm.s32 $0xA;
	s4 =	simm.s32 $0x10  }
0x92: {  	[smem:s4], [sflag:s15] =	dma.local [hbm:s2], $0x1  }
0x93: {  	_ =	swait.eq [sflag:s15], $0x1  }
0x94: {  	[sflag:s15] =	ssyncset.done $0x0  }
0x95: {  	[sflag:s15] =	ssyncadd.s32 $0xFFFFFFFF  }
0x96: {  	s16 =	sld [smem:$0x11];
	(tm) =	ssettm $0x1  }
0x97: {  	s17 =	sld [smem:$0x3FFB];
	_ =	sdelay $0x3  }
0x98: {  	_ =	strace s17  }
0x99: {  	s3 =	sld [smem:$0x3FFC];
	_ =	sdelay $0x3  }
0x9a: {  	_ =	strace s3  }
0x9b: {  	s3 =	sld [smem:$0x3FFD];
	_ =	sdelay $0x3  }
0x9c: {  	_ =	strace s3  }
0x9d: {  	_ =	strace $0x8FFFFFFF  }
0x9e: {  	s18 =	sld [smem:$0x3FDB];
	_ =	sdelay $0x1  }
0x9f: {  	s19 =	simm.s32 $_scs_section_size  }
0xa0: {  	s5 =	simm.s32 $_size__tile_overlayer_lowered;
	s6 =	simm.s32 $_tile_overlayer_lowered  }
0xa1: {  	s22 =	simm.s32 $0x1BFF;
	s21 =	sshll.u32 s6, $0x1;
	s3 =	sadd.s32 s19, s18  }
0xa2: {  	s7 =	simm.s32 $0x0;
	s20 =	sshll.u32 s5, $0x1;
	s5 =	sadd.s32 s21, s3  }
0xa3: {  	[timem:s7], [sflag:s22] =	dma.local [hbm:s5], s20  }
0xa4: {  	_ =	swait.ge [sflag:s22], s20  }
0xa5: {  	s4 =	ssub.s32 $0x0, s20;
	[sflag:s22] =	ssyncset.done $0x0  }
0xa6: {  	[sflag:s22] =	ssyncadd.s32 s4;
	_ =	sdelay $0x1  }
0xa7: {  	s23 =	simm.s32 $0x1B8B  }
0xa8: {  	_ =	swait.ge [sflag:s23], $0x1  }
0xa9: {  	[sflag:s23] =	ssyncset.done $0x0  }
0xaa: {  	s25 =	simm.s32 $0x1B8E;
	s24 =	sld [smem:$0x3FFE];
	[sflag:s23] =	ssyncadd.s32 $0xFFFFFFFF  }
0xab: {  	s26 =	simm.s32 $execute0_lowered;
	[smem:$0x3FD2] =	sst s25  }
0xac: {  	s5 =	sshll.u32 s26, $0x1;
	_ =	strace $0x80000049;
	[dreg:$0x1] =	wrdreg $0xFFFFFFFF  }
0xad: {  	s28 =	simm.s32 $_size_execute0_lowered;
	s3 =	sadd.s32 s3, s5;
	[dreg:$0x0] =	wrdreg $0x0  }
0xae: {  	s5 =	sshll.u32 s28, $0x1;
	[dreg:$0x2] =	wrdreg s3  }
0xaf: {  	[dreg:$0x3] =	wrdreg s5  }
0xb0: {  	[dreg:$0x4] =	wrdreg $0xC0  }
0xb1: {  	_ =	task [dreg:s7], $0x5FFFF  }
0xb2: {  	[dreg:$0x1] =	wrdreg $0xFFFFFFFF  }
0xb3: {  	[dreg:$0x0] =	wrdreg $0x60  }
0xb4: {  	[dreg:$0x2] =	wrdreg s16  }
0xb5: {  	[dreg:$0x3] =	wrdreg s24  }
0xb6: {  	[dreg:$0x4] =	wrdreg $0x120200  }
0xb7: {  	[dreg:$0x5] =	wrdreg $0x9  }
0xb8: {  	_ =	task.clear_ibuf [dreg:s7], $0x6FFFF;
	_ =	strace $0x90000049  }
0xb9: {  	s29 =	simm.s32 $0x9;
	_ =	strace $0x8000004B  }
0xba: {  	_ =	swait.ge [sflag:s29], $0x1  }
0xbb: {  	[sflag:s29] =	ssyncadd.s32 $0xFFFFFFFF  }
0xbc: {  	_ =	strace $0x9000004B  }
0xbd: {  	_ =	sfence  }
0xbe: {  	s30 =	sld [smem:$0x0];
	_ =	sdelay $0x2  }
0xbf: {  	s31 =	sshll.u32 s1, $0xD;
	s1 =	sshrl.u32 s1, $0x2  }
0xc0: {  	s3 =	sand.u32 $0x4000, s31;
	s1 =	sadd.s32 s1, s30  }
0xc1: {  	s0 =	sor.u32 s3, s0;
	s1 =	sshll.u32 s1, $0x11  }
0xc2: {  	s0 =	sor.u32 s1, s0  }
0xc3: {  	s0 =	sadd.s32 $0x8F2B, s0  }
0xc4: {  	[sflag:s0] =	ssyncadd.remote.s32 $0x1  }
0xc5: {  	_ =	sfence.sel $0xFFFF  }
0xc6: {  	[dreg:$0x0] =	wrdreg $0xFFFFFFFF;
	(pc) =	sbr.abs _section_cstart, $3  }
0xc7: {  	[dreg:$0x1] =	wrdreg $0xFFFFFFFF  }
0xc8: {  	_ =	task.clear_ibuf [dreg:s7], $0x2FFFF;
	_ =	strace $0x9FFFFFFF  }
0xc9: {  	(tm) =	ssettm $0x7FFFFFFF  }
tec
execute0_lowered:
.L_overlay_start_1:
0x0: {  	(tag) =	ssettag $0x1  }
0x1: {  	s1 =	rddreg [dreg:$0x0]  }
0x2: {  	s0 =	srdreg.scid;
	s6 =	rddreg [dreg:$0x1]  }
0x3: {  	s5 =	stileid.u32;
	s3 =	rddreg [dreg:$0x2]  }
0x4: {  	s4 =	simm.s32 $0x0;
	s17 =	simm.s32 $0x11620;
	s18 =	simm.s32 $0x3  }
0x5: {  	s19 =	simm.s32 $0x2710;
	s20 =	simm.s32 $0x50;
	s21 =	simm.s32 $0x4E20  }
0x6: {  	s0 =	sand.u32 $0x1, s0;
	s2 =	sshll.u32 s5, $0x1;
	s5 =	smul.u32 $0x14000, s5  }
0x7: {  	s29 =	simm.s32 $0x7620;
	s28 =	simm.s32 $0x1;
	s7 =	sshll.u32 s0, $0x5  }
0x8: {  	[smem:$0x7FF] =	sst s4;
	s7 =	sor.u32 s7, s5;
	s5 =	sshrl.u32 s5, $0x2  }
0x9: {  	s2 =	sor.u32 s0, s2;
	_ =	strace $0x8000004A;
	s5 =	sadd.s32 s5, s3  }
0xa: {  	s0 =	ssub.s32 $0x2, s0;
	s2 =	smul.u32 $0x2710, s2;
	s22 =	sadd.s32 $0xA00, s5  }
0xb: {  	s8 =	sshrl.u32 s0, $0x1;
	s23 =	sadd.s32 $0x1400, s5;
	[dreg:$0x4] =	wrdreg s22  }
0xc: {  	s7 =	sshrl.u32 s7, $0x3;
	s24 =	sadd.s32 $0x1E00, s5;
	[dreg:$0x5] =	wrdreg s23  }
0xd: {  	s0 =	ssub.s32 s0, s8;
	s25 =	sadd.s32 $0x2800, s5;
	[dreg:$0x6] =	wrdreg s24  }
0xe: {  	s2 =	sshrl.u32 s2, $0x3;
	s26 =	sadd.s32 $0x3200, s5;
	[dreg:$0x7] =	wrdreg s25  }
0xf: {  	s15 =	sadd.s32 s7, s6;
	s30 =	sadd.s32 $0x3C00, s5;
	[dreg:$0x8] =	wrdreg s26  }
0x10: {  	s31 =	sadd.s32 $0x4600, s5;
	s16 =	smax.u32 s0, $0x1;
	[dreg:$0x9] =	wrdreg s30  }
0x11: {  	s2 =	sadd.s32 s2, s6;
	[dreg:$0xa] =	wrdreg s31;
	s15 =	sadd.s32 $0x16000, s15  }
0x12: {  	s22 =	simm.s32 $0x5820;
	s24 =	simm.s32 $0x6220;
	s26 =	simm.s32 $0x6C20  }
0x13: {  	v0 =	vimm.f32 $0.0e+00;
	s13 =	sadd.s32 $0x2600, s2;
	s14 =	sadd.s32 $0xC240, s2;
	s2 =	simm.s32 $0x2  }
.LBB2_1:
0x14: {  	s25 =	simm.s32 $0x80;
	s30 =	simm.s32 $0x0  }
.LBB2_2:
0x15: {  	p0 =	sne.s32 s25, $0x2780;
	[tilespmem:s30+$0x11620] =	vst v0;
	s0 =	smov.u32 s25;
	s25 =	sadd.s32 $0x80, s25  }
.Ltmp0:
0x16: {  	[tilespmem:s30+$0x11630] =	vst v0;
	(pc) =	sbr.rel @p0 .LBB2_2-.Ltmp0, $2  }
0x17: {  	_ =	sdelay $0x2  }
0x18: {  	s30 =	sshra.s32 s0, $0x2  }
0x19: {  	[tilespmem:s30+$0x11620] =	vst v0  }
0x1a: {  	[tilespmem:s30+$0x11630] =	vst v0  }
0x1b: {  	[spmem:s5] =	stream.linear.scatter [tilespmem:s17], [sflag:$0x3], $0xA00, $0x38;
	[tilespmem:$0x17020] =	vst v63  }
0x1c: {  	_ =	swait.ge [sflag:s18], $0xA00  }
0x1d: {  	[sflag:s18] =	ssyncset.done $0x0  }
0x1e: {  	s0 =	rddreg [dreg:$0x4];
	[sflag:s18] =	ssyncadd.s32 $0xFFFFF600  }
0x1f: {  	[spmem:s0] =	stream.linear.scatter [tilespmem:s17], [sflag:$0x3], $0xA00, $0x38;
	[tilespmem:$0x17020] =	vst v63  }
0x20: {  	_ =	swait.ge [sflag:s18], $0xA00  }
0x21: {  	[sflag:s18] =	ssyncset.done $0x0  }
0x22: {  	s9 =	rddreg [dreg:$0x5];
	[sflag:s18] =	ssyncadd.s32 $0xFFFFF600  }
0x23: {  	[spmem:s9] =	stream.linear.scatter [tilespmem:s17], [sflag:$0x3], $0xA00, $0x38;
	[tilespmem:$0x17020] =	vst v63  }
0x24: {  	_ =	swait.ge [sflag:s18], $0xA00  }
0x25: {  	[sflag:s18] =	ssyncset.done $0x0  }
0x26: {  	s10 =	rddreg [dreg:$0x6];
	[sflag:s18] =	ssyncadd.s32 $0xFFFFF600  }
0x27: {  	[spmem:s10] =	stream.linear.scatter [tilespmem:s17], [sflag:$0x3], $0xA00, $0x38;
	[tilespmem:$0x17020] =	vst v63  }
0x28: {  	_ =	swait.ge [sflag:s18], $0xA00  }
0x29: {  	[sflag:s18] =	ssyncset.done $0x0  }
0x2a: {  	s11 =	rddreg [dreg:$0x7];
	[sflag:s18] =	ssyncadd.s32 $0xFFFFF600  }
0x2b: {  	[spmem:s11] =	stream.linear.scatter [tilespmem:s17], [sflag:$0x3], $0xA00, $0x38;
	[tilespmem:$0x17020] =	vst v63  }
0x2c: {  	_ =	swait.ge [sflag:s18], $0xA00  }
0x2d: {  	[sflag:s18] =	ssyncset.done $0x0  }
0x2e: {  	s12 =	rddreg [dreg:$0x8];
	[sflag:s18] =	ssyncadd.s32 $0xFFFFF600  }
0x2f: {  	[spmem:s12] =	stream.linear.scatter [tilespmem:s17], [sflag:$0x3], $0xA00, $0x38;
	[tilespmem:$0x17020] =	vst v63  }
0x30: {  	_ =	swait.ge [sflag:s18], $0xA00  }
0x31: {  	[sflag:s18] =	ssyncset.done $0x0  }
0x32: {  	s23 =	rddreg [dreg:$0x9];
	[sflag:s18] =	ssyncadd.s32 $0xFFFFF600  }
0x33: {  	[spmem:s23] =	stream.linear.scatter [tilespmem:s17], [sflag:$0x3], $0xA00, $0x38;
	[tilespmem:$0x17020] =	vst v63  }
0x34: {  	_ =	swait.ge [sflag:s18], $0xA00  }
0x35: {  	[sflag:s18] =	ssyncset.done $0x0  }
0x36: {  	s25 =	rddreg [dreg:$0xa];
	[sflag:s18] =	ssyncadd.s32 $0xFFFFF600  }
0x37: {  	[spmem:s25] =	stream.linear.scatter [tilespmem:s17], [sflag:$0x3], $0xA00, $0x38;
	[tilespmem:$0x17020] =	vst v63  }
0x38: {  	_ =	swait.ge [sflag:s18], $0xA00  }
0x39: {  	[sflag:s18] =	ssyncset.done $0x0  }
0x3a: {  	[sflag:s18] =	ssyncadd.s32 $0xFFFFF600  }
0x3b: {  	s6 =	simm.s32 $0x0;
	[bflag:$0x0] =	sbarrier.arrive $0xFFFF  }
0x3c: {  	[tilespmem:s6], [sflag:$0x3] =	stream.linear.gather [hbm4b:s13+s6], $0x2710, $0x38;
	[tilespmem:$0x17020] =	vst v63  }
0x3d: {  	_ =	swait.ge [sflag:s18], $0x2710  }
0x3e: {  	[sflag:s18] =	ssyncset.done $0x0  }
0x3f: {  	[sflag:s18] =	ssyncadd.s32 $0xFFFFD8F0  }
0x40: {  	[tilespmem:s19], [sflag:$0x3] =	stream.linear.gather [hbm4b:s14+s6], $0x2710, $0x38;
	[tilespmem:$0x17020] =	vst v63  }
0x41: {  	_ =	swait.ge [sflag:s18], $0x2710  }
0x42: {  	[sflag:s18] =	ssyncset.done $0x0  }
0x43: {  	[sflag:s18] =	ssyncadd.s32 $0xFFFFD8F0  }
0x44: {  	[tilespmem:s21], [sflag:$0x1] =	stream.indirect.gather [hbm4b:s1+s20], $0x20, s6, s20, $0xb8;
	[tilespmem:$0x17020] =	vst v63  }
0x45: {  	_ = 	snop  }
0x46: {  	[tilespmem:s22], [sflag:$0x1] =	stream.indirect.gather [hbm4b:s1+s20], $0x20, s20, s20, $0xb8;
	[tilespmem:$0x17020] =	vst v63  }
0x47: {  	s7 =	simm.s32 $0xA0  }
0x48: {  	[tilespmem:s24], [sflag:$0x1] =	stream.indirect.gather [hbm4b:s1+s20], $0x20, s7, s20, $0xb8;
	[tilespmem:$0x17020] =	vst v63  }
0x49: {  	s8 =	simm.s32 $0xF0  }
0x4a: {  	[tilespmem:s26], [sflag:$0x1] =	stream.indirect.gather [hbm4b:s1+s20], $0x20, s8, s20, $0xb8;
	[tilespmem:$0x17020] =	vst v63  }
0x4b: {  	s9 =	simm.s32 $0x140  }
0x4c: {  	[tilespmem:s29], [sflag:$0x1] =	stream.indirect.gather [hbm4b:s1+s20], $0x20, s9, s20, $0xb8;
	[tilespmem:$0x17020] =	vst v63  }
0x4d: {  	s10 =	simm.s32 $0x190;
	s6 =	simm.s32 $0x8020  }
0x4e: {  	[tilespmem:s6], [sflag:$0x1] =	stream.indirect.gather [hbm4b:s1+s20], $0x20, s10, s20, $0xb8;
	[tilespmem:$0x17020] =	vst v63  }
0x4f: {  	s11 =	simm.s32 $0x1E0;
	s12 =	simm.s32 $0x8A20  }
0x50: {  	[tilespmem:s12], [sflag:$0x1] =	stream.indirect.gather [hbm4b:s1+s20], $0x20, s11, s20, $0xb8;
	[tilespmem:$0x17020] =	vst v63  }
0x51: {  	s23 =	simm.s32 $0x230;
	s25 =	simm.s32 $0x9420  }
0x52: {  	[tilespmem:s25], [sflag:$0x1] =	stream.indirect.gather [hbm4b:s1+s20], $0x20, s23, s20, $0xb8;
	[tilespmem:$0x17020] =	vst v63  }
0x53: {  	s7 =	simm.s32 $0x280;
	s8 =	simm.s32 $0x9E20  }
0x54: {  	[tilespmem:s8], [sflag:$0x1] =	stream.indirect.gather [hbm4b:s1+s20], $0x20, s7, s20, $0xb8;
	[tilespmem:$0x17020] =	vst v63  }
0x55: {  	s9 =	simm.s32 $0x2D0;
	s10 =	simm.s32 $0xA820  }
0x56: {  	[tilespmem:s10], [sflag:$0x1] =	stream.indirect.gather [hbm4b:s1+s20], $0x20, s9, s20, $0xb8;
	[tilespmem:$0x17020] =	vst v63  }
0x57: {  	s11 =	simm.s32 $0x320;
	s12 =	simm.s32 $0xB220  }
0x58: {  	[tilespmem:s12], [sflag:$0x1] =	stream.indirect.gather [hbm4b:s1+s20], $0x20, s11, s20, $0xb8;
	[tilespmem:$0x17020] =	vst v63  }
0x59: {  	s23 =	simm.s32 $0x370;
	s25 =	simm.s32 $0xBC20  }
0x5a: {  	[tilespmem:s25], [sflag:$0x1] =	stream.indirect.gather [hbm4b:s1+s20], $0x20, s23, s20, $0xb8;
	[tilespmem:$0x17020] =	vst v63  }
0x5b: {  	s7 =	simm.s32 $0x3C0;
	s8 =	simm.s32 $0xC620  }
0x5c: {  	[tilespmem:s8], [sflag:$0x1] =	stream.indirect.gather [hbm4b:s1+s20], $0x20, s7, s20, $0xb8;
	[tilespmem:$0x17020] =	vst v63  }
0x5d: {  	s9 =	simm.s32 $0x410;
	s10 =	simm.s32 $0xD020  }
0x5e: {  	[tilespmem:s10], [sflag:$0x1] =	stream.indirect.gather [hbm4b:s1+s20], $0x20, s9, s20, $0xb8;
	[tilespmem:$0x17020] =	vst v63  }
0x5f: {  	s11 =	simm.s32 $0x460;
	s12 =	simm.s32 $0xDA20  }
0x60: {  	[tilespmem:s12], [sflag:$0x1] =	stream.indirect.gather [hbm4b:s1+s20], $0x20, s11, s20, $0xb8;
	[tilespmem:$0x17020] =	vst v63  }
0x61: {  	_ =	swait.ge [sflag:s28], $0xA00  }
0x62: {  	[sflag:s28] =	ssyncset.done $0x0  }
0x63: {  	[sflag:s28] =	ssyncadd.s32 $0xFFFFF600  }
0x64: {  	_ =	swait.ge [sflag:s28], $0xA00  }
0x65: {  	[sflag:s28] =	ssyncset.done $0x0  }
0x66: {  	[sflag:s28] =	ssyncadd.s32 $0xFFFFF600  }
0x67: {  	_ =	swait.ge [sflag:s28], $0xA00  }
0x68: {  	[sflag:s28] =	ssyncset.done $0x0  }
0x69: {  	[sflag:s28] =	ssyncadd.s32 $0xFFFFF600  }
0x6a: {  	_ =	swait.ge [sflag:s28], $0xA00  }
0x6b: {  	[sflag:s28] =	ssyncset.done $0x0  }
0x6c: {  	[sflag:s28] =	ssyncadd.s32 $0xFFFFF600  }
0x6d: {  	_ =	swait.ge [sflag:s28], $0xA00  }
0x6e: {  	[sflag:s28] =	ssyncset.done $0x0  }
0x6f: {  	s23 =	simm.s32 $0x4B0;
	s25 =	simm.s32 $0xE420;
	[sflag:s28] =	ssyncadd.s32 $0xFFFFF600  }
0x70: {  	[tilespmem:s25], [sflag:$0x1] =	stream.indirect.gather [hbm4b:s1+s20], $0x20, s23, s20, $0xb8;
	[tilespmem:$0x17020] =	vst v63  }
0x71: {  	s7 =	simm.s32 $0x500;
	s8 =	simm.s32 $0xEE20  }
0x72: {  	[tilespmem:s8], [sflag:$0x1] =	stream.indirect.gather [hbm4b:s1+s20], $0x20, s7, s20, $0xb8;
	[tilespmem:$0x17020] =	vst v63  }
0x73: {  	s9 =	simm.s32 $0x550;
	s10 =	simm.s32 $0xF820  }
0x74: {  	[tilespmem:s10], [sflag:$0x1] =	stream.indirect.gather [hbm4b:s1+s20], $0x20, s9, s20, $0xb8;
	[tilespmem:$0x17020] =	vst v63  }
0x75: {  	s11 =	simm.s32 $0x5A0;
	s12 =	simm.s32 $0x10220  }
0x76: {  	[tilespmem:s12], [sflag:$0x1] =	stream.indirect.gather [hbm4b:s1+s20], $0x20, s11, s20, $0xb8;
	[tilespmem:$0x17020] =	vst v63  }
0x77: {  	s23 =	simm.s32 $0x5F0;
	s25 =	simm.s32 $0x10C20  }
0x78: {  	[tilespmem:s25], [sflag:$0x1] =	stream.indirect.gather [hbm4b:s1+s20], $0x20, s23, s20, $0xb8;
	[tilespmem:$0x17020] =	vst v63  }
0x79: {  	_ = 	snop  }
0x7a: {  	[spmem:s3] =	stream.indirect.scatter.add.f32 [tilespmem:s21], [sflag:$0x2], $0x20, s19, s20, $0xb8;
	[tilespmem:$0x17020] =	vst v63  }
0x7b: {  	s7 =	simm.s32 $0x2760  }
0x7c: {  	[spmem:s3] =	stream.indirect.scatter.add.f32 [tilespmem:s22], [sflag:$0x2], $0x20, s7, s20, $0xb8;
	[tilespmem:$0x17020] =	vst v63  }
0x7d: {  	s8 =	simm.s32 $0x27B0  }
0x7e: {  	[spmem:s3] =	stream.indirect.scatter.add.f32 [tilespmem:s24], [sflag:$0x2], $0x20, s8, s20, $0xb8;
	[tilespmem:$0x17020] =	vst v63  }
0x7f: {  	s9 =	simm.s32 $0x2800  }
0x80: {  	[spmem:s3] =	stream.indirect.scatter.add.f32 [tilespmem:s26], [sflag:$0x2], $0x20, s9, s20, $0xb8;
	[tilespmem:$0x17020] =	vst v63  }
0x81: {  	s10 =	simm.s32 $0x2850  }
0x82: {  	[spmem:s3] =	stream.indirect.scatter.add.f32 [tilespmem:s29], [sflag:$0x2], $0x20, s10, s20, $0xb8;
	[tilespmem:$0x17020] =	vst v63  }
0x83: {  	_ =	swait.ge [sflag:s28], $0xA00  }
0x84: {  	[sflag:s28] =	ssyncset.done $0x0  }
0x85: {  	[sflag:s28] =	ssyncadd.s32 $0xFFFFF600  }
0x86: {  	_ =	swait.ge [sflag:s28], $0xA00  }
0x87: {  	[sflag:s28] =	ssyncset.done $0x0  }
0x88: {  	[sflag:s28] =	ssyncadd.s32 $0xFFFFF600  }
0x89: {  	_ =	swait.ge [sflag:s28], $0xA00  }
0x8a: {  	[sflag:s28] =	ssyncset.done $0x0  }
0x8b: {  	[sflag:s28] =	ssyncadd.s32 $0xFFFFF600  }
0x8c: {  	_ =	swait.ge [sflag:s28], $0xA00  }
0x8d: {  	[sflag:s28] =	ssyncset.done $0x0  }
0x8e: {  	[sflag:s28] =	ssyncadd.s32 $0xFFFFF600  }
0x8f: {  	_ =	swait.ge [sflag:s28], $0xA00  }
0x90: {  	[sflag:s28] =	ssyncset.done $0x0  }
0x91: {  	[sflag:s28] =	ssyncadd.s32 $0xFFFFF600  }
0x92: {  	_ =	swait.ge [sflag:s2], $0xA00  }
0x93: {  	[sflag:s2] =	ssyncset.done $0x0  }
0x94: {  	[sflag:s2] =	ssyncadd.s32 $0xFFFFF600  }
0x95: {  	_ =	swait.ge [sflag:s2], $0xA00  }
0x96: {  	[sflag:s2] =	ssyncset.done $0x0  }
0x97: {  	[sflag:s2] =	ssyncadd.s32 $0xFFFFF600  }
0x98: {  	_ =	swait.ge [sflag:s2], $0xA00  }
0x99: {  	[sflag:s2] =	ssyncset.done $0x0  }
0x9a: {  	[sflag:s2] =	ssyncadd.s32 $0xFFFFF600  }
0x9b: {  	p0 =	por $0x0, $0x0;
	s0 =	simm.s32 $0x4;
	_ =	swait.ge [sflag:s2], $0xA00  }
0x9c: {  	s0 =	sand.u32 @!p0 $0x3, s0;
	[sflag:s2] =	ssyncset.done $0x0  }
0x9d: {  	s0 =	smul.u32 @!p0 $0xC800, s0;
	[sflag:s2] =	ssyncadd.s32 $0xFFFFF600  }
0x9e: {  	_ =	swait.ge [sflag:s2], $0xA00  }
0x9f: {  	s30 =	simm.s32 @!p0 $0x50;
	s0 =	sshrl.u32 @!p0 s0, $0x2;
	[sflag:s2] =	ssyncset.done $0x0  }
0xa0: {  	s31 =	sadd.s32 @!p0 $0x4E20, s0;
	s25 =	simm.s32 @!p0 $0x640;
	[sflag:s2] =	ssyncadd.s32 $0xFFFFF600  }
0xa1: {  	[tilespmem:s31], [sflag:$0x1] =	stream.indirect.gather @!p0 [hbm4b:s1+s30], $0x20, s25, s30, $0xb8;
	[tilespmem:$0x17020] =	vst v63  }
0xa2: {  	s11 =	simm.s32 $0x1;
	s23 =	sadd.s32 @!p0 $0x5820, s0;
	s31 =	simm.s32 @!p0 $0x690  }
0xa3: {  	[tilespmem:s23], [sflag:$0x1] =	stream.indirect.gather @!p0 [hbm4b:s1+s30], $0x20, s31, s30, $0xb8;
	[tilespmem:$0x17020] =	vst v63  }
0xa4: {  	s12 =	sand.u32 $0x3, s11;
	s25 =	simm.s32 @!p0 $0x6E0;
	s31 =	sadd.s32 @!p0 $0x6220, s0  }
0xa5: {  	[tilespmem:s31], [sflag:$0x1] =	stream.indirect.gather @!p0 [hbm4b:s1+s30], $0x20, s25, s30, $0xb8;
	[tilespmem:$0x17020] =	vst v63  }
0xa6: {  	s23 =	smul.u32 $0xC800, s12;
	s25 =	sadd.s32 @!p0 $0x6C20, s0;
	s31 =	simm.s32 @!p0 $0x730  }
0xa7: {  	[tilespmem:s25], [sflag:$0x1] =	stream.indirect.gather @!p0 [hbm4b:s1+s30], $0x20, s31, s30, $0xb8;
	[tilespmem:$0x17020] =	vst v63  }
0xa8: {  	s0 =	sadd.s32 @!p0 $0x7620, s0;
	s23 =	sshrl.u32 s23, $0x2;
	s25 =	simm.s32 @!p0 $0x780  }
0xa9: {  	[tilespmem:s0], [sflag:$0x1] =	stream.indirect.gather @!p0 [hbm4b:s1+s30], $0x20, s25, s30, $0xb8;
	[tilespmem:$0x17020] =	vst v63  }
0xaa: {  	s6 =	simm.s32 $0x28A0;
	s8 =	simm.s32 $0x28F0;
	s25 =	sadd.s32 $0x4E20, s23  }
0xab: {  	[spmem:s3] =	stream.indirect.scatter.add.f32 [tilespmem:s25], [sflag:$0x2], $0x20, s6, s20, $0xb8;
	[tilespmem:$0x17020] =	vst v63  }
0xac: {  	s10 =	simm.s32 $0x2940;
	s12 =	simm.s32 $0x2990;
	s7 =	sadd.s32 $0x5820, s23  }
0xad: {  	[spmem:s3] =	stream.indirect.scatter.add.f32 [tilespmem:s7], [sflag:$0x2], $0x20, s8, s20, $0xb8;
	[tilespmem:$0x17020] =	vst v63  }
0xae: {  	s9 =	sadd.s32 $0x6220, s23;
	s11 =	sadd.s32 $0x6C20, s23;
	s31 =	sadd.s32 $0x7620, s23  }
0xaf: {  	[spmem:s3] =	stream.indirect.scatter.add.f32 [tilespmem:s9], [sflag:$0x2], $0x20, s10, s20, $0xb8;
	[tilespmem:$0x17020] =	vst v63  }
0xb0: {  	s0 =	simm.s32 $0x29E0;
	s30 =	simm.s32 $0x5;
	s25 =	simm.s32 $0x640  }
0xb1: {  	[spmem:s3] =	stream.indirect.scatter.add.f32 [tilespmem:s11], [sflag:$0x2], $0x20, s12, s20, $0xb8;
	[tilespmem:$0x17020] =	vst v63  }
.LBB2_4:
0xb2: {  	[spmem:s3] =	stream.indirect.scatter.add.f32 [tilespmem:s31], [sflag:$0x2], $0x20, s0, s20, $0xb8;
	[tilespmem:$0x17020] =	vst v63  }
0xb3: {  	s31 =	smov.u32 s25;
	s25 =	sadd.s32 $0x640, s25;
	_ =	swait.ge [sflag:s28], $0xA00  }
0xb4: {  	p0 =	sne.s32 s25, $0x9600;
	[sflag:s28] =	ssyncset.done $0x0  }
0xb5: {  	[sflag:s28] =	ssyncadd.s32 $0xFFFFF600  }
0xb6: {  	_ =	swait.ge [sflag:s28], $0xA00  }
0xb7: {  	[sflag:s28] =	ssyncset.done $0x0  }
0xb8: {  	[sflag:s28] =	ssyncadd.s32 $0xFFFFF600  }
0xb9: {  	_ =	swait.ge [sflag:s28], $0xA00  }
0xba: {  	[sflag:s28] =	ssyncset.done $0x0  }
0xbb: {  	[sflag:s28] =	ssyncadd.s32 $0xFFFFF600  }
0xbc: {  	_ =	swait.ge [sflag:s28], $0xA00  }
0xbd: {  	[sflag:s28] =	ssyncset.done $0x0  }
0xbe: {  	[sflag:s28] =	ssyncadd.s32 $0xFFFFF600  }
0xbf: {  	_ =	swait.ge [sflag:s28], $0xA00  }
0xc0: {  	[sflag:s28] =	ssyncset.done $0x0  }
0xc1: {  	[sflag:s28] =	ssyncadd.s32 $0xFFFFF600  }
0xc2: {  	_ =	swait.ge [sflag:s2], $0xA00  }
0xc3: {  	[sflag:s2] =	ssyncset.done $0x0  }
0xc4: {  	[sflag:s2] =	ssyncadd.s32 $0xFFFFF600  }
0xc5: {  	_ =	swait.ge [sflag:s2], $0xA00  }
0xc6: {  	[sflag:s2] =	ssyncset.done $0x0  }
0xc7: {  	[sflag:s2] =	ssyncadd.s32 $0xFFFFF600  }
0xc8: {  	_ =	swait.ge [sflag:s2], $0xA00  }
0xc9: {  	[sflag:s2] =	ssyncset.done $0x0  }
0xca: {  	s0 =	sadd.s32 $0xFFFFFFFD, s30;
	[sflag:s2] =	ssyncadd.s32 $0xFFFFF600  }
0xcb: {  	s23 =	sand.u32 $0x3, s0;
	p1 =	sgt.u32 s0, $0x15;
	_ =	swait.ge [sflag:s2], $0xA00  }
0xcc: {  	s0 =	sand.u32 @!p1 $0x3, s30;
	s6 =	sshra.s32 @!p1 s31, $0x2;
	[sflag:s2] =	ssyncset.done $0x0  }
0xcd: {  	s0 =	smul.u32 @!p1 $0xC800, s0;
	s7 =	sadd.s32 @!p1 $0x640, s6;
	[sflag:s2] =	ssyncadd.s32 $0xFFFFF600  }
0xce: {  	s8 =	sadd.s32 @!p1 $0x690, s6;
	s9 =	sadd.s32 @!p1 $0x6E0, s6;
	_ =	swait.ge [sflag:s2], $0xA00  }
0xcf: {  	s10 =	simm.s32 @!p1 $0x50;
	s0 =	sshrl.u32 @!p1 s0, $0x2;
	[sflag:s2] =	ssyncset.done $0x0  }
0xd0: {  	s11 =	sadd.s32 @!p1 $0x4E20, s0;
	s12 =	sadd.s32 @!p1 $0x5820, s0;
	[sflag:s2] =	ssyncadd.s32 $0xFFFFF600  }
0xd1: {  	[tilespmem:s11], [sflag:$0x1] =	stream.indirect.gather @!p1 [hbm4b:s1+s10], $0x20, s7, s10, $0xb8;
	[tilespmem:$0x17020] =	vst v63  }
0xd2: {  	s7 =	sadd.s32 @!p1 $0x6220, s0;
	s11 =	sadd.s32 @!p1 $0x6C20, s0;
	s0 =	sadd.s32 @!p1 $0x7620, s0  }
0xd3: {  	[tilespmem:s12], [sflag:$0x1] =	stream.indirect.gather @!p1 [hbm4b:s1+s10], $0x20, s8, s10, $0xb8;
	[tilespmem:$0x17020] =	vst v63  }
0xd4: {  	s8 =	smul.u32 $0xC800, s23;
	s12 =	sadd.s32 @!p1 $0x730, s6;
	s6 =	sadd.s32 @!p1 $0x780, s6  }
0xd5: {  	[tilespmem:s7], [sflag:$0x1] =	stream.indirect.gather @!p1 [hbm4b:s1+s10], $0x20, s9, s10, $0xb8;
	[tilespmem:$0x17020] =	vst v63  }
0xd6: {  	s7 =	sshrl.u32 s8, $0x2  }
0xd7: {  	[tilespmem:s11], [sflag:$0x1] =	stream.indirect.gather @!p1 [hbm4b:s1+s10], $0x20, s12, s10, $0xb8;
	[tilespmem:$0x17020] =	vst v63  }
0xd8: {  	s8 =	sshra.s32 s31, $0x2  }
0xd9: {  	[tilespmem:s0], [sflag:$0x1] =	stream.indirect.gather @!p1 [hbm4b:s1+s10], $0x20, s6, s10, $0xb8;
	[tilespmem:$0x17020] =	vst v63  }
0xda: {  	s0 =	sadd.s32 $0x4E20, s7;
	s6 =	sadd.s32 $0x28A0, s8  }
0xdb: {  	[spmem:s3] =	stream.indirect.scatter.add.f32 [tilespmem:s0], [sflag:$0x2], $0x20, s6, s20, $0xb8;
	[tilespmem:$0x17020] =	vst v63  }
0xdc: {  	s0 =	sadd.s32 $0x5820, s7;
	s6 =	sadd.s32 $0x28F0, s8  }
0xdd: {  	[spmem:s3] =	stream.indirect.scatter.add.f32 [tilespmem:s0], [sflag:$0x2], $0x20, s6, s20, $0xb8;
	[tilespmem:$0x17020] =	vst v63  }
.Ltmp1:
0xde: {  	s0 =	sadd.s32 $0x6220, s7;
	s6 =	sadd.s32 $0x2940, s8;
	(pc) =	sbr.rel @p0 .LBB2_4-.Ltmp1, $4  }
0xdf: {  	[spmem:s3] =	stream.indirect.scatter.add.f32 [tilespmem:s0], [sflag:$0x2], $0x20, s6, s20, $0xb8;
	[tilespmem:$0x17020] =	vst v63  }
0xe0: {  	s0 =	sadd.s32 $0x6C20, s7;
	s6 =	sadd.s32 $0x2990, s8  }
0xe1: {  	[spmem:s3] =	stream.indirect.scatter.add.f32 [tilespmem:s0], [sflag:$0x2], $0x20, s6, s20, $0xb8;
	[tilespmem:$0x17020] =	vst v63  }
0xe2: {  	s30 =	sadd.s32 $0x1, s30;
	s31 =	sadd.s32 $0x7620, s7;
	s0 =	sadd.s32 $0x29E0, s8  }
0xe3: {  	[spmem:s3] =	stream.indirect.scatter.add.f32 [tilespmem:s31], [sflag:$0x2], $0x20, s0, s20, $0xb8;
	[tilespmem:$0x17020] =	vst v63  }
0xe4: {  	_ =	swait.ge [sflag:s2], $0xA00  }
0xe5: {  	[sflag:s2] =	ssyncset.done $0x0  }
0xe6: {  	[sflag:s2] =	ssyncadd.s32 $0xFFFFF600  }
0xe7: {  	_ =	swait.ge [sflag:s2], $0xA00  }
0xe8: {  	[sflag:s2] =	ssyncset.done $0x0  }
0xe9: {  	[sflag:s2] =	ssyncadd.s32 $0xFFFFF600  }
0xea: {  	_ =	swait.ge [sflag:s2], $0xA00  }
0xeb: {  	[sflag:s2] =	ssyncset.done $0x0  }
0xec: {  	[sflag:s2] =	ssyncadd.s32 $0xFFFFF600  }
0xed: {  	_ =	swait.ge [sflag:s2], $0xA00  }
0xee: {  	[sflag:s2] =	ssyncset.done $0x0  }
0xef: {  	s31 =	stileid.u32;
	[sflag:s2] =	ssyncadd.s32 $0xFFFFF600  }
0xf0: {  	s6 =	sshrl.u32 s5, $0x3;
	s7 =	simm.s32 $0x10;
	_ =	swait.ge [sflag:s2], $0xA00  }
0xf1: {  	s8 =	simm.s32 $0x4;
	s4 =	sadd.s32 $0x1, s4;
	[sflag:s2] =	ssyncset.done $0x0  }
0xf2: {  	s0 =	sshll.u32 s31, $0x6;
	p0 =	sne.s32 s4, s16;
	[sflag:s2] =	ssyncadd.s32 $0xFFFFF600  }
.Ltmp2:
0xf3: {  	s0 =	sor.u32 $0x1C03, s0;
	[bflag:$0x0] =	sbarrier.arrive $0xFFFF;
	(pc) =	sbr.rel @p0 .LBB2_1-.Ltmp2, $4  }
0xf4: {  	[hbm:s15@s7], [sflag:s0] =	dma.strided [spmem:s6@s8], $0xA00, s28, $0x4   }
0xf5: {  	_ =	swait.ge [sflag:s18], $0xA00  }
0xf6: {  	[sflag:s18] =	ssyncset.done $0x0  }
0xf7: {  	[sflag:s18] =	ssyncadd.s32 $0xFFFFF600  }
0xf8: {  	_ =	sfence.sel $0x180000  }
0xf9: {  	[bflag:$0x0] =	sbarrier.arrive $0xFFFF  }
0xfa: {  	_ =	strace $0x9000004A  }
0xfb: {  	s0 =	stileid.u32;
	[bflag:$0x2] =	sbarrier.arrive $0xFFFF  }
0xfc: {  	p0 =	sne.s32 s0, $0x0;
	s0 =	rddreg [dreg:$0x3]  }
0xfd: {  	s0 =	sadd.s32 @!p0 $0x100000, s0  }
0xfe: {  	[sflag:s0] =	ssyncadd.tile.s32 @!p0 $0x1;
	_ =	shalt  }
.Lfunc_end2:
_tile_overlayer_lowered:
.L_overlay_start_2:
0xff: {  	(tag) =	ssettag $0x2  }
0x100: {  	s0 =	rddreg [dreg:$0x0];
	s2 =	stileid.u32  }
0x101: {  	s1 =	rddreg [dreg:$0x1];
	p0 =	sne.s32 s2, $0x0  }
0x102: {  	s3 =	rddreg [dreg:$0x2];
	[bflag:$0x3] =	sbarrier.arrive $0xFFFF;
	s2 =	simm.s32 @!p0 $0x1C03  }
0x103: {  	[timem:s3], [sflag:s2] =	dma.local @!p0 [hbm:s0], s1  }
0x104: {  	s0 =	simm.s32 @!p0 $0x3  }
0x105: {  	_ =	swait.ge @!p0 [sflag:s0], s1  }
0x106: {  	s1 =	ssub.s32 @!p0 $0x0, s1;
	[sflag:s0] =	ssyncset.done @!p0 $0x0  }
0x107: {  	[sflag:s0] =	ssyncadd.s32 @!p0 s1  }
0x108: {  	[bflag:$0x3] =	sbarrier.arrive $0xFFFF  }
0x109: {  	_ =	shalt  }

// kernel: kernel.7.cloned.1.call-start
scs
__scs_entry_jumppad:
0x0: {  	(pc) =	sbr.rel $0x88, $3  }
0x1: {  	(tag) =	ssettag $0x0;
	lr =	simm.s32 $0x1  }
0x2: {  	[smem:$0x3F97] =	sst lr;
	_ =	strace $0xD0000000  }
0x3: {  	_ = 	snop  }
0x4: {  	_ = 	snop  }
0x5: {  	_ = 	snop  }
0x6: {  	_ = 	snop  }
0x7: {  	_ = 	snop  }
__scs_overlays_trampoline_lowered:
0x8: {  	[smem:$0x3FA6] =	sst s0  }
0x9: {  	[smem:$0x3FA7] =	sst s1  }
0xa: {  	[smem:$0x3FA8] =	sst s2  }
0xb: {  	[smem:$0x3FA9] =	sst s3  }
0xc: {  	[smem:$0x3FAA] =	sst s4  }
0xd: {  	[smem:$0x3FAB] =	sst s5  }
0xe: {  	[smem:$0x3FAC] =	sst s6  }
0xf: {  	[smem:$0x3FAD] =	sst s7  }
0x10: {  	[smem:$0x3FAE] =	sst s8  }
0x11: {  	[smem:$0x3FAF] =	sst s9;
	s0 =	simm.s32 @!p0 $0x0  }
0x12: {  	s1 =	sld [smem:$0x3F95];
	s0 =	simm.s32 @p0 $0x1  }
0x13: {  	[smem:$0x3FB0] =	sst s0;
	s0 =	simm.s32 @!p1 $0x0  }
0x14: {  	s2 =	sld [smem:$0x3F94];
	s0 =	simm.s32 @p1 $0x1  }
0x15: {  	[smem:$0x3FB1] =	sst s0;
	s0 =	simm.s32 @!p2 $0x0  }
0x16: {  	s3 =	sld [smem:$0x3FDB];
	s0 =	simm.s32 @p2 $0x1  }
0x17: {  	s4 =	simm.s32 $0x1BF5;
	[smem:$0x3FB3] =	sst s0  }
0x18: {  	s0 =	sld [smem:$0x3F96];
	_ =	swait.ge [sflag:s4], $0x0  }
0x19: {  	s7 =	sld [smem:$0x3F97]  }
0x1a: {  	s8 =	sadd.s32 $0xFFFFE003, lr  }
0x1b: {  	s9 =	sadd.s32 $0xFFFFFEF7, lr;
	s5 =	simm.s32 $0xFFFFFFFF;
	p2 =	slt.u32 s8, $0xFFFFF086  }
0x1c: {  	p1 =	slt.u32 s9, $0xF7A;
	s5 =	simm.s32 @!p2 $0x0  }
0x1d: {  	s5 =	simm.s32 @p1 $0x1;
	p0 =	seq.s32 s7, s2  }
0x1e: {  	s7 =	smul.u32 @!p0 $0xF7A, s2;
	p2 =	seq.s32 @!p0 s5, $0x0  }
0x1f: {  	s9 =	smul.u32 $0xF7A, s1;
	s8 =	simm.s32 @!p0 $0x1BF5;
	p2 =	por !p2, p0  }
0x20: {  	[sflag:s8] =	ssyncset.s32 @!p0 $0xFFFFF086;
	s6 =	sadd.s32 @!p0 s3, s7;
	s7 =	simm.s32 @!p0 $0x108  }
0x21: {  	s3 =	sadd.s32 s3, s9;
	s6 =	sadd.s32 @!p0 $0x88, s6;
	s7 =	simm.s32 @p2 $0x1082  }
0x22: {  	[simem:s7], [sflag:s8] =	dma.local @!p0 [hbm:s6], $0xF7A  }
0x23: {  	s9 =	sor.u32 $0xD0000000, s2;
	s6 =	simm.s32 $0x108;
	_ =	swait.ge @!p0 [sflag:s8], $0x0  }
0x24: {  	s3 =	sadd.s32 $0x88, s3;
	s6 =	simm.s32 @!p1 $0x1082;
	[sflag:s4] =	ssyncset.s32 $0xFFFFF086  }
0x25: {  	[simem:s6], [sflag:s4] =	dma.local [hbm:s3], $0xF7A  }
0x26: {  	[smem:$0x3F97] =	sst s1;
	(tag) =	ssettag s2;
	_ =	strace s9  }
0x27: {  	s1 =	sld [smem:$0x3FA7]  }
0x28: {  	s2 =	sld [smem:$0x3FA8]  }
0x29: {  	s4 =	sld [smem:$0x3FAA]  }
0x2a: {  	p0 =	seq.s32 s5, $0x0;
	s5 =	sld [smem:$0x3FAB]  }
0x2b: {  	s6 =	sld [smem:$0x3FAC]  }
0x2c: {  	s7 =	sld [smem:$0x3FAD]  }
0x2d: {  	s3 =	simm.s32 $0x108;
	s8 =	sld [smem:$0x3FAE]  }
0x2e: {  	s3 =	simm.s32 @!p0 $0x1082;
	s9 =	sld [smem:$0x3FAF]  }
0x2f: {  	lr =	sadd.s32 s0, s3;
	s0 =	sld [smem:$0x3FA6]  }
0x30: {  	s3 =	sld [smem:$0x3FA9]  }
0x31: {  	[smem:$0x3FB2] =	sst s10  }
0x32: {  	s10 =	sld [smem:$0x3FB0];
	_ =	sdelay $0x3  }
0x33: {  	p0 =	seq.s32 s10, $0x1;
	s10 =	sld [smem:$0x3FB2];
	_ =	sdelay $0x3  }
0x34: {  	[smem:$0x3FB2] =	sst s10  }
0x35: {  	s10 =	sld [smem:$0x3FB1];
	_ =	sdelay $0x3  }
0x36: {  	p1 =	seq.s32 s10, $0x1;
	s10 =	sld [smem:$0x3FB2];
	_ =	sdelay $0x3  }
0x37: {  	[smem:$0x3FB2] =	sst s10  }
0x38: {  	s10 =	sld [smem:$0x3FB3]  }
0x39: {  	_ = 	snop;
	(pc) =	sbr.ind lr, $3  }
0x3a: {  	_ = 	snop  }
0x3b: {  	_ = 	snop  }
0x3c: {  	p2 =	seq.s32 s10, $0x1;
	s10 =	sld [smem:$0x3FB2]  }
0x3d: {  	_ =	shalt  }
0x3e: {  	_ =	shalt  }
0x3f: {  	_ =	shalt  }
0x40: {  	_ =	shalt  }
0x41: {  	_ =	shalt  }
0x42: {  	_ =	shalt  }
0x43: {  	_ =	shalt  }
0x44: {  	_ =	shalt  }
0x45: {  	_ =	shalt  }
0x46: {  	_ =	shalt  }
0x47: {  	_ =	shalt  }
0x48: {  	_ =	shalt  }
0x49: {  	_ =	shalt  }
0x4a: {  	_ =	shalt  }
0x4b: {  	_ =	shalt  }
0x4c: {  	_ =	shalt  }
0x4d: {  	_ =	shalt  }
0x4e: {  	_ =	shalt  }
0x4f: {  	_ =	shalt  }
0x50: {  	_ =	shalt  }
0x51: {  	_ =	shalt  }
0x52: {  	_ =	shalt  }
0x53: {  	_ =	shalt  }
0x54: {  	_ =	shalt  }
0x55: {  	_ =	shalt  }
0x56: {  	_ =	shalt  }
0x57: {  	_ =	shalt  }
0x58: {  	_ =	shalt  }
0x59: {  	_ =	shalt  }
0x5a: {  	_ =	shalt  }
0x5b: {  	_ =	shalt  }
0x5c: {  	_ =	shalt  }
0x5d: {  	_ =	shalt  }
0x5e: {  	_ =	shalt  }
0x5f: {  	_ =	shalt  }
0x60: {  	_ =	shalt  }
0x61: {  	_ =	shalt  }
0x62: {  	_ =	shalt  }
0x63: {  	_ =	shalt  }
0x64: {  	_ =	shalt  }
0x65: {  	_ =	shalt  }
0x66: {  	_ =	shalt  }
0x67: {  	_ =	shalt  }
0x68: {  	_ =	shalt  }
0x69: {  	_ =	shalt  }
0x6a: {  	_ =	shalt  }
0x6b: {  	_ =	shalt  }
0x6c: {  	_ =	shalt  }
0x6d: {  	_ =	shalt  }
0x6e: {  	_ =	shalt  }
0x6f: {  	_ =	shalt  }
0x70: {  	_ =	shalt  }
0x71: {  	_ =	shalt  }
0x72: {  	_ =	shalt  }
0x73: {  	_ =	shalt  }
0x74: {  	_ =	shalt  }
0x75: {  	_ =	shalt  }
0x76: {  	_ =	shalt  }
0x77: {  	_ =	shalt  }
0x78: {  	_ =	shalt  }
0x79: {  	_ =	shalt  }
0x7a: {  	_ =	shalt  }
0x7b: {  	_ =	shalt  }
0x7c: {  	_ =	shalt  }
0x7d: {  	_ =	shalt  }
0x7e: {  	_ =	shalt  }
0x7f: {  	_ =	shalt  }
0x80: {  	_ =	shalt  }
0x81: {  	_ =	shalt  }
0x82: {  	_ =	shalt  }
0x83: {  	_ =	shalt  }
0x84: {  	_ =	shalt  }
0x85: {  	_ =	shalt  }
0x86: {  	_ =	shalt  }
0x87: {  	_ =	shalt  }
.Lfunc_end0:
.L_simem_size_0:
called_computation_lowered:
.L_overlay_start_0:
0x88: {  	s2 =	sld [smem:$0x3FD9]  }
0x89: {  	s3 =	sld [smem:$0x3FFE];
	_ =	sdelay $0x1  }
0x8a: {  	s1 =	srdreg.scid  }
0x8b: {  	s0 =	sand.u32 $0x1, s1  }
0x8c: {  	s16 =	sshll.u32 s0, $0xA;
	s2 =	sadd.s32 s3, s2  }
0x8d: {  	s2 =	sadd.s32 s2, s16  }
0x8e: {  	[smem:$0x3FBE] =	sst s2  }
0x8f: {  	_ = 	snop  }
0x90: {  	(tm) =	ssettm $0x1  }
0x91: {  	s17 =	sld [smem:$0x3FFB];
	_ =	sdelay $0x3  }
0x92: {  	_ =	strace s17  }
0x93: {  	s2 =	sld [smem:$0x3FFC];
	_ =	sdelay $0x3  }
0x94: {  	_ =	strace s2  }
0x95: {  	s2 =	sld [smem:$0x3FFD];
	_ =	sdelay $0x3  }
0x96: {  	_ =	strace s2  }
0x97: {  	_ =	strace $0x8FFFFFFF  }
0x98: {  	s18 =	sld [smem:$0x3FDB];
	_ =	sdelay $0x1  }
0x99: {  	s19 =	simm.s32 $_scs_section_size  }
0x9a: {  	s4 =	simm.s32 $_size__tile_overlayer_lowered;
	s5 =	simm.s32 $_tile_overlayer_lowered  }
0x9b: {  	s22 =	simm.s32 $0x1BFF;
	s21 =	sshll.u32 s5, $0x1;
	s2 =	sadd.s32 s19, s18  }
0x9c: {  	s6 =	simm.s32 $0x0;
	s20 =	sshll.u32 s4, $0x1;
	s4 =	sadd.s32 s21, s2  }
0x9d: {  	[timem:s6], [sflag:s22] =	dma.local [hbm:s4], s20  }
0x9e: {  	_ =	swait.ge [sflag:s22], s20  }
0x9f: {  	s3 =	ssub.s32 $0x0, s20;
	[sflag:s22] =	ssyncset.done $0x0  }
0xa0: {  	[sflag:s22] =	ssyncadd.s32 s3;
	_ =	sdelay $0x1  }
0xa1: {  	s23 =	simm.s32 $0x1B8B  }
0xa2: {  	_ =	swait.ge [sflag:s23], $0x1  }
0xa3: {  	[sflag:s23] =	ssyncset.done $0x0  }
0xa4: {  	s25 =	simm.s32 $0x1B8E;
	s24 =	sld [smem:$0x3FFE];
	[sflag:s23] =	ssyncadd.s32 $0xFFFFFFFF  }
0xa5: {  	s26 =	simm.s32 $execute0_lowered;
	[smem:$0x3FD2] =	sst s25  }
0xa6: {  	s4 =	sshll.u32 s26, $0x1;
	_ =	strace $0x80000046;
	[dreg:$0x1] =	wrdreg $0xFFFFFFFF  }
0xa7: {  	s28 =	simm.s32 $_size_execute0_lowered;
	s2 =	sadd.s32 s2, s4;
	[dreg:$0x0] =	wrdreg $0x0  }
0xa8: {  	s4 =	sshll.u32 s28, $0x1;
	[dreg:$0x2] =	wrdreg s2  }
0xa9: {  	[dreg:$0x3] =	wrdreg s4  }
0xaa: {  	[dreg:$0x4] =	wrdreg $0xC0  }
0xab: {  	_ =	task [dreg:s6], $0x5FFFF  }
0xac: {  	[dreg:$0x1] =	wrdreg $0xFFFFFFFF  }
0xad: {  	[dreg:$0x0] =	wrdreg $0x60  }
0xae: {  	[dreg:$0x2] =	wrdreg s24  }
0xaf: {  	[dreg:$0x3] =	wrdreg $0x12A200  }
0xb0: {  	[dreg:$0x4] =	wrdreg $0x1D4200  }
0xb1: {  	[dreg:$0x5] =	wrdreg $0x9  }
0xb2: {  	_ =	task.clear_ibuf [dreg:s6], $0x6FFFF;
	_ =	strace $0x90000046  }
0xb3: {  	s29 =	simm.s32 $0x9;
	_ =	strace $0x80000048  }
0xb4: {  	_ =	swait.ge [sflag:s29], $0x1  }
0xb5: {  	[sflag:s29] =	ssyncadd.s32 $0xFFFFFFFF  }
0xb6: {  	_ =	strace $0x90000048  }
0xb7: {  	_ =	sfence  }
0xb8: {  	s30 =	sld [smem:$0x0];
	_ =	sdelay $0x2  }
0xb9: {  	s31 =	sshll.u32 s1, $0xD;
	s1 =	sshrl.u32 s1, $0x2  }
0xba: {  	s3 =	sand.u32 $0x4000, s31;
	s1 =	sadd.s32 s1, s30  }
0xbb: {  	s0 =	sor.u32 s3, s0;
	s1 =	sshll.u32 s1, $0x11  }
0xbc: {  	s0 =	sor.u32 s1, s0  }
0xbd: {  	s0 =	sadd.s32 $0x8F2B, s0  }
0xbe: {  	[sflag:s0] =	ssyncadd.remote.s32 $0x1  }
0xbf: {  	_ =	sfence.sel $0xFFFF  }
0xc0: {  	[dreg:$0x0] =	wrdreg $0xFFFFFFFF;
	(pc) =	sbr.abs _section_cstart, $3  }
0xc1: {  	[dreg:$0x1] =	wrdreg $0xFFFFFFFF  }
0xc2: {  	_ =	task.clear_ibuf [dreg:s6], $0x2FFFF;
	_ =	strace $0x9FFFFFFF  }
0xc3: {  	(tm) =	ssettm $0x7FFFFFFF  }
tec
execute0_lowered:
.L_overlay_start_1:
0x0: {  	(tag) =	ssettag $0x1  }
0x1: {  	s0 =	rddreg [dreg:$0x0]  }
0x2: {  	s2 =	rddreg [dreg:$0x1]  }
0x3: {  	s1 =	srdreg.scid;
	s11 =	stileid.u32  }
0x4: {  	s3 =	rddreg [dreg:$0x2];
	s4 =	simm.s32 $0x0;
	s28 =	simm.s32 $0x11620  }
0x5: {  	s29 =	simm.s32 $0x4;
	s30 =	simm.s32 $0x1CF20;
	s7 =	smul.u32 $0x14000, s11  }
0x6: {  	s31 =	simm.s32 $0x1CA20;
	s1 =	sand.u32 $0x1, s1;
	s9 =	smul.u32 $0x280, s11  }
0x7: {  	s5 =	sshll.u32 s11, $0x1;
	[smem:$0x7FF] =	sst s4;
	s21 =	smul.u32 $0x28000, s11  }
0x8: {  	s11 =	smul.u32 $0xA000, s11;
	s5 =	sor.u32 s1, s5;
	_ =	strace $0x80000047  }
0x9: {  	s8 =	sshll.u32 s1, $0x6;
	s1 =	ssub.s32 $0x2, s1;
	s6 =	smul.u32 $0x2710, s5  }
0xa: {  	s5 =	sadd.s32 $0x16000, s0;
	s7 =	sor.u32 s8, s7;
	s10 =	sshrl.u32 s1, $0x1  }
0xb: {  	s22 =	sshrl.u32 s21, $0x2;
	s23 =	sshrl.u32 s11, $0x2;
	s24 =	sor.u32 $0x50, s9  }
0xc: {  	s26 =	sadd.s32 $0xA0, s9;
	s14 =	sadd.s32 $0xF0, s9;
	s16 =	sadd.s32 $0x140, s9  }
0xd: {  	s19 =	sadd.s32 $0x190, s9;
	s21 =	sadd.s32 $0x1E0, s9;
	s7 =	sshrl.u32 s7, $0x3  }
0xe: {  	s1 =	ssub.s32 s1, s10;
	s25 =	sshll.u32 s24, $0x6;
	s8 =	sshll.u32 s24, $0x4  }
0xf: {  	s11 =	sshll.u32 s26, $0x6;
	s15 =	sshll.u32 s14, $0x6;
	s17 =	sshll.u32 s16, $0x6  }
0x10: {  	s18 =	sshll.u32 s16, $0x4;
	s20 =	sshll.u32 s19, $0x6;
	s24 =	sadd.s32 $0x230, s9  }
0x11: {  	s9 =	simm.s32 $0x3;
	s6 =	sshrl.u32 s6, $0x3;
	s10 =	sadd.s32 s25, s2  }
0x12: {  	s8 =	sadd.s32 s8, s3;
	s25 =	sshll.u32 s21, $0x4;
	s12 =	sadd.s32 s6, s0  }
0x13: {  	s0 =	sadd.s32 s7, s0;
	s6 =	sadd.s32 s22, s2;
	[dreg:$0x4] =	wrdreg s10  }
0x14: {  	s7 =	sadd.s32 s23, s3;
	[dreg:$0x5] =	wrdreg s8;
	s10 =	sshll.u32 s26, $0x4  }
0x15: {  	s8 =	sadd.s32 s11, s2;
	s22 =	sshll.u32 s19, $0x4;
	s23 =	sshll.u32 s21, $0x6  }
0x16: {  	s26 =	sshll.u32 s24, $0x6;
	[dreg:$0x6] =	wrdreg s8;
	s13 =	sadd.s32 s10, s3  }
0x17: {  	s8 =	sshll.u32 s14, $0x4;
	s10 =	sadd.s32 s15, s2;
	[dreg:$0x7] =	wrdreg s13  }
0x18: {  	s19 =	sadd.s32 s25, s3;
	[dreg:$0x8] =	wrdreg s10;
	s8 =	sadd.s32 s8, s3  }
0x19: {  	s25 =	sadd.s32 $0x51A00, s0;
	s10 =	simm.s32 $0x10;
	[dreg:$0x9] =	wrdreg s8  }
0x1a: {  	s8 =	sadd.s32 s17, s2;
	s17 =	sadd.s32 s22, s3;
	s22 =	sadd.s32 $0x2600, s12  }
0x1b: {  	[dreg:$0xa] =	wrdreg s8;
	s8 =	sadd.s32 s18, s3;
	s18 =	sadd.s32 s23, s2  }
0x1c: {  	s23 =	sadd.s32 $0xC240, s12;
	[dreg:$0xb] =	wrdreg s8;
	s8 =	sadd.s32 s20, s2  }
0x1d: {  	s20 =	sadd.s32 s26, s2;
	s26 =	smax.u32 s1, $0x1;
	s1 =	simm.s32 $0x50  }
0x1e: {  	[dreg:$0xc] =	wrdreg s8;
	s8 =	sshll.u32 s24, $0x4;
	s24 =	sadd.s32 $0x29A00, s0  }
0x1f: {  	v0 =	vimm.f32 $0.0e+00;
	v1 =	vimm.f32 $1.000000000e+00;
	s0 =	simm.s32 $0x1;
	s21 =	sadd.s32 s8, s3;
	s8 =	simm.s32 $0x2  }
.LBB2_1:
0x20: {  	s11 =	simm.s32 $0x11640  }
0x21: {  	[tilespmem:s11+$0xFFFFFFE0] =	vst v0  }
0x22: {  	[tilespmem:s11+$0x10] =	vst v0  }
0x23: {  	[tilespmem:s11+$0x0] =	vst v0  }
0x24: {  	s12 =	simm.s32 $0x40;
	s13 =	simm.s32 $0x0;
	[tilespmem:s11+$0xFFFFFFF0] =	vst v0  }
.LBB2_2:
0x25: {  	p0 =	sne.s32 s12, $0x13C0  }
0x26: {  	[tilespmem:s13+$0x1CF20] =	vst v0;
	s11 =	sadd.s32 $0x40, s11;
	s14 =	smov.u32 s12;
	s12 =	sadd.s32 $0x40, s12  }
.Ltmp0:
0x27: {  	[tilespmem:s13+$0x1CA20] =	vst v1;
	(pc) =	sbr.rel @p0 .LBB2_2-.Ltmp0, $4  }
0x28: {  	[tilespmem:s11+$0xFFFFFFE0] =	vst v0  }
0x29: {  	[tilespmem:s11+$0x10] =	vst v0  }
0x2a: {  	[tilespmem:s11+$0x0] =	vst v0  }
0x2b: {  	s13 =	sshra.s32 s14, $0x2;
	[tilespmem:s11+$0xFFFFFFF0] =	vst v0  }
0x2c: {  	[tilespmem:s13+$0x1CF20] =	vst v0  }
0x2d: {  	[tilespmem:s13+$0x1CA20] =	vst v1  }
0x2e: {  	[spmem:s6] =	stream.linear.scatter [tilespmem:s28], [sflag:$0x4], $0x1400, $0x38;
	[tilespmem:$0x1FC20] =	vst v63  }
0x2f: {  	_ =	swait.ge [sflag:s29], $0x1400  }
0x30: {  	[sflag:s29] =	ssyncset.done $0x0  }
0x31: {  	[sflag:s29] =	ssyncadd.s32 $0xFFFFEC00  }
0x32: {  	[spmem:s7] =	stream.linear.scatter [tilespmem:s30], [sflag:$0x4], $0x500, $0x38;
	[tilespmem:$0x1FC20] =	vst v63  }
0x33: {  	_ =	swait.ge [sflag:s29], $0x500  }
0x34: {  	[sflag:s29] =	ssyncset.done $0x0  }
0x35: {  	s11 =	rddreg [dreg:$0x4];
	[sflag:s29] =	ssyncadd.s32 $0xFFFFFB00  }
0x36: {  	[spmem:s11] =	stream.linear.scatter [tilespmem:s28], [sflag:$0x4], $0x1400, $0x38;
	[tilespmem:$0x1FC20] =	vst v63  }
0x37: {  	_ =	swait.ge [sflag:s29], $0x1400  }
0x38: {  	[sflag:s29] =	ssyncset.done $0x0  }
0x39: {  	s15 =	rddreg [dreg:$0x5];
	[sflag:s29] =	ssyncadd.s32 $0xFFFFEC00  }
0x3a: {  	[spmem:s15] =	stream.linear.scatter [tilespmem:s30], [sflag:$0x4], $0x500, $0x38;
	[tilespmem:$0x1FC20] =	vst v63  }
0x3b: {  	_ =	swait.ge [sflag:s29], $0x500  }
0x3c: {  	[sflag:s29] =	ssyncset.done $0x0  }
0x3d: {  	s16 =	rddreg [dreg:$0x6];
	[sflag:s29] =	ssyncadd.s32 $0xFFFFFB00  }
0x3e: {  	[spmem:s16] =	stream.linear.scatter [tilespmem:s28], [sflag:$0x4], $0x1400, $0x38;
	[tilespmem:$0x1FC20] =	vst v63  }
0x3f: {  	_ =	swait.ge [sflag:s29], $0x1400  }
0x40: {  	[sflag:s29] =	ssyncset.done $0x0  }
0x41: {  	s12 =	rddreg [dreg:$0x7];
	[sflag:s29] =	ssyncadd.s32 $0xFFFFEC00  }
0x42: {  	[spmem:s12] =	stream.linear.scatter [tilespmem:s30], [sflag:$0x4], $0x500, $0x38;
	[tilespmem:$0x1FC20] =	vst v63  }
0x43: {  	_ =	swait.ge [sflag:s29], $0x500  }
0x44: {  	[sflag:s29] =	ssyncset.done $0x0  }
0x45: {  	s13 =	rddreg [dreg:$0x8];
	[sflag:s29] =	ssyncadd.s32 $0xFFFFFB00  }
0x46: {  	[spmem:s13] =	stream.linear.scatter [tilespmem:s28], [sflag:$0x4], $0x1400, $0x38;
	[tilespmem:$0x1FC20] =	vst v63  }
0x47: {  	_ =	swait.ge [sflag:s29], $0x1400  }
0x48: {  	[sflag:s29] =	ssyncset.done $0x0  }
0x49: {  	s14 =	rddreg [dreg:$0x9];
	[sflag:s29] =	ssyncadd.s32 $0xFFFFEC00  }
0x4a: {  	[spmem:s14] =	stream.linear.scatter [tilespmem:s30], [sflag:$0x4], $0x500, $0x38;
	[tilespmem:$0x1FC20] =	vst v63  }
0x4b: {  	_ =	swait.ge [sflag:s29], $0x500  }
0x4c: {  	[sflag:s29] =	ssyncset.done $0x0  }
0x4d: {  	s15 =	rddreg [dreg:$0xa];
	[sflag:s29] =	ssyncadd.s32 $0xFFFFFB00  }
0x4e: {  	[spmem:s15] =	stream.linear.scatter [tilespmem:s28], [sflag:$0x4], $0x1400, $0x38;
	[tilespmem:$0x1FC20] =	vst v63  }
0x4f: {  	_ =	swait.ge [sflag:s29], $0x1400  }
0x50: {  	[sflag:s29] =	ssyncset.done $0x0  }
0x51: {  	s16 =	rddreg [dreg:$0xb];
	[sflag:s29] =	ssyncadd.s32 $0xFFFFEC00  }
0x52: {  	[spmem:s16] =	stream.linear.scatter [tilespmem:s30], [sflag:$0x4], $0x500, $0x38;
	[tilespmem:$0x1FC20] =	vst v63  }
0x53: {  	_ =	swait.ge [sflag:s29], $0x500  }
0x54: {  	[sflag:s29] =	ssyncset.done $0x0  }
0x55: {  	s12 =	rddreg [dreg:$0xc];
	[sflag:s29] =	ssyncadd.s32 $0xFFFFFB00  }
0x56: {  	[spmem:s12] =	stream.linear.scatter [tilespmem:s28], [sflag:$0x4], $0x1400, $0x38;
	[tilespmem:$0x1FC20] =	vst v63  }
0x57: {  	_ =	swait.ge [sflag:s29], $0x1400  }
0x58: {  	[sflag:s29] =	ssyncset.done $0x0  }
0x59: {  	[sflag:s29] =	ssyncadd.s32 $0xFFFFEC00  }
0x5a: {  	[spmem:s17] =	stream.linear.scatter [tilespmem:s30], [sflag:$0x4], $0x500, $0x38;
	[tilespmem:$0x1FC20] =	vst v63  }
0x5b: {  	_ =	swait.ge [sflag:s29], $0x500  }
0x5c: {  	[sflag:s29] =	ssyncset.done $0x0  }
0x5d: {  	[sflag:s29] =	ssyncadd.s32 $0xFFFFFB00  }
0x5e: {  	[spmem:s18] =	stream.linear.scatter [tilespmem:s28], [sflag:$0x4], $0x1400, $0x38;
	[tilespmem:$0x1FC20] =	vst v63  }
0x5f: {  	_ =	swait.ge [sflag:s29], $0x1400  }
0x60: {  	[sflag:s29] =	ssyncset.done $0x0  }
0x61: {  	[sflag:s29] =	ssyncadd.s32 $0xFFFFEC00  }
0x62: {  	[spmem:s19] =	stream.linear.scatter [tilespmem:s30], [sflag:$0x4], $0x500, $0x38;
	[tilespmem:$0x1FC20] =	vst v63  }
0x63: {  	_ =	swait.ge [sflag:s29], $0x500  }
0x64: {  	[sflag:s29] =	ssyncset.done $0x0  }
0x65: {  	[sflag:s29] =	ssyncadd.s32 $0xFFFFFB00  }
0x66: {  	[spmem:s20] =	stream.linear.scatter [tilespmem:s28], [sflag:$0x4], $0x1400, $0x38;
	[tilespmem:$0x1FC20] =	vst v63  }
0x67: {  	_ =	swait.ge [sflag:s29], $0x1400  }
0x68: {  	[sflag:s29] =	ssyncset.done $0x0  }
0x69: {  	[sflag:s29] =	ssyncadd.s32 $0xFFFFEC00  }
0x6a: {  	[spmem:s21] =	stream.linear.scatter [tilespmem:s30], [sflag:$0x4], $0x500, $0x38;
	[tilespmem:$0x1FC20] =	vst v63  }
0x6b: {  	_ =	swait.ge [sflag:s29], $0x500  }
0x6c: {  	[sflag:s29] =	ssyncset.done $0x0  }
0x6d: {  	[sflag:s29] =	ssyncadd.s32 $0xFFFFFB00  }
0x6e: {  	s11 =	simm.s32 $0x0;
	[bflag:$0x0] =	sbarrier.arrive $0xFFFF  }
0x6f: {  	[tilespmem:s11], [sflag:$0x4] =	stream.linear.gather [hbm4b:s22+s11], $0x2710, $0x38;
	[tilespmem:$0x1FC20] =	vst v63  }
0x70: {  	_ =	swait.ge [sflag:s29], $0x2710  }
0x71: {  	[sflag:s29] =	ssyncset.done $0x0  }
0x72: {  	s12 =	simm.s32 $0x2710;
	[sflag:s29] =	ssyncadd.s32 $0xFFFFD8F0  }
0x73: {  	[tilespmem:s12], [sflag:$0x4] =	stream.linear.gather [hbm4b:s23+s11], $0x2710, $0x38;
	[tilespmem:$0x1FC20] =	vst v63  }
0x74: {  	_ =	swait.ge [sflag:s29], $0x2710  }
0x75: {  	[sflag:s29] =	ssyncset.done $0x0  }
0x76: {  	s13 =	simm.s32 $0x4E20;
	[sflag:s29] =	ssyncadd.s32 $0xFFFFD8F0  }
0x77: {  	[tilespmem:s13], [sflag:$0x1] =	stream.indirect.gather [hbm4b:s5+s1], $0x40, s11, s1, $0xb8;
	[tilespmem:$0x1FC20] =	vst v63  }
0x78: {  	s14 =	simm.s32 $0x6220  }
0x79: {  	[tilespmem:s14], [sflag:$0x1] =	stream.indirect.gather [hbm4b:s5+s1], $0x40, s1, s1, $0xb8;
	[tilespmem:$0x1FC20] =	vst v63  }
0x7a: {  	s15 =	simm.s32 $0xA0;
	s16 =	simm.s32 $0x7620  }
0x7b: {  	[tilespmem:s16], [sflag:$0x1] =	stream.indirect.gather [hbm4b:s5+s1], $0x40, s15, s1, $0xb8;
	[tilespmem:$0x1FC20] =	vst v63  }
.Ltmp1:
0x7c: {  	_ = 	snop;
	(pc) =	sbr.rel .LBB2_4-.Ltmp1, $4  }
0x7d: {  	s13 =	simm.s32 $0xF0;
	s14 =	simm.s32 $0x8A20  }
0x7e: {  	[tilespmem:s14], [sflag:$0x1] =	stream.indirect.gather [hbm4b:s5+s1], $0x40, s13, s1, $0xb8;
	[tilespmem:$0x1FC20] =	vst v63  }
0x7f: {  	s15 =	simm.s32 $0x140;
	s16 =	simm.s32 $0x9E20  }
0x80: {  	[tilespmem:s16], [sflag:$0x1] =	stream.indirect.gather [hbm4b:s5+s1], $0x40, s15, s1, $0xb8;
	[tilespmem:$0x1FC20] =	vst v63  }
.LBB2_6:
0x81: {  	s13 =	sand.u32 $0x1, s11;
	s14 =	smul.u32 $0x640, s11  }
0x82: {  	p0 =	seq.s32 s13, $0x1;
	s13 =	simm.s32 $0x6400  }
0x83: {  	s13 =	simm.s32 @!p0 $0x0;
	s11 =	sshra.s32 s14, $0x2  }
0x84: {  	s14 =	sadd.s32 $0x4E20, s13;
	s15 =	sadd.s32 $0x2710, s11  }
0x85: {  	[spmem:s2] =	stream.indirect.scatter.add.f32 [tilespmem:s14], [sflag:$0x2], $0x40, s15, s1, $0xb8;
	[tilespmem:$0x1FC20] =	vst v63  }
0x86: {  	_ = 	snop  }
0x87: {  	[spmem:s3] =	stream.indirect.scatter.add.f32 [tilespmem:s31], [sflag:$0x3], $0x10, s15, s1, $0xb8;
	[tilespmem:$0x1FC20] =	vst v63  }
0x88: {  	s16 =	sadd.s32 $0x2760, s11;
	s15 =	sadd.s32 $0x6220, s13  }
0x89: {  	[spmem:s2] =	stream.indirect.scatter.add.f32 [tilespmem:s15], [sflag:$0x2], $0x40, s16, s1, $0xb8;
	[tilespmem:$0x1FC20] =	vst v63  }
0x8a: {  	_ = 	snop  }
0x8b: {  	[spmem:s3] =	stream.indirect.scatter.add.f32 [tilespmem:s31], [sflag:$0x3], $0x10, s16, s1, $0xb8;
	[tilespmem:$0x1FC20] =	vst v63  }
0x8c: {  	s15 =	sadd.s32 $0x7620, s13;
	s16 =	sadd.s32 $0x27B0, s11  }
0x8d: {  	[spmem:s2] =	stream.indirect.scatter.add.f32 [tilespmem:s15], [sflag:$0x2], $0x40, s16, s1, $0xb8;
	[tilespmem:$0x1FC20] =	vst v63  }
0x8e: {  	_ = 	snop  }
0x8f: {  	[spmem:s3] =	stream.indirect.scatter.add.f32 [tilespmem:s31], [sflag:$0x3], $0x10, s16, s1, $0xb8;
	[tilespmem:$0x1FC20] =	vst v63  }
0x90: {  	s15 =	sor.u32 $0x8A20, s13;
	s16 =	sadd.s32 $0x2800, s11  }
0x91: {  	[spmem:s2] =	stream.indirect.scatter.add.f32 [tilespmem:s15], [sflag:$0x2], $0x40, s16, s1, $0xb8;
	[tilespmem:$0x1FC20] =	vst v63  }
0x92: {  	p0 =	slt.u32 s12, $0x19  }
0x93: {  	[spmem:s3] =	stream.indirect.scatter.add.f32 [tilespmem:s31], [sflag:$0x3], $0x10, s16, s1, $0xb8;
	[tilespmem:$0x1FC20] =	vst v63  }
.Ltmp2:
0x94: {  	s13 =	sadd.s32 $0x9E20, s13;
	s11 =	sadd.s32 $0x2850, s11;
	(pc) =	sbr.rel @!p0 .LBB2_7-.Ltmp2, $4  }
0x95: {  	[spmem:s2] =	stream.indirect.scatter.add.f32 [tilespmem:s13], [sflag:$0x2], $0x40, s11, s1, $0xb8;
	[tilespmem:$0x1FC20] =	vst v63  }
0x96: {  	_ = 	snop  }
0x97: {  	[spmem:s3] =	stream.indirect.scatter.add.f32 [tilespmem:s31], [sflag:$0x3], $0x10, s11, s1, $0xb8;
	[tilespmem:$0x1FC20] =	vst v63  }
0x98: {  	s11 =	smov.u32 s12  }
.LBB2_4:
0x99: {  	_ =	swait.ge [sflag:s0], $0x1400  }
0x9a: {  	[sflag:s0] =	ssyncset.done $0x0  }
0x9b: {  	[sflag:s0] =	ssyncadd.s32 $0xFFFFEC00  }
0x9c: {  	_ =	swait.ge [sflag:s0], $0x1400  }
0x9d: {  	[sflag:s0] =	ssyncset.done $0x0  }
0x9e: {  	[sflag:s0] =	ssyncadd.s32 $0xFFFFEC00  }
0x9f: {  	_ =	swait.ge [sflag:s0], $0x1400  }
0xa0: {  	[sflag:s0] =	ssyncset.done $0x0  }
0xa1: {  	[sflag:s0] =	ssyncadd.s32 $0xFFFFEC00  }
0xa2: {  	_ =	swait.ge [sflag:s0], $0x1400  }
0xa3: {  	[sflag:s0] =	ssyncset.done $0x0  }
0xa4: {  	[sflag:s0] =	ssyncadd.s32 $0xFFFFEC00  }
0xa5: {  	_ =	swait.ge [sflag:s0], $0x1400  }
0xa6: {  	p0 =	seq.s32 s11, $0x0;
	[sflag:s0] =	ssyncset.done $0x0  }
0xa7: {  	s12 =	simm.s32 @!p0 $0x2;
	[sflag:s0] =	ssyncadd.s32 $0xFFFFEC00  }
0xa8: {  	_ =	swait.ge @!p0 [sflag:s12], $0x1400  }
0xa9: {  	[sflag:s12] =	ssyncset.done @!p0 $0x0  }
0xaa: {  	[sflag:s12] =	ssyncadd.s32 @!p0 $0xFFFFEC00  }
0xab: {  	_ =	swait.ge @!p0 [sflag:s12], $0x1400  }
0xac: {  	[sflag:s12] =	ssyncset.done @!p0 $0x0  }
0xad: {  	[sflag:s12] =	ssyncadd.s32 @!p0 $0xFFFFEC00  }
0xae: {  	_ =	swait.ge @!p0 [sflag:s12], $0x1400  }
0xaf: {  	[sflag:s12] =	ssyncset.done @!p0 $0x0  }
0xb0: {  	p1 =	seq.s32 @!p0 s11, $0x18;
	[sflag:s12] =	ssyncadd.s32 @!p0 $0xFFFFEC00  }
0xb1: {  	p1 =	por p0, !p1;
	_ =	swait.ge @!p0 [sflag:s12], $0x1400  }
.Ltmp3:
0xb2: {  	[sflag:s12] =	ssyncset.done @!p0 $0x0;
	(pc) =	sbr.rel @!p1 .LBB2_6-.Ltmp3, $4  }
0xb3: {  	[sflag:s12] =	ssyncadd.s32 @!p0 $0xFFFFEC00  }
0xb4: {  	_ =	swait.ge @!p0 [sflag:s12], $0x1400  }
0xb5: {  	[sflag:s12] =	ssyncset.done @!p0 $0x0  }
0xb6: {  	[sflag:s12] =	ssyncadd.s32 @!p0 $0xFFFFEC00;
	s12 =	simm.s32 @!p0 $0x19  }
0xb7: {  	s12 =	sadd.s32 @!p0 $0x1, s11  }
0xb8: {  	s12 =	simm.s32 @p0 $0x1  }
0xb9: {  	s13 =	sand.u32 $0x1, s12  }
0xba: {  	s14 =	smul.u32 $0x640, s12;
	p0 =	seq.s32 s13, $0x1;
	s13 =	simm.s32 $0x6400  }
0xbb: {  	s13 =	simm.s32 @!p0 $0x0  }
0xbc: {  	s14 =	sshra.s32 s14, $0x2;
	s15 =	sadd.s32 $0x4E20, s13  }
0xbd: {  	[tilespmem:s15], [sflag:$0x1] =	stream.indirect.gather [hbm4b:s5+s1], $0x40, s14, s1, $0xb8;
	[tilespmem:$0x1FC20] =	vst v63  }
0xbe: {  	s16 =	sadd.s32 $0x50, s14;
	s15 =	sadd.s32 $0x6220, s13  }
0xbf: {  	[tilespmem:s15], [sflag:$0x1] =	stream.indirect.gather [hbm4b:s5+s1], $0x40, s16, s1, $0xb8;
	[tilespmem:$0x1FC20] =	vst v63  }
0xc0: {  	s15 =	sadd.s32 $0x7620, s13;
	s16 =	sadd.s32 $0xA0, s14  }
0xc1: {  	[tilespmem:s15], [sflag:$0x1] =	stream.indirect.gather [hbm4b:s5+s1], $0x40, s16, s1, $0xb8;
	[tilespmem:$0x1FC20] =	vst v63  }
.Ltmp4:
0xc2: {  	_ = 	snop;
	(pc) =	sbr.rel .LBB2_6-.Ltmp4, $4  }
0xc3: {  	s15 =	sor.u32 $0x8A20, s13;
	s16 =	sadd.s32 $0xF0, s14  }
0xc4: {  	[tilespmem:s15], [sflag:$0x1] =	stream.indirect.gather [hbm4b:s5+s1], $0x40, s16, s1, $0xb8;
	[tilespmem:$0x1FC20] =	vst v63  }
0xc5: {  	s13 =	sadd.s32 $0x9E20, s13;
	s14 =	sadd.s32 $0x140, s14  }
0xc6: {  	[tilespmem:s13], [sflag:$0x1] =	stream.indirect.gather [hbm4b:s5+s1], $0x40, s14, s1, $0xb8;
	[tilespmem:$0x1FC20] =	vst v63  }
.LBB2_7:
0xc7: {  	_ =	swait.ge [sflag:s8], $0x1400  }
0xc8: {  	[sflag:s8] =	ssyncset.done $0x0  }
0xc9: {  	[sflag:s8] =	ssyncadd.s32 $0xFFFFEC00  }
0xca: {  	_ =	swait.ge [sflag:s8], $0x1400  }
0xcb: {  	[sflag:s8] =	ssyncset.done $0x0  }
0xcc: {  	[sflag:s8] =	ssyncadd.s32 $0xFFFFEC00  }
0xcd: {  	_ =	swait.ge [sflag:s8], $0x1400  }
0xce: {  	[sflag:s8] =	ssyncset.done $0x0  }
0xcf: {  	[sflag:s8] =	ssyncadd.s32 $0xFFFFEC00  }
0xd0: {  	_ =	swait.ge [sflag:s8], $0x1400  }
0xd1: {  	[sflag:s8] =	ssyncset.done $0x0  }
0xd2: {  	[sflag:s8] =	ssyncadd.s32 $0xFFFFEC00  }
0xd3: {  	_ =	swait.ge [sflag:s8], $0x1400  }
0xd4: {  	[sflag:s8] =	ssyncset.done $0x0  }
0xd5: {  	[sflag:s8] =	ssyncadd.s32 $0xFFFFEC00  }
0xd6: {  	_ =	swait.ge [sflag:s9], $0x500  }
0xd7: {  	s11 =	simm.s32 $0x7C;
	[sflag:s9] =	ssyncset.done $0x0  }
.LBB2_8:
0xd8: {  	p0 =	sne.s32 s11, $0x1;
	s11 =	sadd.s32 $0xFFFFFFFF, s11;
	[sflag:s9] =	ssyncadd.s32 $0xFFFFFB00  }
.Ltmp5:
0xd9: {  	(pc) =	sbr.rel @p0 .LBB2_8-.Ltmp5, $3  }
0xda: {  	_ =	sdelay $0x1  }
0xdb: {  	_ =	swait.ge [sflag:s9], $0x500  }
0xdc: {  	[sflag:s9] =	ssyncset.done $0x0  }
0xdd: {  	s11 =	stileid.u32  }
0xde: {  	[sflag:s9] =	ssyncadd.s32 $0xFFFFFB00;
	s12 =	sshrl.u32 s6, $0x3;
	s11 =	sshll.u32 s11, $0x6  }
0xdf: {  	s13 =	simm.s32 $0x8;
	[bflag:$0x0] =	sbarrier.arrive $0xFFFF;
	s11 =	sor.u32 $0x1C04, s11  }
0xe0: {  	[hbm:s24@s10], [sflag:s11] =	dma.strided [spmem:s12@s13], $0x1400, s0, $0x8   }
0xe1: {  	s4 =	sadd.s32 $0x1, s4;
	_ =	swait.ge [sflag:s29], $0x1400  }
0xe2: {  	p0 =	sne.s32 s4, s26;
	[sflag:s29] =	ssyncset.done $0x0  }
.Ltmp6:
0xe3: {  	s16 =	sshrl.u32 s7, $0x3;
	[sflag:s29] =	ssyncadd.s32 $0xFFFFEC00;
	(pc) =	sbr.rel @p0 .LBB2_1-.Ltmp6, $4  }
0xe4: {  	[hbm:s25@s10], [sflag:s11] =	dma.strided [spmem:s16@s8], $0x500, s0, $0x2   }
0xe5: {  	_ =	swait.ge [sflag:s29], $0x500  }
0xe6: {  	[sflag:s29] =	ssyncset.done $0x0  }
0xe7: {  	[sflag:s29] =	ssyncadd.s32 $0xFFFFFB00  }
0xe8: {  	_ =	sfence.sel $0x180000  }
0xe9: {  	[bflag:$0x0] =	sbarrier.arrive $0xFFFF  }
0xea: {  	_ =	strace $0x90000047  }
0xeb: {  	s0 =	stileid.u32;
	[bflag:$0x2] =	sbarrier.arrive $0xFFFF  }
0xec: {  	p0 =	sne.s32 s0, $0x0;
	s0 =	rddreg [dreg:$0x3]  }
0xed: {  	s0 =	sadd.s32 @!p0 $0x100000, s0  }
0xee: {  	[sflag:s0] =	ssyncadd.tile.s32 @!p0 $0x1;
	_ =	shalt  }
.Lfunc_end2:
_tile_overlayer_lowered:
.L_overlay_start_2:
0xef: {  	(tag) =	ssettag $0x2  }
0xf0: {  	s0 =	rddreg [dreg:$0x0];
	s2 =	stileid.u32  }
0xf1: {  	s1 =	rddreg [dreg:$0x1];
	p0 =	sne.s32 s2, $0x0  }
0xf2: {  	s3 =	rddreg [dreg:$0x2];
	[bflag:$0x3] =	sbarrier.arrive $0xFFFF;
	s2 =	simm.s32 @!p0 $0x1C04  }
0xf3: {  	[timem:s3], [sflag:s2] =	dma.local @!p0 [hbm:s0], s1  }
0xf4: {  	s0 =	simm.s32 @!p0 $0x4  }
0xf5: {  	_ =	swait.ge @!p0 [sflag:s0], s1  }
0xf6: {  	s1 =	ssub.s32 @!p0 $0x0, s1;
	[sflag:s0] =	ssyncset.done @!p0 $0x0  }
0xf7: {  	[sflag:s0] =	ssyncadd.s32 @!p0 s1  }
0xf8: {  	[bflag:$0x3] =	sbarrier.arrive $0xFFFF  }
0xf9: {  	_ =	shalt  }

</sc_bundles>
